<compile_context>
chip_gen: v7x
topology: tpu7x:2x2x1
jax: 0.10.2.dev20260603
libtpu: 0.0.44.dev20260713+nightly
codegen_flags: <defaults>
</compile_context>

<pallas_src>
import functools

import jax
import jax.numpy as jnp
from jax import lax
from jax.experimental import pallas as pl
from jax.experimental.pallas import tpu as pltpu
from jax.experimental.pallas import tpu_sc as plsc

_HIGH = lax.Precision.HIGHEST

_NC = 2
_NS = 16
_L = 16

_G = 512
_B = 80


def _chunk_geom(E):
    nblocks = E // (_NC * _NS * _B)
    ch = 25
    while nblocks % ch:
        ch -= 1
    return nblocks, ch, nblocks // ch



def _edge_emb_kernel(at_ref, We_ref, be_ref, emb_ref):
    emb_ref[...] = lax.dot_general(
        at_ref[...], We_ref[...], (((0,), (0,)), ((), ())),
        precision=_HIGH) + be_ref[...]


def _edge_emb(edge_attr_t, We, be):
    K, E = edge_attr_t.shape
    D = We.shape[1]
    BE = 6400
    nb = E // BE
    return pl.pallas_call(
        _edge_emb_kernel,
        grid=(nb,),
        in_specs=[
            pl.BlockSpec((K, BE), lambda i: (0, i)),
            pl.BlockSpec((K, D), lambda i: (0, 0)),
            pl.BlockSpec((1, D), lambda i: (0, 0)),
        ],
        out_specs=pl.BlockSpec((BE, D), lambda i: (i, 0)),
        out_shape=jax.ShapeDtypeStruct((E, D), jnp.float32),
    )(edge_attr_t, We, be.reshape(1, D))


def _mlp_kernel(d_use, pad_to, x_ref, agg_ref, Wa_ref, ba_ref, Wb_ref, bb_ref,
                out_ref):
    h0 = x_ref[...][:, :d_use] + (agg_ref[0] + agg_ref[1])[:, :d_use]
    t = jnp.maximum(lax.dot(h0, Wa_ref[...], precision=_HIGH) + ba_ref[...], 0.0)
    r = jnp.maximum(lax.dot(t, Wb_ref[...], precision=_HIGH) + bb_ref[...], 0.0)
    H = r.shape[1]
    if pad_to > H:
        r = jnp.concatenate(
            [r, jnp.zeros((r.shape[0], pad_to - H), jnp.float32)], axis=1)
    out_ref[...] = r


def _node_mlp(x, agg, Wa, ba, Wb, bb, d_use, pad_to):
    N, D = x.shape
    D_agg = agg.shape[2]
    H = Wa.shape[1]
    R = 1000
    nb = N // R
    return pl.pallas_call(
        functools.partial(_mlp_kernel, d_use, pad_to),
        grid=(nb,),
        in_specs=[
            pl.BlockSpec((R, D), lambda i: (i, 0)),
            pl.BlockSpec((2, R, D_agg), lambda i: (0, i, 0)),
            pl.BlockSpec((d_use, H), lambda i: (0, 0)),
            pl.BlockSpec((1, H), lambda i: (0, 0)),
            pl.BlockSpec((H, H), lambda i: (0, 0)),
            pl.BlockSpec((1, H), lambda i: (0, 0)),
        ],
        out_specs=pl.BlockSpec((R, pad_to), lambda i: (i, 0)),
        out_shape=jax.ShapeDtypeStruct((N, pad_to), jnp.float32),
    )(x, agg, Wa, ba.reshape(1, H), Wb, bb.reshape(1, H))


def _pool_fc_kernel(nb, batch_ref, h_ref, Wfc_ref, bfc_ref, out_ref, acc_ref):
    i = pl.program_id(0)

    @pl.when(i == 0)
    def _():
        acc_ref[...] = jnp.zeros_like(acc_ref)

    b = batch_ref[0]
    R = b.shape[1]
    onehot = (lax.broadcasted_iota(jnp.int32, (_G, R), 0) == b
              ).astype(jnp.float32)
    acc_ref[...] += lax.dot(onehot, h_ref[...], precision=_HIGH)

    @pl.when(i == nb - 1)
    def _():
        out_ref[...] = (lax.dot(acc_ref[...], Wfc_ref[...], precision=_HIGH)
                        + bfc_ref[...])


def _pool_fc(h, batch, Wfc, bfc):
    N, H = h.shape
    OUT = Wfc.shape[1]
    R = 1000
    nb = N // R
    batch3 = batch.reshape(nb, 1, R)
    return pl.pallas_call(
        functools.partial(_pool_fc_kernel, nb),
        grid=(nb,),
        in_specs=[
            pl.BlockSpec((1, 1, R), lambda i: (i, 0, 0)),
            pl.BlockSpec((R, H), lambda i: (i, 0)),
            pl.BlockSpec((H, OUT), lambda i: (0, 0)),
            pl.BlockSpec((1, OUT), lambda i: (0, 0)),
        ],
        out_specs=pl.BlockSpec((_G, OUT), lambda i: (0, 0)),
        out_shape=jax.ShapeDtypeStruct((_G, OUT), jnp.float32),
        scratch_shapes=[pltpu.VMEM((_G, H), jnp.float32)],
    )(batch3, h, Wfc, bfc.reshape(1, OUT))



def _make_segsum(N, E, D, D_emb):
    B = _B
    e_per_tile = E // (_NC * _NS)
    nblocks, CH, nch = _chunk_geom(E)
    NW = _NC * _NS
    rows_main = (N // (8 * _NS)) * 8
    tail = N - _NS * rows_main
    ZR = 104
    while rows_main % ZR:
        ZR -= 8
    nz = rows_main // ZR
    mesh = plsc.VectorSubcoreMesh(core_axis_name="c", subcore_axis_name="s")

    narrow = False
    A = D_emb if narrow else D
    scratch = [
        pltpu.VMEM((CH, B), jnp.int32),
        pltpu.VMEM((CH, B), jnp.int32),
        pltpu.VMEM((B, D), jnp.float32),
        pltpu.VMEM((B, D), jnp.float32),
        pltpu.VMEM((B, D_emb), jnp.float32),
        pltpu.VMEM((B, D_emb), jnp.float32),
    ]
    if narrow:
        scratch.append(pltpu.VMEM((B, D_emb), jnp.float32))
    scratch += [
        pltpu.VMEM_SHARED((N, A), jnp.float32),
        pltpu.SemaphoreType.DMA,
        pltpu.SemaphoreType.DMA,
        pltpu.SemaphoreType.DMA,
        pltpu.SemaphoreType.DMA,
    ]

    @functools.partial(
        pl.kernel,
        out_type=jax.ShapeDtypeStruct((_NC, N, A), jnp.float32),
        mesh=mesh,
        scratch_types=scratch,
    )
    def segsum(x_hbm, emb_hbm, src_hbm, dst_hbm, out_hbm,
               src_v, dst_v, xg0, xg1, em0, em1, *rest):
        if narrow:
            msg, acc_sh, g0, g1, e0, e1 = rest
        else:
            acc_sh, g0, g1, e0, e1 = rest
        cid = lax.axis_index("c")
        sid = lax.axis_index("s")
        wid = cid * _NS + sid
        xg = (xg0, xg1)
        em = (em0, em1)
        gsem = (g0, g1)
        esem = (e0, e1)
        zsrc = msg if narrow else xg0

        @pl.loop(0, B)
        def _(r):
            for c in range(A // _L):
                zsrc[r, pl.ds(c * _L, _L)] = jnp.zeros((_L,), jnp.float32)

        nz, rem = rows_main // B, rows_main % B
        for j in range(nz):
            pltpu.sync_copy(
                zsrc, acc_sh.at[pl.ds(sid * rows_main + j * B, B)])
        if rem:
            pltpu.sync_copy(zsrc.at[pl.ds(0, rem)],
                            acc_sh.at[pl.ds(sid * rows_main + nz * B, rem)])
        if tail:
            @pl.when(sid == _NS - 1)
            def _():
                pltpu.sync_copy(zsrc.at[pl.ds(0, tail)],
                                acc_sh.at[pl.ds(_NS * rows_main, tail)])
        plsc.subcore_barrier()

        base_e = wid * e_per_tile

        def issue(k, j, b):
            pltpu.async_copy(x_hbm.at[src_v.at[j]], xg[b], gsem[b])
            pltpu.async_copy(
                emb_hbm.at[pl.ds(base_e + (k * CH + j) * B, B)],
                em[b], esem[b])

        def wait_in(k, j, b):
            pltpu.make_async_copy(x_hbm.at[src_v.at[j]], xg[b], gsem[b]).wait()
            pltpu.make_async_copy(
                emb_hbm.at[pl.ds(base_e + (k * CH + j) * B, B)],
                em[b], esem[b]).wait()

        def compute(b):
            xv, ev = xg[b], em[b]
            dst_buf = msg if narrow else xv

            @pl.loop(0, B)
            def _(r):
                for c in range(D_emb // _L):
                    sl = pl.ds(c * _L, _L)
                    dst_buf[r, sl] = jnp.maximum(xv[r, sl] + ev[r, sl], 0.0)

        def step(k, j, b, lookahead):
            if lookahead:
                issue(k, j + 1, 1 - b)
            wait_in(k, j, b)
            compute(b)
            pltpu.sync_copy(msg if narrow else xg[b],
                            acc_sh.at[dst_v.at[j]], add=True)

        @pl.loop(0, nch)
        def _(k):
            pltpu.sync_copy(src_hbm.at[wid, k], src_v)
            pltpu.sync_copy(dst_hbm.at[wid, k], dst_v)
            issue(k, 0, 0)

            npairs = CH // 2 if CH % 2 else CH // 2 - 1

            @pl.loop(0, npairs)
            def _(p):
                step(k, 2 * p, 0, lookahead=True)
                step(k, 2 * p + 1, 1, lookahead=True)
            if CH % 2:
                step(k, CH - 1, 0, lookahead=False)
            else:
                step(k, CH - 2, 0, lookahead=True)
                step(k, CH - 1, 1, lookahead=False)

        plsc.subcore_barrier()
        pltpu.sync_copy(
            acc_sh.at[pl.ds(sid * rows_main, rows_main)],
            out_hbm.at[cid, pl.ds(sid * rows_main, rows_main)])
        if tail:
            @pl.when(sid == _NS - 1)
            def _():
                pltpu.sync_copy(
                    acc_sh.at[pl.ds(_NS * rows_main, tail)],
                    out_hbm.at[cid, pl.ds(_NS * rows_main, tail)])

    return segsum



def kernel(x, edge_index, edge_attr, batch, We1, be1, W1a, b1a, W1b, b1b,
           We2, be2, W2a, b2a, W2b, b2b, Wfc, bfc):
    N, D1 = x.shape
    E = edge_attr.shape[0]
    H = W1a.shape[1]
    NW = _NC * _NS
    nblocks, CH, nch = _chunk_geom(E)
    src = edge_index[0].reshape(NW, nch, CH, _B)
    dst = edge_index[1].reshape(NW, nch, CH, _B)

    at = edge_attr.T

    emb1 = _edge_emb(at, We1, be1)
    agg1 = _make_segsum(N, E, D1, D1)(x, emb1, src, dst)
    emb2 = _edge_emb(at, We2, be2)
    h = _node_mlp(x, agg1, W1a, b1a, W1b, b1b, d_use=D1, pad_to=D1)

    agg2 = _make_segsum(N, E, D1, H)(h, emb2, src, dst)
    h2 = _node_mlp(h, agg2, W2a, b2a, W2b, b2b, d_use=H, pad_to=H)

    return _pool_fc(h2, batch, Wfc, bfc)

# --- scband reference (transcript-rebuilt; emitter-appended) ---
"""Pipeline reference for scband-motif-encoder-43258910605922 (READ-ONLY COPY).

The authoritative reference and input builder live on the scoring server;
editing this copy changes nothing except your own understanding.
"""

import jax, jax.numpy as jnp
import numpy as np

N = 10000
E = 320000
NODE_DIM = 128
EDGE_DIM = 16
HID = 64
OUT = 128
G = 512


def setup_inputs(seed: int = 0) -> dict:
    key = jax.random.key(seed)
    ks = jax.random.split(key, 20)
    inp = {}
    inp['x'] = jax.random.normal(ks[0], (N, NODE_DIM), dtype=jnp.float32)
    inp['edge_index'] = jax.random.randint(ks[1], (2, E), 0, N)
    inp['edge_attr'] = jax.random.normal(ks[2], (E, EDGE_DIM), dtype=jnp.float32)
    inp['batch'] = jnp.sort(jax.random.randint(ks[3], (N,), 0, G))
    # conv1 edge linear: edge_dim -> node_dim
    inp['We1'] = jax.random.normal(ks[4], (EDGE_DIM, NODE_DIM), dtype=jnp.float32) * 0.1
    inp['be1'] = jnp.zeros((NODE_DIM,), dtype=jnp.float32)
    # conv1 nn: Linear(node_dim, hid), ReLU, Linear(hid, hid)
    inp['W1a'] = jax.random.normal(ks[5], (NODE_DIM, HID), dtype=jnp.float32) * 0.1
    inp['b1a'] = jnp.zeros((HID,), dtype=jnp.float32)
    inp['W1b'] = jax.random.normal(ks[6], (HID, HID), dtype=jnp.float32) * 0.1
    inp['b1b'] = jnp.zeros((HID,), dtype=jnp.float32)
    # conv2 edge linear: edge_dim -> hid
    inp['We2'] = jax.random.normal(ks[7], (EDGE_DIM, HID), dtype=jnp.float32) * 0.1
    inp['be2'] = jnp.zeros((HID,), dtype=jnp.float32)
    # conv2 nn: Linear(hid, hid), ReLU, Linear(hid, hid)
    inp['W2a'] = jax.random.normal(ks[8], (HID, HID), dtype=jnp.float32) * 0.1
    inp['b2a'] = jnp.zeros((HID,), dtype=jnp.float32)
    inp['W2b'] = jax.random.normal(ks[9], (HID, HID), dtype=jnp.float32) * 0.1
    inp['b2b'] = jnp.zeros((HID,), dtype=jnp.float32)
    # final fc: hid -> out
    inp['Wfc'] = jax.random.normal(ks[10], (HID, OUT), dtype=jnp.float32) * 0.1
    inp['bfc'] = jnp.zeros((OUT,), dtype=jnp.float32)
    return inp


def _gine_conv(x, edge_index, edge_attr, We, be, Wa, ba, Wb, bb):
    # GINEConv (eps=0): out = nn((1+eps)*x_i + sum_j ReLU(x_j + lin_edge(e_ji)))
    src = edge_index[0]
    dst = edge_index[1]
    edge_emb = edge_attr @ We + be
    msg = jax.nn.relu(x[src] + edge_emb)
    aggr = jax.ops.segment_sum(msg, dst, num_segments=x.shape[0])
    h = x + aggr
    h = jax.nn.relu(h @ Wa + ba) @ Wb + bb
    return h


def reference(x, edge_index, edge_attr, batch, We1, be1, W1a, b1a, W1b, b1b, We2, be2, W2a, b2a, W2b, b2b, Wfc, bfc):
    h = jax.nn.relu(_gine_conv(x, edge_index, edge_attr, We1, be1, W1a, b1a, W1b, b1b))
    h = jax.nn.relu(_gine_conv(h, edge_index, edge_attr, We2, be2, W2a, b2a, W2b, b2b))
    pooled = jax.ops.segment_sum(h, batch, num_segments=G)  # global_add_pool
    return pooled @ Wfc + bfc

if __name__ == "__main__":
    import jax
    _d = setup_inputs()
    print(jax.jit(kernel)(*tuple(_d.values())))

</pallas_src>

<mosaic_0001>
#map = affine_map<(d0, d1) -> (0, 0)>
#map1 = affine_map<(d0, d1) -> (0, 0, 0, 0)>
#map2 = affine_map<(d0, d1) -> (0, 0, 0)>
module attributes {stable_mosaic.version = 14 : i64} {
  func.func @segsum(%arg0: i32, %arg1: i32, %arg2: memref<10000x128xf32, #tpu.memory_space<hbm>>, %arg3: memref<320000x64xf32, #tpu.memory_space<hbm>>, %arg4: memref<32x5x25x80xi32, #tpu.memory_space<hbm>>, %arg5: memref<32x5x25x80xi32, #tpu.memory_space<hbm>>, %arg6: memref<2x10000x128xf32, #tpu.memory_space<hbm>>, %arg7: memref<25x80xi32, #tpu.memory_space<vmem>>, %arg8: memref<25x80xi32, #tpu.memory_space<vmem>>, %arg9: memref<80x128xf32, #tpu.memory_space<vmem>>, %arg10: memref<80x128xf32, #tpu.memory_space<vmem>>, %arg11: memref<80x64xf32, #tpu.memory_space<vmem>>, %arg12: memref<80x64xf32, #tpu.memory_space<vmem>>, %arg13: memref<10000x128xf32, #tpu.memory_space<vmem_shared>>, %arg14: memref<!tpu.dma_semaphore, #tpu.memory_space<semaphore_mem>>, %arg15: memref<!tpu.dma_semaphore, #tpu.memory_space<semaphore_mem>>, %arg16: memref<!tpu.dma_semaphore, #tpu.memory_space<semaphore_mem>>, %arg17: memref<!tpu.dma_semaphore, #tpu.memory_space<semaphore_mem>>) attributes {dimension_semantics = [#tpu.dimension_semantics<core_parallel>, #tpu.dimension_semantics<subcore_parallel>], iteration_bounds = array<i64: 2, 16>, scalar_prefetch = 0 : i64, scratch_operands = 11 : i64, tpu.core_type = #tpu.core_type<sc_vector_subcore>, window_params = [{transform_indices = #map}, {transform_indices = #map}, {transform_indices = #map1}, {transform_indices = #map1}, {transform_indices = #map2}]} {
    %mul3A = arith.constant 16 : i32
    %mul3A_0 = arith.muli %arg0, %mul3A : i32
    %add3A = arith.addi %mul3A_0, %arg1 : i32
    %scan3A = arith.constant 0 : i32
    %scan3A_1 = arith.constant 80 : i32
    %scan3A_2 = arith.addi %scan3A, %scan3A_1 : i32
    %scan3A_3 = arith.constant 1 : i32
    scf.for %scan3A_56 = %scan3A to %scan3A_2 step %scan3A_3  : i32 {
      %mul3A_57 = arith.constant 1 : i32
      %mul3A_58 = arith.muli %scan3A_56, %mul3A_57 : i32
      %add3A_59 = arith.constant 0 : i32
      %add3A_60 = arith.addi %add3A_59, %mul3A_58 : i32
      %broadcast_in_dim3A = arith.constant 0.000000e+00 : f32
      %broadcast_in_dim3A_61 = vector.broadcast %broadcast_in_dim3A : f32 to vector<16xf32>
      %swap3A = arith.index_cast %add3A_60 : i32 to index
      %swap3A_62 = arith.constant 0 : index
      %swap3A_63 = tpu.vector_load %arg9[%swap3A, %swap3A_62] {strides = array<i32>} : memref<80x128xf32, #tpu.memory_space<vmem>>, vector<1x16xf32>,
      %swap3A_64 = vector.shape_cast %swap3A_63 : vector<1x16xf32> to vector<16xf32>
      %swap3A_65 = vector.shape_cast %broadcast_in_dim3A_61 : vector<16xf32> to vector<1x16xf32>
      tpu.vector_store %arg9[%swap3A, %swap3A_62], %swap3A_65 {strides = array<i32>} : memref<80x128xf32, #tpu.memory_space<vmem>>, vector<1x16xf32>,
      %broadcast_in_dim3A_66 = arith.constant 0.000000e+00 : f32
      %broadcast_in_dim3A_67 = vector.broadcast %broadcast_in_dim3A_66 : f32 to vector<16xf32>
      %swap3A_68 = arith.index_cast %add3A_60 : i32 to index
      %swap3A_69 = arith.constant 16 : index
      %swap3A_70 = tpu.vector_load %arg9[%swap3A_68, %swap3A_69] {strides = array<i32>} : memref<80x128xf32, #tpu.memory_space<vmem>>, vector<1x16xf32>,
      %swap3A_71 = vector.shape_cast %swap3A_70 : vector<1x16xf32> to vector<16xf32>
      %swap3A_72 = vector.shape_cast %broadcast_in_dim3A_67 : vector<16xf32> to vector<1x16xf32>
      tpu.vector_store %arg9[%swap3A_68, %swap3A_69], %swap3A_72 {strides = array<i32>} : memref<80x128xf32, #tpu.memory_space<vmem>>, vector<1x16xf32>,
      %broadcast_in_dim3A_73 = arith.constant 0.000000e+00 : f32
      %broadcast_in_dim3A_74 = vector.broadcast %broadcast_in_dim3A_73 : f32 to vector<16xf32>
      %swap3A_75 = arith.index_cast %add3A_60 : i32 to index
      %swap3A_76 = arith.constant 32 : index
      %swap3A_77 = tpu.vector_load %arg9[%swap3A_75, %swap3A_76] {strides = array<i32>} : memref<80x128xf32, #tpu.memory_space<vmem>>, vector<1x16xf32>,
      %swap3A_78 = vector.shape_cast %swap3A_77 : vector<1x16xf32> to vector<16xf32>
      %swap3A_79 = vector.shape_cast %broadcast_in_dim3A_74 : vector<16xf32> to vector<1x16xf32>
      tpu.vector_store %arg9[%swap3A_75, %swap3A_76], %swap3A_79 {strides = array<i32>} : memref<80x128xf32, #tpu.memory_space<vmem>>, vector<1x16xf32>,
      %broadcast_in_dim3A_80 = arith.constant 0.000000e+00 : f32
      %broadcast_in_dim3A_81 = vector.broadcast %broadcast_in_dim3A_80 : f32 to vector<16xf32>
      %swap3A_82 = arith.index_cast %add3A_60 : i32 to index
      %swap3A_83 = arith.constant 48 : index
      %swap3A_84 = tpu.vector_load %arg9[%swap3A_82, %swap3A_83] {strides = array<i32>} : memref<80x128xf32, #tpu.memory_space<vmem>>, vector<1x16xf32>,
      %swap3A_85 = vector.shape_cast %swap3A_84 : vector<1x16xf32> to vector<16xf32>
      %swap3A_86 = vector.shape_cast %broadcast_in_dim3A_81 : vector<16xf32> to vector<1x16xf32>
      tpu.vector_store %arg9[%swap3A_82, %swap3A_83], %swap3A_86 {strides = array<i32>} : memref<80x128xf32, #tpu.memory_space<vmem>>, vector<1x16xf32>,
      %broadcast_in_dim3A_87 = arith.constant 0.000000e+00 : f32
      %broadcast_in_dim3A_88 = vector.broadcast %broadcast_in_dim3A_87 : f32 to vector<16xf32>
      %swap3A_89 = arith.index_cast %add3A_60 : i32 to index
      %swap3A_90 = arith.constant 64 : index
      %swap3A_91 = tpu.vector_load %arg9[%swap3A_89, %swap3A_90] {strides = array<i32>} : memref<80x128xf32, #tpu.memory_space<vmem>>, vector<1x16xf32>,
      %swap3A_92 = vector.shape_cast %swap3A_91 : vector<1x16xf32> to vector<16xf32>
      %swap3A_93 = vector.shape_cast %broadcast_in_dim3A_88 : vector<16xf32> to vector<1x16xf32>
      tpu.vector_store %arg9[%swap3A_89, %swap3A_90], %swap3A_93 {strides = array<i32>} : memref<80x128xf32, #tpu.memory_space<vmem>>, vector<1x16xf32>,
      %broadcast_in_dim3A_94 = arith.constant 0.000000e+00 : f32
      %broadcast_in_dim3A_95 = vector.broadcast %broadcast_in_dim3A_94 : f32 to vector<16xf32>
      %swap3A_96 = arith.index_cast %add3A_60 : i32 to index
      %swap3A_97 = arith.constant 80 : index
      %swap3A_98 = tpu.vector_load %arg9[%swap3A_96, %swap3A_97] {strides = array<i32>} : memref<80x128xf32, #tpu.memory_space<vmem>>, vector<1x16xf32>,
      %swap3A_99 = vector.shape_cast %swap3A_98 : vector<1x16xf32> to vector<16xf32>
      %swap3A_100 = vector.shape_cast %broadcast_in_dim3A_95 : vector<16xf32> to vector<1x16xf32>
      tpu.vector_store %arg9[%swap3A_96, %swap3A_97], %swap3A_100 {strides = array<i32>} : memref<80x128xf32, #tpu.memory_space<vmem>>, vector<1x16xf32>,
      %broadcast_in_dim3A_101 = arith.constant 0.000000e+00 : f32
      %broadcast_in_dim3A_102 = vector.broadcast %broadcast_in_dim3A_101 : f32 to vector<16xf32>
      %swap3A_103 = arith.index_cast %add3A_60 : i32 to index
      %swap3A_104 = arith.constant 96 : index
      %swap3A_105 = tpu.vector_load %arg9[%swap3A_103, %swap3A_104] {strides = array<i32>} : memref<80x128xf32, #tpu.memory_space<vmem>>, vector<1x16xf32>,
      %swap3A_106 = vector.shape_cast %swap3A_105 : vector<1x16xf32> to vector<16xf32>
      %swap3A_107 = vector.shape_cast %broadcast_in_dim3A_102 : vector<16xf32> to vector<1x16xf32>
      tpu.vector_store %arg9[%swap3A_103, %swap3A_104], %swap3A_107 {strides = array<i32>} : memref<80x128xf32, #tpu.memory_space<vmem>>, vector<1x16xf32>,
      %broadcast_in_dim3A_108 = arith.constant 0.000000e+00 : f32
      %broadcast_in_dim3A_109 = vector.broadcast %broadcast_in_dim3A_108 : f32 to vector<16xf32>
      %swap3A_110 = arith.index_cast %add3A_60 : i32 to index
      %swap3A_111 = arith.constant 112 : index
      %swap3A_112 = tpu.vector_load %arg9[%swap3A_110, %swap3A_111] {strides = array<i32>} : memref<80x128xf32, #tpu.memory_space<vmem>>, vector<1x16xf32>,
      %swap3A_113 = vector.shape_cast %swap3A_112 : vector<1x16xf32> to vector<16xf32>
      %swap3A_114 = vector.shape_cast %broadcast_in_dim3A_109 : vector<16xf32> to vector<1x16xf32>
      tpu.vector_store %arg9[%swap3A_110, %swap3A_111], %swap3A_114 {strides = array<i32>} : memref<80x128xf32, #tpu.memory_space<vmem>>, vector<1x16xf32>,
    }
    %scan3A_4 = arith.constant 80 : i32
    %mul3A_5 = arith.constant 624 : i32
    %mul3A_6 = arith.muli %arg1, %mul3A_5 : i32
    %add3A_7 = arith.constant 0 : i32
    %add3A_8 = arith.addi %mul3A_6, %add3A_7 : i32
    "tpu.region"() ({
      %run_scoped3A = tpu.sem_alloc : memref<!tpu.dma_semaphore, #tpu.memory_space<semaphore_mem>>
      %dma_start3A = arith.constant 0 : i32
      %dma_start3A_56 = tpu.memref_slice %arg13[%add3A_8, %dma_start3A] : memref<10000x128xf32, #tpu.memory_space<vmem_shared>> -> memref<80x128xf32, #tpu.memory_space<vmem_shared>>
      %dma_start3A_57 = arith.constant 0 : i32
      %dma_start3A_58 = tpu.memref_slice %arg13[%add3A_8, %dma_start3A_57] : memref<10000x128xf32, #tpu.memory_space<vmem_shared>> -> memref<80x128xf32, #tpu.memory_space<vmem_shared>>
      tpu.enqueue_dma source(%arg9 : memref<80x128xf32, #tpu.memory_space<vmem>>) target(%dma_start3A_58 : memref<80x128xf32, #tpu.memory_space<vmem_shared>>) target_semaphore(%run_scoped3A : memref<!tpu.dma_semaphore, #tpu.memory_space<semaphore_mem>>)
      %dma_wait3A = arith.constant 0 : i32
      %dma_wait3A_59 = tpu.memref_slice %arg13[%add3A_8, %dma_wait3A] : memref<10000x128xf32, #tpu.memory_space<vmem_shared>> -> memref<80x128xf32, #tpu.memory_space<vmem_shared>>
      %dma_wait3A_60 = arith.constant 0 : i32
      %dma_wait3A_61 = tpu.memref_slice %arg13[%add3A_8, %dma_wait3A_60] : memref<10000x128xf32, #tpu.memory_space<vmem_shared>> -> memref<80x128xf32, #tpu.memory_space<vmem_shared>>
      tpu.wait_dma2 semaphore(%run_scoped3A : memref<!tpu.dma_semaphore, #tpu.memory_space<semaphore_mem>>) src(%arg9 : memref<80x128xf32, #tpu.memory_space<vmem>>) dst(%dma_wait3A_61 : memref<80x128xf32, #tpu.memory_space<vmem_shared>>)
      tpu.yield
    }) : () -> ()
    %mul3A_9 = arith.constant 624 : i32
    %mul3A_10 = arith.muli %arg1, %mul3A_9 : i32
    %add3A_11 = arith.constant 80 : i32
    %add3A_12 = arith.addi %mul3A_10, %add3A_11 : i32
    "tpu.region"() ({
      %run_scoped3A = tpu.sem_alloc : memref<!tpu.dma_semaphore, #tpu.memory_space<semaphore_mem>>
      %dma_start3A = arith.constant 0 : i32
      %dma_start3A_56 = tpu.memref_slice %arg13[%add3A_12, %dma_start3A] : memref<10000x128xf32, #tpu.memory_space<vmem_shared>> -> memref<80x128xf32, #tpu.memory_space<vmem_shared>>
      %dma_start3A_57 = arith.constant 0 : i32
      %dma_start3A_58 = tpu.memref_slice %arg13[%add3A_12, %dma_start3A_57] : memref<10000x128xf32, #tpu.memory_space<vmem_shared>> -> memref<80x128xf32, #tpu.memory_space<vmem_shared>>
      tpu.enqueue_dma source(%arg9 : memref<80x128xf32, #tpu.memory_space<vmem>>) target(%dma_start3A_58 : memref<80x128xf32, #tpu.memory_space<vmem_shared>>) target_semaphore(%run_scoped3A : memref<!tpu.dma_semaphore, #tpu.memory_space<semaphore_mem>>)
      %dma_wait3A = arith.constant 0 : i32
      %dma_wait3A_59 = tpu.memref_slice %arg13[%add3A_12, %dma_wait3A] : memref<10000x128xf32, #tpu.memory_space<vmem_shared>> -> memref<80x128xf32, #tpu.memory_space<vmem_shared>>
      %dma_wait3A_60 = arith.constant 0 : i32
      %dma_wait3A_61 = tpu.memref_slice %arg13[%add3A_12, %dma_wait3A_60] : memref<10000x128xf32, #tpu.memory_space<vmem_shared>> -> memref<80x128xf32, #tpu.memory_space<vmem_shared>>
      tpu.wait_dma2 semaphore(%run_scoped3A : memref<!tpu.dma_semaphore, #tpu.memory_space<semaphore_mem>>) src(%arg9 : memref<80x128xf32, #tpu.memory_space<vmem>>) dst(%dma_wait3A_61 : memref<80x128xf32, #tpu.memory_space<vmem_shared>>)
      tpu.yield
    }) : () -> ()
    %mul3A_13 = arith.constant 624 : i32
    %mul3A_14 = arith.muli %arg1, %mul3A_13 : i32
    %add3A_15 = arith.constant 160 : i32
    %add3A_16 = arith.addi %mul3A_14, %add3A_15 : i32
    "tpu.region"() ({
      %run_scoped3A = tpu.sem_alloc : memref<!tpu.dma_semaphore, #tpu.memory_space<semaphore_mem>>
      %dma_start3A = arith.constant 0 : i32
      %dma_start3A_56 = tpu.memref_slice %arg13[%add3A_16, %dma_start3A] : memref<10000x128xf32, #tpu.memory_space<vmem_shared>> -> memref<80x128xf32, #tpu.memory_space<vmem_shared>>
      %dma_start3A_57 = arith.constant 0 : i32
      %dma_start3A_58 = tpu.memref_slice %arg13[%add3A_16, %dma_start3A_57] : memref<10000x128xf32, #tpu.memory_space<vmem_shared>> -> memref<80x128xf32, #tpu.memory_space<vmem_shared>>
      tpu.enqueue_dma source(%arg9 : memref<80x128xf32, #tpu.memory_space<vmem>>) target(%dma_start3A_58 : memref<80x128xf32, #tpu.memory_space<vmem_shared>>) target_semaphore(%run_scoped3A : memref<!tpu.dma_semaphore, #tpu.memory_space<semaphore_mem>>)
      %dma_wait3A = arith.constant 0 : i32
      %dma_wait3A_59 = tpu.memref_slice %arg13[%add3A_16, %dma_wait3A] : memref<10000x128xf32, #tpu.memory_space<vmem_shared>> -> memref<80x128xf32, #tpu.memory_space<vmem_shared>>
      %dma_wait3A_60 = arith.constant 0 : i32
      %dma_wait3A_61 = tpu.memref_slice %arg13[%add3A_16, %dma_wait3A_60] : memref<10000x128xf32, #tpu.memory_space<vmem_shared>> -> memref<80x128xf32, #tpu.memory_space<vmem_shared>>
      tpu.wait_dma2 semaphore(%run_scoped3A : memref<!tpu.dma_semaphore, #tpu.memory_space<semaphore_mem>>) src(%arg9 : memref<80x128xf32, #tpu.memory_space<vmem>>) dst(%dma_wait3A_61 : memref<80x128xf32, #tpu.memory_space<vmem_shared>>)
      tpu.yield
    }) : () -> ()
    %mul3A_17 = arith.constant 624 : i32
    %mul3A_18 = arith.muli %arg1, %mul3A_17 : i32
    %add3A_19 = arith.constant 240 : i32
    %add3A_20 = arith.addi %mul3A_18, %add3A_19 : i32
    "tpu.region"() ({
      %run_scoped3A = tpu.sem_alloc : memref<!tpu.dma_semaphore, #tpu.memory_space<semaphore_mem>>
      %dma_start3A = arith.constant 0 : i32
      %dma_start3A_56 = tpu.memref_slice %arg13[%add3A_20, %dma_start3A] : memref<10000x128xf32, #tpu.memory_space<vmem_shared>> -> memref<80x128xf32, #tpu.memory_space<vmem_shared>>
      %dma_start3A_57 = arith.constant 0 : i32
      %dma_start3A_58 = tpu.memref_slice %arg13[%add3A_20, %dma_start3A_57] : memref<10000x128xf32, #tpu.memory_space<vmem_shared>> -> memref<80x128xf32, #tpu.memory_space<vmem_shared>>
      tpu.enqueue_dma source(%arg9 : memref<80x128xf32, #tpu.memory_space<vmem>>) target(%dma_start3A_58 : memref<80x128xf32, #tpu.memory_space<vmem_shared>>) target_semaphore(%run_scoped3A : memref<!tpu.dma_semaphore, #tpu.memory_space<semaphore_mem>>)
      %dma_wait3A = arith.constant 0 : i32
      %dma_wait3A_59 = tpu.memref_slice %arg13[%add3A_20, %dma_wait3A] : memref<10000x128xf32, #tpu.memory_space<vmem_shared>> -> memref<80x128xf32, #tpu.memory_space<vmem_shared>>
      %dma_wait3A_60 = arith.constant 0 : i32
      %dma_wait3A_61 = tpu.memref_slice %arg13[%add3A_20, %dma_wait3A_60] : memref<10000x128xf32, #tpu.memory_space<vmem_shared>> -> memref<80x128xf32, #tpu.memory_space<vmem_shared>>
      tpu.wait_dma2 semaphore(%run_scoped3A : memref<!tpu.dma_semaphore, #tpu.memory_space<semaphore_mem>>) src(%arg9 : memref<80x128xf32, #tpu.memory_space<vmem>>) dst(%dma_wait3A_61 : memref<80x128xf32, #tpu.memory_space<vmem_shared>>)
      tpu.yield
    }) : () -> ()
    %mul3A_21 = arith.constant 624 : i32
    %mul3A_22 = arith.muli %arg1, %mul3A_21 : i32
    %add3A_23 = arith.constant 320 : i32
    %add3A_24 = arith.addi %mul3A_22, %add3A_23 : i32
    "tpu.region"() ({
      %run_scoped3A = tpu.sem_alloc : memref<!tpu.dma_semaphore, #tpu.memory_space<semaphore_mem>>
      %dma_start3A = arith.constant 0 : i32
      %dma_start3A_56 = tpu.memref_slice %arg13[%add3A_24, %dma_start3A] : memref<10000x128xf32, #tpu.memory_space<vmem_shared>> -> memref<80x128xf32, #tpu.memory_space<vmem_shared>>
      %dma_start3A_57 = arith.constant 0 : i32
      %dma_start3A_58 = tpu.memref_slice %arg13[%add3A_24, %dma_start3A_57] : memref<10000x128xf32, #tpu.memory_space<vmem_shared>> -> memref<80x128xf32, #tpu.memory_space<vmem_shared>>
      tpu.enqueue_dma source(%arg9 : memref<80x128xf32, #tpu.memory_space<vmem>>) target(%dma_start3A_58 : memref<80x128xf32, #tpu.memory_space<vmem_shared>>) target_semaphore(%run_scoped3A : memref<!tpu.dma_semaphore, #tpu.memory_space<semaphore_mem>>)
      %dma_wait3A = arith.constant 0 : i32
      %dma_wait3A_59 = tpu.memref_slice %arg13[%add3A_24, %dma_wait3A] : memref<10000x128xf32, #tpu.memory_space<vmem_shared>> -> memref<80x128xf32, #tpu.memory_space<vmem_shared>>
      %dma_wait3A_60 = arith.constant 0 : i32
      %dma_wait3A_61 = tpu.memref_slice %arg13[%add3A_24, %dma_wait3A_60] : memref<10000x128xf32, #tpu.memory_space<vmem_shared>> -> memref<80x128xf32, #tpu.memory_space<vmem_shared>>
      tpu.wait_dma2 semaphore(%run_scoped3A : memref<!tpu.dma_semaphore, #tpu.memory_space<semaphore_mem>>) src(%arg9 : memref<80x128xf32, #tpu.memory_space<vmem>>) dst(%dma_wait3A_61 : memref<80x128xf32, #tpu.memory_space<vmem_shared>>)
      tpu.yield
    }) : () -> ()
    %mul3A_25 = arith.constant 624 : i32
    %mul3A_26 = arith.muli %arg1, %mul3A_25 : i32
    %add3A_27 = arith.constant 400 : i32
    %add3A_28 = arith.addi %mul3A_26, %add3A_27 : i32
    "tpu.region"() ({
      %run_scoped3A = tpu.sem_alloc : memref<!tpu.dma_semaphore, #tpu.memory_space<semaphore_mem>>
      %dma_start3A = arith.constant 0 : i32
      %dma_start3A_56 = tpu.memref_slice %arg13[%add3A_28, %dma_start3A] : memref<10000x128xf32, #tpu.memory_space<vmem_shared>> -> memref<80x128xf32, #tpu.memory_space<vmem_shared>>
      %dma_start3A_57 = arith.constant 0 : i32
      %dma_start3A_58 = tpu.memref_slice %arg13[%add3A_28, %dma_start3A_57] : memref<10000x128xf32, #tpu.memory_space<vmem_shared>> -> memref<80x128xf32, #tpu.memory_space<vmem_shared>>
      tpu.enqueue_dma source(%arg9 : memref<80x128xf32, #tpu.memory_space<vmem>>) target(%dma_start3A_58 : memref<80x128xf32, #tpu.memory_space<vmem_shared>>) target_semaphore(%run_scoped3A : memref<!tpu.dma_semaphore, #tpu.memory_space<semaphore_mem>>)
      %dma_wait3A = arith.constant 0 : i32
      %dma_wait3A_59 = tpu.memref_slice %arg13[%add3A_28, %dma_wait3A] : memref<10000x128xf32, #tpu.memory_space<vmem_shared>> -> memref<80x128xf32, #tpu.memory_space<vmem_shared>>
      %dma_wait3A_60 = arith.constant 0 : i32
      %dma_wait3A_61 = tpu.memref_slice %arg13[%add3A_28, %dma_wait3A_60] : memref<10000x128xf32, #tpu.memory_space<vmem_shared>> -> memref<80x128xf32, #tpu.memory_space<vmem_shared>>
      tpu.wait_dma2 semaphore(%run_scoped3A : memref<!tpu.dma_semaphore, #tpu.memory_space<semaphore_mem>>) src(%arg9 : memref<80x128xf32, #tpu.memory_space<vmem>>) dst(%dma_wait3A_61 : memref<80x128xf32, #tpu.memory_space<vmem_shared>>)
      tpu.yield
    }) : () -> ()
    %mul3A_29 = arith.constant 624 : i32
    %mul3A_30 = arith.muli %arg1, %mul3A_29 : i32
    %add3A_31 = arith.constant 480 : i32
    %add3A_32 = arith.addi %mul3A_30, %add3A_31 : i32
    "tpu.region"() ({
      %run_scoped3A = tpu.sem_alloc : memref<!tpu.dma_semaphore, #tpu.memory_space<semaphore_mem>>
      %dma_start3A = arith.constant 0 : i32
      %dma_start3A_56 = tpu.memref_slice %arg13[%add3A_32, %dma_start3A] : memref<10000x128xf32, #tpu.memory_space<vmem_shared>> -> memref<80x128xf32, #tpu.memory_space<vmem_shared>>
      %dma_start3A_57 = arith.constant 0 : i32
      %dma_start3A_58 = tpu.memref_slice %arg13[%add3A_32, %dma_start3A_57] : memref<10000x128xf32, #tpu.memory_space<vmem_shared>> -> memref<80x128xf32, #tpu.memory_space<vmem_shared>>
      tpu.enqueue_dma source(%arg9 : memref<80x128xf32, #tpu.memory_space<vmem>>) target(%dma_start3A_58 : memref<80x128xf32, #tpu.memory_space<vmem_shared>>) target_semaphore(%run_scoped3A : memref<!tpu.dma_semaphore, #tpu.memory_space<semaphore_mem>>)
      %dma_wait3A = arith.constant 0 : i32
      %dma_wait3A_59 = tpu.memref_slice %arg13[%add3A_32, %dma_wait3A] : memref<10000x128xf32, #tpu.memory_space<vmem_shared>> -> memref<80x128xf32, #tpu.memory_space<vmem_shared>>
      %dma_wait3A_60 = arith.constant 0 : i32
      %dma_wait3A_61 = tpu.memref_slice %arg13[%add3A_32, %dma_wait3A_60] : memref<10000x128xf32, #tpu.memory_space<vmem_shared>> -> memref<80x128xf32, #tpu.memory_space<vmem_shared>>
      tpu.wait_dma2 semaphore(%run_scoped3A : memref<!tpu.dma_semaphore, #tpu.memory_space<semaphore_mem>>) src(%arg9 : memref<80x128xf32, #tpu.memory_space<vmem>>) dst(%dma_wait3A_61 : memref<80x128xf32, #tpu.memory_space<vmem_shared>>)
      tpu.yield
    }) : () -> ()
    %mul3A_33 = arith.constant 624 : i32
    %mul3A_34 = arith.muli %arg1, %mul3A_33 : i32
    %add3A_35 = arith.constant 560 : i32
    %add3A_36 = arith.addi %mul3A_34, %add3A_35 : i32
    "tpu.region"() ({
      %run_scoped3A = tpu.sem_alloc : memref<!tpu.dma_semaphore, #tpu.memory_space<semaphore_mem>>
      %dma_start3A = arith.constant 0 : i32
      %dma_start3A_56 = arith.constant 0 : i32
      %dma_start3A_57 = tpu.memref_slice %arg9[%dma_start3A, %dma_start3A_56] : memref<80x128xf32, #tpu.memory_space<vmem>> -> memref<64x128xf32, #tpu.memory_space<vmem>>
      %dma_start3A_58 = arith.constant 0 : i32
      %dma_start3A_59 = tpu.memref_slice %arg13[%add3A_36, %dma_start3A_58] : memref<10000x128xf32, #tpu.memory_space<vmem_shared>> -> memref<64x128xf32, #tpu.memory_space<vmem_shared>>
      %dma_start3A_60 = arith.constant 0 : i32
      %dma_start3A_61 = tpu.memref_slice %arg13[%add3A_36, %dma_start3A_60] : memref<10000x128xf32, #tpu.memory_space<vmem_shared>> -> memref<64x128xf32, #tpu.memory_space<vmem_shared>>
      %dma_start3A_62 = arith.constant 0 : i32
      %dma_start3A_63 = arith.constant 0 : i32
      %dma_start3A_64 = tpu.memref_slice %arg9[%dma_start3A_62, %dma_start3A_63] : memref<80x128xf32, #tpu.memory_space<vmem>> -> memref<64x128xf32, #tpu.memory_space<vmem>>
      tpu.enqueue_dma source(%dma_start3A_64 : memref<64x128xf32, #tpu.memory_space<vmem>>) target(%dma_start3A_61 : memref<64x128xf32, #tpu.memory_space<vmem_shared>>) target_semaphore(%run_scoped3A : memref<!tpu.dma_semaphore, #tpu.memory_space<semaphore_mem>>)
      %dma_wait3A = arith.constant 0 : i32
      %dma_wait3A_65 = arith.constant 0 : i32
      %dma_wait3A_66 = tpu.memref_slice %arg9[%dma_wait3A, %dma_wait3A_65] : memref<80x128xf32, #tpu.memory_space<vmem>> -> memref<64x128xf32, #tpu.memory_space<vmem>>
      %dma_wait3A_67 = arith.constant 0 : i32
      %dma_wait3A_68 = tpu.memref_slice %arg13[%add3A_36, %dma_wait3A_67] : memref<10000x128xf32, #tpu.memory_space<vmem_shared>> -> memref<64x128xf32, #tpu.memory_space<vmem_shared>>
      %dma_wait3A_69 = arith.constant 0 : i32
      %dma_wait3A_70 = tpu.memref_slice %arg13[%add3A_36, %dma_wait3A_69] : memref<10000x128xf32, #tpu.memory_space<vmem_shared>> -> memref<64x128xf32, #tpu.memory_space<vmem_shared>>
      %dma_wait3A_71 = arith.constant 0 : i32
      %dma_wait3A_72 = arith.constant 0 : i32
      %dma_wait3A_73 = tpu.memref_slice %arg9[%dma_wait3A_71, %dma_wait3A_72] : memref<80x128xf32, #tpu.memory_space<vmem>> -> memref<64x128xf32, #tpu.memory_space<vmem>>
      tpu.wait_dma2 semaphore(%run_scoped3A : memref<!tpu.dma_semaphore, #tpu.memory_space<semaphore_mem>>) src(%dma_wait3A_73 : memref<64x128xf32, #tpu.memory_space<vmem>>) dst(%dma_wait3A_70 : memref<64x128xf32, #tpu.memory_space<vmem_shared>>)
      tpu.yield
    }) : () -> ()
    %eq3A = arith.constant 15 : i32
    %eq3A_37 = arith.cmpi eq, %arg1, %eq3A : i32
    %convert_element_type3A = arith.extui %eq3A_37 : i1 to i32
    %cond3A = arith.constant 0 : i32
    %cond3A_38 = arith.cmpi ne, %convert_element_type3A, %cond3A : i32
    scf.if %cond3A_38 {
      "tpu.region"() ({
        %run_scoped3A = tpu.sem_alloc : memref<!tpu.dma_semaphore, #tpu.memory_space<semaphore_mem>>
        %dma_start3A = arith.constant 0 : i32
        %dma_start3A_56 = arith.constant 0 : i32
        %dma_start3A_57 = tpu.memref_slice %arg9[%dma_start3A, %dma_start3A_56] : memref<80x128xf32, #tpu.memory_space<vmem>> -> memref<16x128xf32, #tpu.memory_space<vmem>>
        %dma_start3A_58 = arith.constant 9984 : i32
        %dma_start3A_59 = arith.constant 0 : i32
        %dma_start3A_60 = tpu.memref_slice %arg13[%dma_start3A_58, %dma_start3A_59] : memref<10000x128xf32, #tpu.memory_space<vmem_shared>> -> memref<16x128xf32, #tpu.memory_space<vmem_shared>>
        %dma_start3A_61 = arith.constant 9984 : i32
        %dma_start3A_62 = arith.constant 0 : i32
        %dma_start3A_63 = tpu.memref_slice %arg13[%dma_start3A_61, %dma_start3A_62] : memref<10000x128xf32, #tpu.memory_space<vmem_shared>> -> memref<16x128xf32, #tpu.memory_space<vmem_shared>>
        %dma_start3A_64 = arith.constant 0 : i32
        %dma_start3A_65 = arith.constant 0 : i32
        %dma_start3A_66 = tpu.memref_slice %arg9[%dma_start3A_64, %dma_start3A_65] : memref<80x128xf32, #tpu.memory_space<vmem>> -> memref<16x128xf32, #tpu.memory_space<vmem>>
        tpu.enqueue_dma source(%dma_start3A_66 : memref<16x128xf32, #tpu.memory_space<vmem>>) target(%dma_start3A_63 : memref<16x128xf32, #tpu.memory_space<vmem_shared>>) target_semaphore(%run_scoped3A : memref<!tpu.dma_semaphore, #tpu.memory_space<semaphore_mem>>)
        %dma_wait3A = arith.constant 0 : i32
        %dma_wait3A_67 = arith.constant 0 : i32
        %dma_wait3A_68 = tpu.memref_slice %arg9[%dma_wait3A, %dma_wait3A_67] : memref<80x128xf32, #tpu.memory_space<vmem>> -> memref<16x128xf32, #tpu.memory_space<vmem>>
        %dma_wait3A_69 = arith.constant 9984 : i32
        %dma_wait3A_70 = arith.constant 0 : i32
        %dma_wait3A_71 = tpu.memref_slice %arg13[%dma_wait3A_69, %dma_wait3A_70] : memref<10000x128xf32, #tpu.memory_space<vmem_shared>> -> memref<16x128xf32, #tpu.memory_space<vmem_shared>>
        %dma_wait3A_72 = arith.constant 9984 : i32
        %dma_wait3A_73 = arith.constant 0 : i32
        %dma_wait3A_74 = tpu.memref_slice %arg13[%dma_wait3A_72, %dma_wait3A_73] : memref<10000x128xf32, #tpu.memory_space<vmem_shared>> -> memref<16x128xf32, #tpu.memory_space<vmem_shared>>
        %dma_wait3A_75 = arith.constant 0 : i32
        %dma_wait3A_76 = arith.constant 0 : i32
        %dma_wait3A_77 = tpu.memref_slice %arg9[%dma_wait3A_75, %dma_wait3A_76] : memref<80x128xf32, #tpu.memory_space<vmem>> -> memref<16x128xf32, #tpu.memory_space<vmem>>
        tpu.wait_dma2 semaphore(%run_scoped3A : memref<!tpu.dma_semaphore, #tpu.memory_space<semaphore_mem>>) src(%dma_wait3A_77 : memref<16x128xf32, #tpu.memory_space<vmem>>) dst(%dma_wait3A_74 : memref<16x128xf32, #tpu.memory_space<vmem_shared>>)
        tpu.yield
      }) : () -> ()
    } else {
    }
    %barrier3A = arith.constant 0 : index
    tpu.barrier barrier_id(%barrier3A)
    %mul3A_39 = arith.constant 10000 : i32
    %mul3A_40 = arith.muli %add3A, %mul3A_39 : i32
    %scan3A_41 = arith.constant 0 : i32
    %scan3A_42 = arith.constant 5 : i32
    %scan3A_43 = arith.addi %scan3A_41, %scan3A_42 : i32
    %scan3A_44 = arith.constant 1 : i32
    scf.for %scan3A_56 = %scan3A_41 to %scan3A_43 step %scan3A_44  : i32 {
      %mul3A_57 = arith.constant 1 : i32
      %mul3A_58 = arith.muli %scan3A_56, %mul3A_57 : i32
      %add3A_59 = arith.constant 0 : i32
      %add3A_60 = arith.addi %add3A_59, %mul3A_58 : i32
      "tpu.region"() ({
        %run_scoped3A_105 = tpu.sem_alloc : memref<!tpu.dma_semaphore, #tpu.memory_space<semaphore_mem>>
        %dma_start3A_106 = arith.constant 0 : i32
        %dma_start3A_107 = arith.constant 0 : i32
        %dma_start3A_108 = tpu.memref_slice %arg4[%add3A, %add3A_60, %dma_start3A_106, %dma_start3A_107] : memref<32x5x25x80xi32, #tpu.memory_space<hbm>> -> memref<1x1x25x80xi32, #tpu.memory_space<hbm>>
        %dma_start3A_109 = tpu.memref_squeeze %dma_start3A_108 : memref<1x1x25x80xi32, #tpu.memory_space<hbm>> -> memref<25x80xi32, #tpu.memory_space<hbm>>
        %dma_start3A_110 = arith.constant 0 : i32
        %dma_start3A_111 = arith.constant 0 : i32
        %dma_start3A_112 = tpu.memref_slice %arg4[%add3A, %add3A_60, %dma_start3A_110, %dma_start3A_111] : memref<32x5x25x80xi32, #tpu.memory_space<hbm>> -> memref<1x1x25x80xi32, #tpu.memory_space<hbm>>
        %dma_start3A_113 = tpu.memref_squeeze %dma_start3A_112 : memref<1x1x25x80xi32, #tpu.memory_space<hbm>> -> memref<25x80xi32, #tpu.memory_space<hbm>>
        tpu.enqueue_dma source(%dma_start3A_113 : memref<25x80xi32, #tpu.memory_space<hbm>>) target(%arg7 : memref<25x80xi32, #tpu.memory_space<vmem>>) target_semaphore(%run_scoped3A_105 : memref<!tpu.dma_semaphore, #tpu.memory_space<semaphore_mem>>)
        %dma_wait3A_114 = arith.constant 0 : i32
        %dma_wait3A_115 = arith.constant 0 : i32
        %dma_wait3A_116 = tpu.memref_slice %arg4[%add3A, %add3A_60, %dma_wait3A_114, %dma_wait3A_115] : memref<32x5x25x80xi32, #tpu.memory_space<hbm>> -> memref<1x1x25x80xi32, #tpu.memory_space<hbm>>
        %dma_wait3A_117 = tpu.memref_squeeze %dma_wait3A_116 : memref<1x1x25x80xi32, #tpu.memory_space<hbm>> -> memref<25x80xi32, #tpu.memory_space<hbm>>
        %dma_wait3A_118 = arith.constant 0 : i32
        %dma_wait3A_119 = arith.constant 0 : i32
        %dma_wait3A_120 = tpu.memref_slice %arg4[%add3A, %add3A_60, %dma_wait3A_118, %dma_wait3A_119] : memref<32x5x25x80xi32, #tpu.memory_space<hbm>> -> memref<1x1x25x80xi32, #tpu.memory_space<hbm>>
        %dma_wait3A_121 = tpu.memref_squeeze %dma_wait3A_120 : memref<1x1x25x80xi32, #tpu.memory_space<hbm>> -> memref<25x80xi32, #tpu.memory_space<hbm>>
        tpu.wait_dma2 semaphore(%run_scoped3A_105 : memref<!tpu.dma_semaphore, #tpu.memory_space<semaphore_mem>>) src(%dma_wait3A_121 : memref<25x80xi32, #tpu.memory_space<hbm>>) dst(%arg7 : memref<25x80xi32, #tpu.memory_space<vmem>>)
        tpu.yield
      }) : () -> ()
      "tpu.region"() ({
        %run_scoped3A_105 = tpu.sem_alloc : memref<!tpu.dma_semaphore, #tpu.memory_space<semaphore_mem>>
        %dma_start3A_106 = arith.constant 0 : i32
        %dma_start3A_107 = arith.constant 0 : i32
        %dma_start3A_108 = tpu.memref_slice %arg5[%add3A, %add3A_60, %dma_start3A_106, %dma_start3A_107] : memref<32x5x25x80xi32, #tpu.memory_space<hbm>> -> memref<1x1x25x80xi32, #tpu.memory_space<hbm>>
        %dma_start3A_109 = tpu.memref_squeeze %dma_start3A_108 : memref<1x1x25x80xi32, #tpu.memory_space<hbm>> -> memref<25x80xi32, #tpu.memory_space<hbm>>
        %dma_start3A_110 = arith.constant 0 : i32
        %dma_start3A_111 = arith.constant 0 : i32
        %dma_start3A_112 = tpu.memref_slice %arg5[%add3A, %add3A_60, %dma_start3A_110, %dma_start3A_111] : memref<32x5x25x80xi32, #tpu.memory_space<hbm>> -> memref<1x1x25x80xi32, #tpu.memory_space<hbm>>
        %dma_start3A_113 = tpu.memref_squeeze %dma_start3A_112 : memref<1x1x25x80xi32, #tpu.memory_space<hbm>> -> memref<25x80xi32, #tpu.memory_space<hbm>>
        tpu.enqueue_dma source(%dma_start3A_113 : memref<25x80xi32, #tpu.memory_space<hbm>>) target(%arg8 : memref<25x80xi32, #tpu.memory_space<vmem>>) target_semaphore(%run_scoped3A_105 : memref<!tpu.dma_semaphore, #tpu.memory_space<semaphore_mem>>)
        %dma_wait3A_114 = arith.constant 0 : i32
        %dma_wait3A_115 = arith.constant 0 : i32
        %dma_wait3A_116 = tpu.memref_slice %arg5[%add3A, %add3A_60, %dma_wait3A_114, %dma_wait3A_115] : memref<32x5x25x80xi32, #tpu.memory_space<hbm>> -> memref<1x1x25x80xi32, #tpu.memory_space<hbm>>
        %dma_wait3A_117 = tpu.memref_squeeze %dma_wait3A_116 : memref<1x1x25x80xi32, #tpu.memory_space<hbm>> -> memref<25x80xi32, #tpu.memory_space<hbm>>
        %dma_wait3A_118 = arith.constant 0 : i32
        %dma_wait3A_119 = arith.constant 0 : i32
        %dma_wait3A_120 = tpu.memref_slice %arg5[%add3A, %add3A_60, %dma_wait3A_118, %dma_wait3A_119] : memref<32x5x25x80xi32, #tpu.memory_space<hbm>> -> memref<1x1x25x80xi32, #tpu.memory_space<hbm>>
        %dma_wait3A_121 = tpu.memref_squeeze %dma_wait3A_120 : memref<1x1x25x80xi32, #tpu.memory_space<hbm>> -> memref<25x80xi32, #tpu.memory_space<hbm>>
        tpu.wait_dma2 semaphore(%run_scoped3A_105 : memref<!tpu.dma_semaphore, #tpu.memory_space<semaphore_mem>>) src(%dma_wait3A_121 : memref<25x80xi32, #tpu.memory_space<hbm>>) dst(%arg8 : memref<25x80xi32, #tpu.memory_space<vmem>>)
        tpu.yield
      }) : () -> ()
      %dma_start3A = arith.constant 0 : i32
      %dma_start3A_61 = arith.constant 0 : i32
      %dma_start3A_62 = tpu.memref_slice %arg7[%dma_start3A, %dma_start3A_61] : memref<25x80xi32, #tpu.memory_space<vmem>> -> memref<1x80xi32, #tpu.memory_space<vmem>>
      %dma_start3A_63 = tpu.memref_squeeze %dma_start3A_62 : memref<1x80xi32, #tpu.memory_space<vmem>> -> memref<80xi32, #tpu.memory_space<vmem>>
      %dma_start3A_64 = arith.constant 0 : i32
      %dma_start3A_65 = arith.constant 0 : i32
      %dma_start3A_66 = tpu.memref_slice %arg2[%dma_start3A_64, %dma_start3A_65] : memref<10000x128xf32, #tpu.memory_space<hbm>> -> memref<10000x128xf32, #tpu.memory_space<hbm>>
      tpu.enqueue_indirect_dma source(%dma_start3A_66 : memref<10000x128xf32, #tpu.memory_space<hbm>>) target(%arg9 : memref<80x128xf32, #tpu.memory_space<vmem>>) offsets(%dma_start3A_63 : memref<80xi32, #tpu.memory_space<vmem>>) semaphore(%arg14 : memref<!tpu.dma_semaphore, #tpu.memory_space<semaphore_mem>>)
      %mul3A_67 = arith.constant 25 : i32
      %mul3A_68 = arith.muli %add3A_60, %mul3A_67 : i32
      %add3A_69 = arith.constant 0 : i32
      %add3A_70 = arith.addi %mul3A_68, %add3A_69 : i32
      %mul3A_71 = arith.constant 80 : i32
      %mul3A_72 = arith.muli %add3A_70, %mul3A_71 : i32
      %add3A_73 = arith.addi %mul3A_40, %mul3A_72 : i32
      %dma_start3A_74 = arith.constant 0 : i32
      %dma_start3A_75 = tpu.memref_slice %arg3[%add3A_73, %dma_start3A_74] : memref<320000x64xf32, #tpu.memory_space<hbm>> -> memref<80x64xf32, #tpu.memory_space<hbm>>
      %dma_start3A_76 = arith.constant 0 : i32
      %dma_start3A_77 = tpu.memref_slice %arg3[%add3A_73, %dma_start3A_76] : memref<320000x64xf32, #tpu.memory_space<hbm>> -> memref<80x64xf32, #tpu.memory_space<hbm>>
      tpu.enqueue_dma source(%dma_start3A_77 : memref<80x64xf32, #tpu.memory_space<hbm>>) target(%arg11 : memref<80x64xf32, #tpu.memory_space<vmem>>) target_semaphore(%arg16 : memref<!tpu.dma_semaphore, #tpu.memory_space<semaphore_mem>>)
      %scan3A_78 = arith.constant 0 : i32
      %scan3A_79 = arith.constant 12 : i32
      %scan3A_80 = arith.addi %scan3A_78, %scan3A_79 : i32
      %scan3A_81 = arith.constant 1 : i32
      scf.for %scan3A_105 = %scan3A_78 to %scan3A_80 step %scan3A_81  : i32 {
        %mul3A_106 = arith.constant 1 : i32
        %mul3A_107 = arith.muli %scan3A_105, %mul3A_106 : i32
        %add3A_108 = arith.constant 0 : i32
        %add3A_109 = arith.addi %add3A_108, %mul3A_107 : i32
        %mul3A_110 = arith.constant 2 : i32
        %mul3A_111 = arith.muli %mul3A_110, %add3A_109 : i32
        %add3A_112 = arith.constant 1 : i32
        %add3A_113 = arith.addi %mul3A_111, %add3A_112 : i32
        %dma_start3A_114 = arith.constant 0 : i32
        %dma_start3A_115 = tpu.memref_slice %arg7[%add3A_113, %dma_start3A_114] : memref<25x80xi32, #tpu.memory_space<vmem>> -> memref<1x80xi32, #tpu.memory_space<vmem>>
        %dma_start3A_116 = tpu.memref_squeeze %dma_start3A_115 : memref<1x80xi32, #tpu.memory_space<vmem>> -> memref<80xi32, #tpu.memory_space<vmem>>
        %dma_start3A_117 = arith.constant 0 : i32
        %dma_start3A_118 = arith.constant 0 : i32
        %dma_start3A_119 = tpu.memref_slice %arg2[%dma_start3A_117, %dma_start3A_118] : memref<10000x128xf32, #tpu.memory_space<hbm>> -> memref<10000x128xf32, #tpu.memory_space<hbm>>
        tpu.enqueue_indirect_dma source(%dma_start3A_119 : memref<10000x128xf32, #tpu.memory_space<hbm>>) target(%arg10 : memref<80x128xf32, #tpu.memory_space<vmem>>) offsets(%dma_start3A_116 : memref<80xi32, #tpu.memory_space<vmem>>) semaphore(%arg15 : memref<!tpu.dma_semaphore, #tpu.memory_space<semaphore_mem>>)
        %mul3A_120 = arith.constant 25 : i32
        %mul3A_121 = arith.muli %add3A_60, %mul3A_120 : i32
        %add3A_122 = arith.addi %mul3A_121, %add3A_113 : i32
        %mul3A_123 = arith.constant 80 : i32
        %mul3A_124 = arith.muli %add3A_122, %mul3A_123 : i32
        %add3A_125 = arith.addi %mul3A_40, %mul3A_124 : i32
        %dma_start3A_126 = arith.constant 0 : i32
        %dma_start3A_127 = tpu.memref_slice %arg3[%add3A_125, %dma_start3A_126] : memref<320000x64xf32, #tpu.memory_space<hbm>> -> memref<80x64xf32, #tpu.memory_space<hbm>>
        %dma_start3A_128 = arith.constant 0 : i32
        %dma_start3A_129 = tpu.memref_slice %arg3[%add3A_125, %dma_start3A_128] : memref<320000x64xf32, #tpu.memory_space<hbm>> -> memref<80x64xf32, #tpu.memory_space<hbm>>
        tpu.enqueue_dma source(%dma_start3A_129 : memref<80x64xf32, #tpu.memory_space<hbm>>) target(%arg12 : memref<80x64xf32, #tpu.memory_space<vmem>>) target_semaphore(%arg17 : memref<!tpu.dma_semaphore, #tpu.memory_space<semaphore_mem>>)
        %dma_wait3A_130 = arith.constant 0 : i32
        %dma_wait3A_131 = tpu.memref_slice %arg7[%mul3A_111, %dma_wait3A_130] : memref<25x80xi32, #tpu.memory_space<vmem>> -> memref<1x80xi32, #tpu.memory_space<vmem>>
        %dma_wait3A_132 = tpu.memref_squeeze %dma_wait3A_131 : memref<1x80xi32, #tpu.memory_space<vmem>> -> memref<80xi32, #tpu.memory_space<vmem>>
        %dma_wait3A_133 = arith.constant 0 : i32
        %dma_wait3A_134 = arith.constant 0 : i32
        %dma_wait3A_135 = tpu.memref_slice %arg2[%dma_wait3A_133, %dma_wait3A_134] : memref<10000x128xf32, #tpu.memory_space<hbm>> -> memref<10000x128xf32, #tpu.memory_space<hbm>>
        tpu.wait_indirect_dma semaphore(%arg14 : memref<!tpu.dma_semaphore, #tpu.memory_space<semaphore_mem>>) src(%dma_wait3A_135 : memref<10000x128xf32, #tpu.memory_space<hbm>>) dst(%arg9 : memref<80x128xf32, #tpu.memory_space<vmem>>)
        %mul3A_136 = arith.constant 25 : i32
        %mul3A_137 = arith.muli %add3A_60, %mul3A_136 : i32
        %add3A_138 = arith.addi %mul3A_137, %mul3A_111 : i32
        %mul3A_139 = arith.constant 80 : i32
        %mul3A_140 = arith.muli %add3A_138, %mul3A_139 : i32
        %add3A_141 = arith.addi %mul3A_40, %mul3A_140 : i32
        %dma_wait3A_142 = arith.constant 0 : i32
        %dma_wait3A_143 = tpu.memref_slice %arg3[%add3A_141, %dma_wait3A_142] : memref<320000x64xf32, #tpu.memory_space<hbm>> -> memref<80x64xf32, #tpu.memory_space<hbm>>
        %dma_wait3A_144 = arith.constant 0 : i32
        %dma_wait3A_145 = tpu.memref_slice %arg3[%add3A_141, %dma_wait3A_144] : memref<320000x64xf32, #tpu.memory_space<hbm>> -> memref<80x64xf32, #tpu.memory_space<hbm>>
        tpu.wait_dma2 semaphore(%arg16 : memref<!tpu.dma_semaphore, #tpu.memory_space<semaphore_mem>>) src(%dma_wait3A_145 : memref<80x64xf32, #tpu.memory_space<hbm>>) dst(%arg11 : memref<80x64xf32, #tpu.memory_space<vmem>>)
        %scan3A_146 = arith.constant 0 : i32
        %scan3A_147 = arith.constant 80 : i32
        %scan3A_148 = arith.addi %scan3A_146, %scan3A_147 : i32
        %scan3A_149 = arith.constant 1 : i32
        scf.for %scan3A_194 = %scan3A_146 to %scan3A_148 step %scan3A_149  : i32 {
          %mul3A_195 = arith.constant 1 : i32
          %mul3A_196 = arith.muli %scan3A_194, %mul3A_195 : i32
          %add3A_197 = arith.constant 0 : i32
          %add3A_198 = arith.addi %add3A_197, %mul3A_196 : i32
          %get3A = arith.index_cast %add3A_198 : i32 to index
          %get3A_199 = arith.constant 0 : index
          %get3A_200 = tpu.vector_load %arg9[%get3A, %get3A_199] {strides = array<i32>} : memref<80x128xf32, #tpu.memory_space<vmem>>, vector<1x16xf32>,
          %get3A_201 = vector.shape_cast %get3A_200 : vector<1x16xf32> to vector<16xf32>
          %get3A_202 = arith.index_cast %add3A_198 : i32 to index
          %get3A_203 = arith.constant 0 : index
          %get3A_204 = tpu.vector_load %arg11[%get3A_202, %get3A_203] {strides = array<i32>} : memref<80x64xf32, #tpu.memory_space<vmem>>, vector<1x16xf32>,
          %get3A_205 = vector.shape_cast %get3A_204 : vector<1x16xf32> to vector<16xf32>
          %add3A_206 = arith.addf %get3A_201, %get3A_205 : vector<16xf32>
          %max3A = arith.constant 0.000000e+00 : f32
          %max3A_207 = vector.broadcast %max3A : f32 to vector<16xf32>
          %max3A_208 = arith.maximumf %add3A_206, %max3A_207 : vector<16xf32>
          %swap3A = arith.index_cast %add3A_198 : i32 to index
          %swap3A_209 = arith.constant 0 : index
          %swap3A_210 = tpu.vector_load %arg9[%swap3A, %swap3A_209] {strides = array<i32>} : memref<80x128xf32, #tpu.memory_space<vmem>>, vector<1x16xf32>,
          %swap3A_211 = vector.shape_cast %swap3A_210 : vector<1x16xf32> to vector<16xf32>
          %swap3A_212 = vector.shape_cast %max3A_208 : vector<16xf32> to vector<1x16xf32>
          tpu.vector_store %arg9[%swap3A, %swap3A_209], %swap3A_212 {strides = array<i32>} : memref<80x128xf32, #tpu.memory_space<vmem>>, vector<1x16xf32>,
          %get3A_213 = arith.index_cast %add3A_198 : i32 to index
          %get3A_214 = arith.constant 16 : index
          %get3A_215 = tpu.vector_load %arg9[%get3A_213, %get3A_214] {strides = array<i32>} : memref<80x128xf32, #tpu.memory_space<vmem>>, vector<1x16xf32>,
          %get3A_216 = vector.shape_cast %get3A_215 : vector<1x16xf32> to vector<16xf32>
          %get3A_217 = arith.index_cast %add3A_198 : i32 to index
          %get3A_218 = arith.constant 16 : index
          %get3A_219 = tpu.vector_load %arg11[%get3A_217, %get3A_218] {strides = array<i32>} : memref<80x64xf32, #tpu.memory_space<vmem>>, vector<1x16xf32>,
          %get3A_220 = vector.shape_cast %get3A_219 : vector<1x16xf32> to vector<16xf32>
          %add3A_221 = arith.addf %get3A_216, %get3A_220 : vector<16xf32>
          %max3A_222 = arith.constant 0.000000e+00 : f32
          %max3A_223 = vector.broadcast %max3A_222 : f32 to vector<16xf32>
          %max3A_224 = arith.maximumf %add3A_221, %max3A_223 : vector<16xf32>
          %swap3A_225 = arith.index_cast %add3A_198 : i32 to index
          %swap3A_226 = arith.constant 16 : index
          %swap3A_227 = tpu.vector_load %arg9[%swap3A_225, %swap3A_226] {strides = array<i32>} : memref<80x128xf32, #tpu.memory_space<vmem>>, vector<1x16xf32>,
          %swap3A_228 = vector.shape_cast %swap3A_227 : vector<1x16xf32> to vector<16xf32>
          %swap3A_229 = vector.shape_cast %max3A_224 : vector<16xf32> to vector<1x16xf32>
          tpu.vector_store %arg9[%swap3A_225, %swap3A_226], %swap3A_229 {strides = array<i32>} : memref<80x128xf32, #tpu.memory_space<vmem>>, vector<1x16xf32>,
          %get3A_230 = arith.index_cast %add3A_198 : i32 to index
          %get3A_231 = arith.constant 32 : index
          %get3A_232 = tpu.vector_load %arg9[%get3A_230, %get3A_231] {strides = array<i32>} : memref<80x128xf32, #tpu.memory_space<vmem>>, vector<1x16xf32>,
          %get3A_233 = vector.shape_cast %get3A_232 : vector<1x16xf32> to vector<16xf32>
          %get3A_234 = arith.index_cast %add3A_198 : i32 to index
          %get3A_235 = arith.constant 32 : index
          %get3A_236 = tpu.vector_load %arg11[%get3A_234, %get3A_235] {strides = array<i32>} : memref<80x64xf32, #tpu.memory_space<vmem>>, vector<1x16xf32>,
          %get3A_237 = vector.shape_cast %get3A_236 : vector<1x16xf32> to vector<16xf32>
          %add3A_238 = arith.addf %get3A_233, %get3A_237 : vector<16xf32>
          %max3A_239 = arith.constant 0.000000e+00 : f32
          %max3A_240 = vector.broadcast %max3A_239 : f32 to vector<16xf32>
          %max3A_241 = arith.maximumf %add3A_238, %max3A_240 : vector<16xf32>
          %swap3A_242 = arith.index_cast %add3A_198 : i32 to index
          %swap3A_243 = arith.constant 32 : index
          %swap3A_244 = tpu.vector_load %arg9[%swap3A_242, %swap3A_243] {strides = array<i32>} : memref<80x128xf32, #tpu.memory_space<vmem>>, vector<1x16xf32>,
          %swap3A_245 = vector.shape_cast %swap3A_244 : vector<1x16xf32> to vector<16xf32>
          %swap3A_246 = vector.shape_cast %max3A_241 : vector<16xf32> to vector<1x16xf32>
          tpu.vector_store %arg9[%swap3A_242, %swap3A_243], %swap3A_246 {strides = array<i32>} : memref<80x128xf32, #tpu.memory_space<vmem>>, vector<1x16xf32>,
          %get3A_247 = arith.index_cast %add3A_198 : i32 to index
          %get3A_248 = arith.constant 48 : index
          %get3A_249 = tpu.vector_load %arg9[%get3A_247, %get3A_248] {strides = array<i32>} : memref<80x128xf32, #tpu.memory_space<vmem>>, vector<1x16xf32>,
          %get3A_250 = vector.shape_cast %get3A_249 : vector<1x16xf32> to vector<16xf32>
          %get3A_251 = arith.index_cast %add3A_198 : i32 to index
          %get3A_252 = arith.constant 48 : index
          %get3A_253 = tpu.vector_load %arg11[%get3A_251, %get3A_252] {strides = array<i32>} : memref<80x64xf32, #tpu.memory_space<vmem>>, vector<1x16xf32>,
          %get3A_254 = vector.shape_cast %get3A_253 : vector<1x16xf32> to vector<16xf32>
          %add3A_255 = arith.addf %get3A_250, %get3A_254 : vector<16xf32>
          %max3A_256 = arith.constant 0.000000e+00 : f32
          %max3A_257 = vector.broadcast %max3A_256 : f32 to vector<16xf32>
          %max3A_258 = arith.maximumf %add3A_255, %max3A_257 : vector<16xf32>
          %swap3A_259 = arith.index_cast %add3A_198 : i32 to index
          %swap3A_260 = arith.constant 48 : index
          %swap3A_261 = tpu.vector_load %arg9[%swap3A_259, %swap3A_260] {strides = array<i32>} : memref<80x128xf32, #tpu.memory_space<vmem>>, vector<1x16xf32>,
          %swap3A_262 = vector.shape_cast %swap3A_261 : vector<1x16xf32> to vector<16xf32>
          %swap3A_263 = vector.shape_cast %max3A_258 : vector<16xf32> to vector<1x16xf32>
          tpu.vector_store %arg9[%swap3A_259, %swap3A_260], %swap3A_263 {strides = array<i32>} : memref<80x128xf32, #tpu.memory_space<vmem>>, vector<1x16xf32>,
        }
        %scan3A_150 = arith.constant 80 : i32
        "tpu.region"() ({
          %run_scoped3A_194 = tpu.sem_alloc : memref<!tpu.dma_semaphore, #tpu.memory_space<semaphore_mem>>
          %dma_start3A_195 = arith.constant 0 : i32
          %dma_start3A_196 = tpu.memref_slice %arg8[%mul3A_111, %dma_start3A_195] : memref<25x80xi32, #tpu.memory_space<vmem>> -> memref<1x80xi32, #tpu.memory_space<vmem>>
          %dma_start3A_197 = tpu.memref_squeeze %dma_start3A_196 : memref<1x80xi32, #tpu.memory_space<vmem>> -> memref<80xi32, #tpu.memory_space<vmem>>
          %dma_start3A_198 = arith.constant 0 : i32
          %dma_start3A_199 = arith.constant 0 : i32
          %dma_start3A_200 = tpu.memref_slice %arg13[%dma_start3A_198, %dma_start3A_199] : memref<10000x128xf32, #tpu.memory_space<vmem_shared>> -> memref<10000x128xf32, #tpu.memory_space<vmem_shared>>
          tpu.enqueue_indirect_dma source(%arg9 : memref<80x128xf32, #tpu.memory_space<vmem>>) target(%dma_start3A_200 : memref<10000x128xf32, #tpu.memory_space<vmem_shared>>) offsets(%dma_start3A_197 : memref<80xi32, #tpu.memory_space<vmem>>) semaphore(%run_scoped3A_194 : memref<!tpu.dma_semaphore, #tpu.memory_space<semaphore_mem>>) {add = true}
          %dma_wait3A_201 = arith.constant 0 : i32
          %dma_wait3A_202 = tpu.memref_slice %arg8[%mul3A_111, %dma_wait3A_201] : memref<25x80xi32, #tpu.memory_space<vmem>> -> memref<1x80xi32, #tpu.memory_space<vmem>>
          %dma_wait3A_203 = tpu.memref_squeeze %dma_wait3A_202 : memref<1x80xi32, #tpu.memory_space<vmem>> -> memref<80xi32, #tpu.memory_space<vmem>>
          %dma_wait3A_204 = arith.constant 0 : i32
          %dma_wait3A_205 = arith.constant 0 : i32
          %dma_wait3A_206 = tpu.memref_slice %arg13[%dma_wait3A_204, %dma_wait3A_205] : memref<10000x128xf32, #tpu.memory_space<vmem_shared>> -> memref<10000x128xf32, #tpu.memory_space<vmem_shared>>
          tpu.wait_indirect_dma semaphore(%run_scoped3A_194 : memref<!tpu.dma_semaphore, #tpu.memory_space<semaphore_mem>>) src(%arg9 : memref<80x128xf32, #tpu.memory_space<vmem>>) dst(%dma_wait3A_206 : memref<10000x128xf32, #tpu.memory_space<vmem_shared>>)
          tpu.yield
        }) : () -> ()
        %mul3A_151 = arith.constant 2 : i32
        %mul3A_152 = arith.muli %mul3A_151, %add3A_109 : i32
        %add3A_153 = arith.constant 1 : i32
        %add3A_154 = arith.addi %mul3A_152, %add3A_153 : i32
        %add3A_155 = arith.constant 1 : i32
        %add3A_156 = arith.addi %add3A_154, %add3A_155 : i32
        %dma_start3A_157 = arith.constant 0 : i32
        %dma_start3A_158 = tpu.memref_slice %arg7[%add3A_156, %dma_start3A_157] : memref<25x80xi32, #tpu.memory_space<vmem>> -> memref<1x80xi32, #tpu.memory_space<vmem>>
        %dma_start3A_159 = tpu.memref_squeeze %dma_start3A_158 : memref<1x80xi32, #tpu.memory_space<vmem>> -> memref<80xi32, #tpu.memory_space<vmem>>
        %dma_start3A_160 = arith.constant 0 : i32
        %dma_start3A_161 = arith.constant 0 : i32
        %dma_start3A_162 = tpu.memref_slice %arg2[%dma_start3A_160, %dma_start3A_161] : memref<10000x128xf32, #tpu.memory_space<hbm>> -> memref<10000x128xf32, #tpu.memory_space<hbm>>
        tpu.enqueue_indirect_dma source(%dma_start3A_162 : memref<10000x128xf32, #tpu.memory_space<hbm>>) target(%arg9 : memref<80x128xf32, #tpu.memory_space<vmem>>) offsets(%dma_start3A_159 : memref<80xi32, #tpu.memory_space<vmem>>) semaphore(%arg14 : memref<!tpu.dma_semaphore, #tpu.memory_space<semaphore_mem>>)
        %mul3A_163 = arith.constant 25 : i32
        %mul3A_164 = arith.muli %add3A_60, %mul3A_163 : i32
        %add3A_165 = arith.addi %mul3A_164, %add3A_156 : i32
        %mul3A_166 = arith.constant 80 : i32
        %mul3A_167 = arith.muli %add3A_165, %mul3A_166 : i32
        %add3A_168 = arith.addi %mul3A_40, %mul3A_167 : i32
        %dma_start3A_169 = arith.constant 0 : i32
        %dma_start3A_170 = tpu.memref_slice %arg3[%add3A_168, %dma_start3A_169] : memref<320000x64xf32, #tpu.memory_space<hbm>> -> memref<80x64xf32, #tpu.memory_space<hbm>>
        %dma_start3A_171 = arith.constant 0 : i32
        %dma_start3A_172 = tpu.memref_slice %arg3[%add3A_168, %dma_start3A_171] : memref<320000x64xf32, #tpu.memory_space<hbm>> -> memref<80x64xf32, #tpu.memory_space<hbm>>
        tpu.enqueue_dma source(%dma_start3A_172 : memref<80x64xf32, #tpu.memory_space<hbm>>) target(%arg11 : memref<80x64xf32, #tpu.memory_space<vmem>>) target_semaphore(%arg16 : memref<!tpu.dma_semaphore, #tpu.memory_space<semaphore_mem>>)
        %dma_wait3A_173 = arith.constant 0 : i32
        %dma_wait3A_174 = tpu.memref_slice %arg7[%add3A_154, %dma_wait3A_173] : memref<25x80xi32, #tpu.memory_space<vmem>> -> memref<1x80xi32, #tpu.memory_space<vmem>>
        %dma_wait3A_175 = tpu.memref_squeeze %dma_wait3A_174 : memref<1x80xi32, #tpu.memory_space<vmem>> -> memref<80xi32, #tpu.memory_space<vmem>>
        %dma_wait3A_176 = arith.constant 0 : i32
        %dma_wait3A_177 = arith.constant 0 : i32
        %dma_wait3A_178 = tpu.memref_slice %arg2[%dma_wait3A_176, %dma_wait3A_177] : memref<10000x128xf32, #tpu.memory_space<hbm>> -> memref<10000x128xf32, #tpu.memory_space<hbm>>
        tpu.wait_indirect_dma semaphore(%arg15 : memref<!tpu.dma_semaphore, #tpu.memory_space<semaphore_mem>>) src(%dma_wait3A_178 : memref<10000x128xf32, #tpu.memory_space<hbm>>) dst(%arg10 : memref<80x128xf32, #tpu.memory_space<vmem>>)
        %mul3A_179 = arith.constant 25 : i32
        %mul3A_180 = arith.muli %add3A_60, %mul3A_179 : i32
        %add3A_181 = arith.addi %mul3A_180, %add3A_154 : i32
        %mul3A_182 = arith.constant 80 : i32
        %mul3A_183 = arith.muli %add3A_181, %mul3A_182 : i32
        %add3A_184 = arith.addi %mul3A_40, %mul3A_183 : i32
        %dma_wait3A_185 = arith.constant 0 : i32
        %dma_wait3A_186 = tpu.memref_slice %arg3[%add3A_184, %dma_wait3A_185] : memref<320000x64xf32, #tpu.memory_space<hbm>> -> memref<80x64xf32, #tpu.memory_space<hbm>>
        %dma_wait3A_187 = arith.constant 0 : i32
        %dma_wait3A_188 = tpu.memref_slice %arg3[%add3A_184, %dma_wait3A_187] : memref<320000x64xf32, #tpu.memory_space<hbm>> -> memref<80x64xf32, #tpu.memory_space<hbm>>
        tpu.wait_dma2 semaphore(%arg17 : memref<!tpu.dma_semaphore, #tpu.memory_space<semaphore_mem>>) src(%dma_wait3A_188 : memref<80x64xf32, #tpu.memory_space<hbm>>) dst(%arg12 : memref<80x64xf32, #tpu.memory_space<vmem>>)
        %scan3A_189 = arith.constant 0 : i32
        %scan3A_190 = arith.constant 80 : i32
        %scan3A_191 = arith.addi %scan3A_189, %scan3A_190 : i32
        %scan3A_192 = arith.constant 1 : i32
        scf.for %scan3A_194 = %scan3A_189 to %scan3A_191 step %scan3A_192  : i32 {
          %mul3A_195 = arith.constant 1 : i32
          %mul3A_196 = arith.muli %scan3A_194, %mul3A_195 : i32
          %add3A_197 = arith.constant 0 : i32
          %add3A_198 = arith.addi %add3A_197, %mul3A_196 : i32
          %get3A = arith.index_cast %add3A_198 : i32 to index
          %get3A_199 = arith.constant 0 : index
          %get3A_200 = tpu.vector_load %arg10[%get3A, %get3A_199] {strides = array<i32>} : memref<80x128xf32, #tpu.memory_space<vmem>>, vector<1x16xf32>,
          %get3A_201 = vector.shape_cast %get3A_200 : vector<1x16xf32> to vector<16xf32>
          %get3A_202 = arith.index_cast %add3A_198 : i32 to index
          %get3A_203 = arith.constant 0 : index
          %get3A_204 = tpu.vector_load %arg12[%get3A_202, %get3A_203] {strides = array<i32>} : memref<80x64xf32, #tpu.memory_space<vmem>>, vector<1x16xf32>,
          %get3A_205 = vector.shape_cast %get3A_204 : vector<1x16xf32> to vector<16xf32>
          %add3A_206 = arith.addf %get3A_201, %get3A_205 : vector<16xf32>
          %max3A = arith.constant 0.000000e+00 : f32
          %max3A_207 = vector.broadcast %max3A : f32 to vector<16xf32>
          %max3A_208 = arith.maximumf %add3A_206, %max3A_207 : vector<16xf32>
          %swap3A = arith.index_cast %add3A_198 : i32 to index
          %swap3A_209 = arith.constant 0 : index
          %swap3A_210 = tpu.vector_load %arg10[%swap3A, %swap3A_209] {strides = array<i32>} : memref<80x128xf32, #tpu.memory_space<vmem>>, vector<1x16xf32>,
          %swap3A_211 = vector.shape_cast %swap3A_210 : vector<1x16xf32> to vector<16xf32>
          %swap3A_212 = vector.shape_cast %max3A_208 : vector<16xf32> to vector<1x16xf32>
          tpu.vector_store %arg10[%swap3A, %swap3A_209], %swap3A_212 {strides = array<i32>} : memref<80x128xf32, #tpu.memory_space<vmem>>, vector<1x16xf32>,
          %get3A_213 = arith.index_cast %add3A_198 : i32 to index
          %get3A_214 = arith.constant 16 : index
          %get3A_215 = tpu.vector_load %arg10[%get3A_213, %get3A_214] {strides = array<i32>} : memref<80x128xf32, #tpu.memory_space<vmem>>, vector<1x16xf32>,
          %get3A_216 = vector.shape_cast %get3A_215 : vector<1x16xf32> to vector<16xf32>
          %get3A_217 = arith.index_cast %add3A_198 : i32 to index
          %get3A_218 = arith.constant 16 : index
          %get3A_219 = tpu.vector_load %arg12[%get3A_217, %get3A_218] {strides = array<i32>} : memref<80x64xf32, #tpu.memory_space<vmem>>, vector<1x16xf32>,
          %get3A_220 = vector.shape_cast %get3A_219 : vector<1x16xf32> to vector<16xf32>
          %add3A_221 = arith.addf %get3A_216, %get3A_220 : vector<16xf32>
          %max3A_222 = arith.constant 0.000000e+00 : f32
          %max3A_223 = vector.broadcast %max3A_222 : f32 to vector<16xf32>
          %max3A_224 = arith.maximumf %add3A_221, %max3A_223 : vector<16xf32>
          %swap3A_225 = arith.index_cast %add3A_198 : i32 to index
          %swap3A_226 = arith.constant 16 : index
          %swap3A_227 = tpu.vector_load %arg10[%swap3A_225, %swap3A_226] {strides = array<i32>} : memref<80x128xf32, #tpu.memory_space<vmem>>, vector<1x16xf32>,
          %swap3A_228 = vector.shape_cast %swap3A_227 : vector<1x16xf32> to vector<16xf32>
          %swap3A_229 = vector.shape_cast %max3A_224 : vector<16xf32> to vector<1x16xf32>
          tpu.vector_store %arg10[%swap3A_225, %swap3A_226], %swap3A_229 {strides = array<i32>} : memref<80x128xf32, #tpu.memory_space<vmem>>, vector<1x16xf32>,
          %get3A_230 = arith.index_cast %add3A_198 : i32 to index
          %get3A_231 = arith.constant 32 : index
          %get3A_232 = tpu.vector_load %arg10[%get3A_230, %get3A_231] {strides = array<i32>} : memref<80x128xf32, #tpu.memory_space<vmem>>, vector<1x16xf32>,
          %get3A_233 = vector.shape_cast %get3A_232 : vector<1x16xf32> to vector<16xf32>
          %get3A_234 = arith.index_cast %add3A_198 : i32 to index
          %get3A_235 = arith.constant 32 : index
          %get3A_236 = tpu.vector_load %arg12[%get3A_234, %get3A_235] {strides = array<i32>} : memref<80x64xf32, #tpu.memory_space<vmem>>, vector<1x16xf32>,
          %get3A_237 = vector.shape_cast %get3A_236 : vector<1x16xf32> to vector<16xf32>
          %add3A_238 = arith.addf %get3A_233, %get3A_237 : vector<16xf32>
          %max3A_239 = arith.constant 0.000000e+00 : f32
          %max3A_240 = vector.broadcast %max3A_239 : f32 to vector<16xf32>
          %max3A_241 = arith.maximumf %add3A_238, %max3A_240 : vector<16xf32>
          %swap3A_242 = arith.index_cast %add3A_198 : i32 to index
          %swap3A_243 = arith.constant 32 : index
          %swap3A_244 = tpu.vector_load %arg10[%swap3A_242, %swap3A_243] {strides = array<i32>} : memref<80x128xf32, #tpu.memory_space<vmem>>, vector<1x16xf32>,
          %swap3A_245 = vector.shape_cast %swap3A_244 : vector<1x16xf32> to vector<16xf32>
          %swap3A_246 = vector.shape_cast %max3A_241 : vector<16xf32> to vector<1x16xf32>
          tpu.vector_store %arg10[%swap3A_242, %swap3A_243], %swap3A_246 {strides = array<i32>} : memref<80x128xf32, #tpu.memory_space<vmem>>, vector<1x16xf32>,
          %get3A_247 = arith.index_cast %add3A_198 : i32 to index
          %get3A_248 = arith.constant 48 : index
          %get3A_249 = tpu.vector_load %arg10[%get3A_247, %get3A_248] {strides = array<i32>} : memref<80x128xf32, #tpu.memory_space<vmem>>, vector<1x16xf32>,
          %get3A_250 = vector.shape_cast %get3A_249 : vector<1x16xf32> to vector<16xf32>
          %get3A_251 = arith.index_cast %add3A_198 : i32 to index
          %get3A_252 = arith.constant 48 : index
          %get3A_253 = tpu.vector_load %arg12[%get3A_251, %get3A_252] {strides = array<i32>} : memref<80x64xf32, #tpu.memory_space<vmem>>, vector<1x16xf32>,
          %get3A_254 = vector.shape_cast %get3A_253 : vector<1x16xf32> to vector<16xf32>
          %add3A_255 = arith.addf %get3A_250, %get3A_254 : vector<16xf32>
          %max3A_256 = arith.constant 0.000000e+00 : f32
          %max3A_257 = vector.broadcast %max3A_256 : f32 to vector<16xf32>
          %max3A_258 = arith.maximumf %add3A_255, %max3A_257 : vector<16xf32>
          %swap3A_259 = arith.index_cast %add3A_198 : i32 to index
          %swap3A_260 = arith.constant 48 : index
          %swap3A_261 = tpu.vector_load %arg10[%swap3A_259, %swap3A_260] {strides = array<i32>} : memref<80x128xf32, #tpu.memory_space<vmem>>, vector<1x16xf32>,
          %swap3A_262 = vector.shape_cast %swap3A_261 : vector<1x16xf32> to vector<16xf32>
          %swap3A_263 = vector.shape_cast %max3A_258 : vector<16xf32> to vector<1x16xf32>
          tpu.vector_store %arg10[%swap3A_259, %swap3A_260], %swap3A_263 {strides = array<i32>} : memref<80x128xf32, #tpu.memory_space<vmem>>, vector<1x16xf32>,
        }
        %scan3A_193 = arith.constant 80 : i32
        "tpu.region"() ({
          %run_scoped3A_194 = tpu.sem_alloc : memref<!tpu.dma_semaphore, #tpu.memory_space<semaphore_mem>>
          %dma_start3A_195 = arith.constant 0 : i32
          %dma_start3A_196 = tpu.memref_slice %arg8[%add3A_154, %dma_start3A_195] : memref<25x80xi32, #tpu.memory_space<vmem>> -> memref<1x80xi32, #tpu.memory_space<vmem>>
          %dma_start3A_197 = tpu.memref_squeeze %dma_start3A_196 : memref<1x80xi32, #tpu.memory_space<vmem>> -> memref<80xi32, #tpu.memory_space<vmem>>
          %dma_start3A_198 = arith.constant 0 : i32
          %dma_start3A_199 = arith.constant 0 : i32
          %dma_start3A_200 = tpu.memref_slice %arg13[%dma_start3A_198, %dma_start3A_199] : memref<10000x128xf32, #tpu.memory_space<vmem_shared>> -> memref<10000x128xf32, #tpu.memory_space<vmem_shared>>
          tpu.enqueue_indirect_dma source(%arg10 : memref<80x128xf32, #tpu.memory_space<vmem>>) target(%dma_start3A_200 : memref<10000x128xf32, #tpu.memory_space<vmem_shared>>) offsets(%dma_start3A_197 : memref<80xi32, #tpu.memory_space<vmem>>) semaphore(%run_scoped3A_194 : memref<!tpu.dma_semaphore, #tpu.memory_space<semaphore_mem>>) {add = true}
          %dma_wait3A_201 = arith.constant 0 : i32
          %dma_wait3A_202 = tpu.memref_slice %arg8[%add3A_154, %dma_wait3A_201] : memref<25x80xi32, #tpu.memory_space<vmem>> -> memref<1x80xi32, #tpu.memory_space<vmem>>
          %dma_wait3A_203 = tpu.memref_squeeze %dma_wait3A_202 : memref<1x80xi32, #tpu.memory_space<vmem>> -> memref<80xi32, #tpu.memory_space<vmem>>
          %dma_wait3A_204 = arith.constant 0 : i32
          %dma_wait3A_205 = arith.constant 0 : i32
          %dma_wait3A_206 = tpu.memref_slice %arg13[%dma_wait3A_204, %dma_wait3A_205] : memref<10000x128xf32, #tpu.memory_space<vmem_shared>> -> memref<10000x128xf32, #tpu.memory_space<vmem_shared>>
          tpu.wait_indirect_dma semaphore(%run_scoped3A_194 : memref<!tpu.dma_semaphore, #tpu.memory_space<semaphore_mem>>) src(%arg10 : memref<80x128xf32, #tpu.memory_space<vmem>>) dst(%dma_wait3A_206 : memref<10000x128xf32, #tpu.memory_space<vmem_shared>>)
          tpu.yield
        }) : () -> ()
      }
      %scan3A_82 = arith.constant 12 : i32
      %dma_wait3A = arith.constant 24 : i32
      %dma_wait3A_83 = arith.constant 0 : i32
      %dma_wait3A_84 = tpu.memref_slice %arg7[%dma_wait3A, %dma_wait3A_83] : memref<25x80xi32, #tpu.memory_space<vmem>> -> memref<1x80xi32, #tpu.memory_space<vmem>>
      %dma_wait3A_85 = tpu.memref_squeeze %dma_wait3A_84 : memref<1x80xi32, #tpu.memory_space<vmem>> -> memref<80xi32, #tpu.memory_space<vmem>>
      %dma_wait3A_86 = arith.constant 0 : i32
      %dma_wait3A_87 = arith.constant 0 : i32
      %dma_wait3A_88 = tpu.memref_slice %arg2[%dma_wait3A_86, %dma_wait3A_87] : memref<10000x128xf32, #tpu.memory_space<hbm>> -> memref<10000x128xf32, #tpu.memory_space<hbm>>
      tpu.wait_indirect_dma semaphore(%arg14 : memref<!tpu.dma_semaphore, #tpu.memory_space<semaphore_mem>>) src(%dma_wait3A_88 : memref<10000x128xf32, #tpu.memory_space<hbm>>) dst(%arg9 : memref<80x128xf32, #tpu.memory_space<vmem>>)
      %mul3A_89 = arith.constant 25 : i32
      %mul3A_90 = arith.muli %add3A_60, %mul3A_89 : i32
      %add3A_91 = arith.constant 24 : i32
      %add3A_92 = arith.addi %mul3A_90, %add3A_91 : i32
      %mul3A_93 = arith.constant 80 : i32
      %mul3A_94 = arith.muli %add3A_92, %mul3A_93 : i32
      %add3A_95 = arith.addi %mul3A_40, %mul3A_94 : i32
      %dma_wait3A_96 = arith.constant 0 : i32
      %dma_wait3A_97 = tpu.memref_slice %arg3[%add3A_95, %dma_wait3A_96] : memref<320000x64xf32, #tpu.memory_space<hbm>> -> memref<80x64xf32, #tpu.memory_space<hbm>>
      %dma_wait3A_98 = arith.constant 0 : i32
      %dma_wait3A_99 = tpu.memref_slice %arg3[%add3A_95, %dma_wait3A_98] : memref<320000x64xf32, #tpu.memory_space<hbm>> -> memref<80x64xf32, #tpu.memory_space<hbm>>
      tpu.wait_dma2 semaphore(%arg16 : memref<!tpu.dma_semaphore, #tpu.memory_space<semaphore_mem>>) src(%dma_wait3A_99 : memref<80x64xf32, #tpu.memory_space<hbm>>) dst(%arg11 : memref<80x64xf32, #tpu.memory_space<vmem>>)
      %scan3A_100 = arith.constant 0 : i32
      %scan3A_101 = arith.constant 80 : i32
      %scan3A_102 = arith.addi %scan3A_100, %scan3A_101 : i32
      %scan3A_103 = arith.constant 1 : i32
      scf.for %scan3A_105 = %scan3A_100 to %scan3A_102 step %scan3A_103  : i32 {
        %mul3A_106 = arith.constant 1 : i32
        %mul3A_107 = arith.muli %scan3A_105, %mul3A_106 : i32
        %add3A_108 = arith.constant 0 : i32
        %add3A_109 = arith.addi %add3A_108, %mul3A_107 : i32
        %get3A = arith.index_cast %add3A_109 : i32 to index
        %get3A_110 = arith.constant 0 : index
        %get3A_111 = tpu.vector_load %arg9[%get3A, %get3A_110] {strides = array<i32>} : memref<80x128xf32, #tpu.memory_space<vmem>>, vector<1x16xf32>,
        %get3A_112 = vector.shape_cast %get3A_111 : vector<1x16xf32> to vector<16xf32>
        %get3A_113 = arith.index_cast %add3A_109 : i32 to index
        %get3A_114 = arith.constant 0 : index
        %get3A_115 = tpu.vector_load %arg11[%get3A_113, %get3A_114] {strides = array<i32>} : memref<80x64xf32, #tpu.memory_space<vmem>>, vector<1x16xf32>,
        %get3A_116 = vector.shape_cast %get3A_115 : vector<1x16xf32> to vector<16xf32>
        %add3A_117 = arith.addf %get3A_112, %get3A_116 : vector<16xf32>
        %max3A = arith.constant 0.000000e+00 : f32
        %max3A_118 = vector.broadcast %max3A : f32 to vector<16xf32>
        %max3A_119 = arith.maximumf %add3A_117, %max3A_118 : vector<16xf32>
        %swap3A = arith.index_cast %add3A_109 : i32 to index
        %swap3A_120 = arith.constant 0 : index
        %swap3A_121 = tpu.vector_load %arg9[%swap3A, %swap3A_120] {strides = array<i32>} : memref<80x128xf32, #tpu.memory_space<vmem>>, vector<1x16xf32>,
        %swap3A_122 = vector.shape_cast %swap3A_121 : vector<1x16xf32> to vector<16xf32>
        %swap3A_123 = vector.shape_cast %max3A_119 : vector<16xf32> to vector<1x16xf32>
        tpu.vector_store %arg9[%swap3A, %swap3A_120], %swap3A_123 {strides = array<i32>} : memref<80x128xf32, #tpu.memory_space<vmem>>, vector<1x16xf32>,
        %get3A_124 = arith.index_cast %add3A_109 : i32 to index
        %get3A_125 = arith.constant 16 : index
        %get3A_126 = tpu.vector_load %arg9[%get3A_124, %get3A_125] {strides = array<i32>} : memref<80x128xf32, #tpu.memory_space<vmem>>, vector<1x16xf32>,
        %get3A_127 = vector.shape_cast %get3A_126 : vector<1x16xf32> to vector<16xf32>
        %get3A_128 = arith.index_cast %add3A_109 : i32 to index
        %get3A_129 = arith.constant 16 : index
        %get3A_130 = tpu.vector_load %arg11[%get3A_128, %get3A_129] {strides = array<i32>} : memref<80x64xf32, #tpu.memory_space<vmem>>, vector<1x16xf32>,
        %get3A_131 = vector.shape_cast %get3A_130 : vector<1x16xf32> to vector<16xf32>
        %add3A_132 = arith.addf %get3A_127, %get3A_131 : vector<16xf32>
        %max3A_133 = arith.constant 0.000000e+00 : f32
        %max3A_134 = vector.broadcast %max3A_133 : f32 to vector<16xf32>
        %max3A_135 = arith.maximumf %add3A_132, %max3A_134 : vector<16xf32>
        %swap3A_136 = arith.index_cast %add3A_109 : i32 to index
        %swap3A_137 = arith.constant 16 : index
        %swap3A_138 = tpu.vector_load %arg9[%swap3A_136, %swap3A_137] {strides = array<i32>} : memref<80x128xf32, #tpu.memory_space<vmem>>, vector<1x16xf32>,
        %swap3A_139 = vector.shape_cast %swap3A_138 : vector<1x16xf32> to vector<16xf32>
        %swap3A_140 = vector.shape_cast %max3A_135 : vector<16xf32> to vector<1x16xf32>
        tpu.vector_store %arg9[%swap3A_136, %swap3A_137], %swap3A_140 {strides = array<i32>} : memref<80x128xf32, #tpu.memory_space<vmem>>, vector<1x16xf32>,
        %get3A_141 = arith.index_cast %add3A_109 : i32 to index
        %get3A_142 = arith.constant 32 : index
        %get3A_143 = tpu.vector_load %arg9[%get3A_141, %get3A_142] {strides = array<i32>} : memref<80x128xf32, #tpu.memory_space<vmem>>, vector<1x16xf32>,
        %get3A_144 = vector.shape_cast %get3A_143 : vector<1x16xf32> to vector<16xf32>
        %get3A_145 = arith.index_cast %add3A_109 : i32 to index
        %get3A_146 = arith.constant 32 : index
        %get3A_147 = tpu.vector_load %arg11[%get3A_145, %get3A_146] {strides = array<i32>} : memref<80x64xf32, #tpu.memory_space<vmem>>, vector<1x16xf32>,
        %get3A_148 = vector.shape_cast %get3A_147 : vector<1x16xf32> to vector<16xf32>
        %add3A_149 = arith.addf %get3A_144, %get3A_148 : vector<16xf32>
        %max3A_150 = arith.constant 0.000000e+00 : f32
        %max3A_151 = vector.broadcast %max3A_150 : f32 to vector<16xf32>
        %max3A_152 = arith.maximumf %add3A_149, %max3A_151 : vector<16xf32>
        %swap3A_153 = arith.index_cast %add3A_109 : i32 to index
        %swap3A_154 = arith.constant 32 : index
        %swap3A_155 = tpu.vector_load %arg9[%swap3A_153, %swap3A_154] {strides = array<i32>} : memref<80x128xf32, #tpu.memory_space<vmem>>, vector<1x16xf32>,
        %swap3A_156 = vector.shape_cast %swap3A_155 : vector<1x16xf32> to vector<16xf32>
        %swap3A_157 = vector.shape_cast %max3A_152 : vector<16xf32> to vector<1x16xf32>
        tpu.vector_store %arg9[%swap3A_153, %swap3A_154], %swap3A_157 {strides = array<i32>} : memref<80x128xf32, #tpu.memory_space<vmem>>, vector<1x16xf32>,
        %get3A_158 = arith.index_cast %add3A_109 : i32 to index
        %get3A_159 = arith.constant 48 : index
        %get3A_160 = tpu.vector_load %arg9[%get3A_158, %get3A_159] {strides = array<i32>} : memref<80x128xf32, #tpu.memory_space<vmem>>, vector<1x16xf32>,
        %get3A_161 = vector.shape_cast %get3A_160 : vector<1x16xf32> to vector<16xf32>
        %get3A_162 = arith.index_cast %add3A_109 : i32 to index
        %get3A_163 = arith.constant 48 : index
        %get3A_164 = tpu.vector_load %arg11[%get3A_162, %get3A_163] {strides = array<i32>} : memref<80x64xf32, #tpu.memory_space<vmem>>, vector<1x16xf32>,
        %get3A_165 = vector.shape_cast %get3A_164 : vector<1x16xf32> to vector<16xf32>
        %add3A_166 = arith.addf %get3A_161, %get3A_165 : vector<16xf32>
        %max3A_167 = arith.constant 0.000000e+00 : f32
        %max3A_168 = vector.broadcast %max3A_167 : f32 to vector<16xf32>
        %max3A_169 = arith.maximumf %add3A_166, %max3A_168 : vector<16xf32>
        %swap3A_170 = arith.index_cast %add3A_109 : i32 to index
        %swap3A_171 = arith.constant 48 : index
        %swap3A_172 = tpu.vector_load %arg9[%swap3A_170, %swap3A_171] {strides = array<i32>} : memref<80x128xf32, #tpu.memory_space<vmem>>, vector<1x16xf32>,
        %swap3A_173 = vector.shape_cast %swap3A_172 : vector<1x16xf32> to vector<16xf32>
        %swap3A_174 = vector.shape_cast %max3A_169 : vector<16xf32> to vector<1x16xf32>
        tpu.vector_store %arg9[%swap3A_170, %swap3A_171], %swap3A_174 {strides = array<i32>} : memref<80x128xf32, #tpu.memory_space<vmem>>, vector<1x16xf32>,
      }
      %scan3A_104 = arith.constant 80 : i32
      %run_scoped3A = arith.constant 24 : i32
      "tpu.region"() ({
        %run_scoped3A_105 = tpu.sem_alloc : memref<!tpu.dma_semaphore, #tpu.memory_space<semaphore_mem>>
        %dma_start3A_106 = arith.constant 0 : i32
        %dma_start3A_107 = tpu.memref_slice %arg8[%run_scoped3A, %dma_start3A_106] : memref<25x80xi32, #tpu.memory_space<vmem>> -> memref<1x80xi32, #tpu.memory_space<vmem>>
        %dma_start3A_108 = tpu.memref_squeeze %dma_start3A_107 : memref<1x80xi32, #tpu.memory_space<vmem>> -> memref<80xi32, #tpu.memory_space<vmem>>
        %dma_start3A_109 = arith.constant 0 : i32
        %dma_start3A_110 = arith.constant 0 : i32
        %dma_start3A_111 = tpu.memref_slice %arg13[%dma_start3A_109, %dma_start3A_110] : memref<10000x128xf32, #tpu.memory_space<vmem_shared>> -> memref<10000x128xf32, #tpu.memory_space<vmem_shared>>
        tpu.enqueue_indirect_dma source(%arg9 : memref<80x128xf32, #tpu.memory_space<vmem>>) target(%dma_start3A_111 : memref<10000x128xf32, #tpu.memory_space<vmem_shared>>) offsets(%dma_start3A_108 : memref<80xi32, #tpu.memory_space<vmem>>) semaphore(%run_scoped3A_105 : memref<!tpu.dma_semaphore, #tpu.memory_space<semaphore_mem>>) {add = true}
        %dma_wait3A_112 = arith.constant 0 : i32
        %dma_wait3A_113 = tpu.memref_slice %arg8[%run_scoped3A, %dma_wait3A_112] : memref<25x80xi32, #tpu.memory_space<vmem>> -> memref<1x80xi32, #tpu.memory_space<vmem>>
        %dma_wait3A_114 = tpu.memref_squeeze %dma_wait3A_113 : memref<1x80xi32, #tpu.memory_space<vmem>> -> memref<80xi32, #tpu.memory_space<vmem>>
        %dma_wait3A_115 = arith.constant 0 : i32
        %dma_wait3A_116 = arith.constant 0 : i32
        %dma_wait3A_117 = tpu.memref_slice %arg13[%dma_wait3A_115, %dma_wait3A_116] : memref<10000x128xf32, #tpu.memory_space<vmem_shared>> -> memref<10000x128xf32, #tpu.memory_space<vmem_shared>>
        tpu.wait_indirect_dma semaphore(%run_scoped3A_105 : memref<!tpu.dma_semaphore, #tpu.memory_space<semaphore_mem>>) src(%arg9 : memref<80x128xf32, #tpu.memory_space<vmem>>) dst(%dma_wait3A_117 : memref<10000x128xf32, #tpu.memory_space<vmem_shared>>)
        tpu.yield
      }) : () -> ()
    }
    %scan3A_45 = arith.constant 5 : i32
    %barrier3A_46 = arith.constant 0 : index
    tpu.barrier barrier_id(%barrier3A_46)
    %mul3A_47 = arith.constant 624 : i32
    %mul3A_48 = arith.muli %arg1, %mul3A_47 : i32
    %mul3A_49 = arith.constant 624 : i32
    %mul3A_50 = arith.muli %arg1, %mul3A_49 : i32
    "tpu.region"() ({
      %run_scoped3A = tpu.sem_alloc : memref<!tpu.dma_semaphore, #tpu.memory_space<semaphore_mem>>
      %dma_start3A = arith.constant 0 : i32
      %dma_start3A_56 = tpu.memref_slice %arg6[%arg0, %mul3A_50, %dma_start3A] : memref<2x10000x128xf32, #tpu.memory_space<hbm>> -> memref<1x624x128xf32, #tpu.memory_space<hbm>>
      %dma_start3A_57 = tpu.memref_squeeze %dma_start3A_56 : memref<1x624x128xf32, #tpu.memory_space<hbm>> -> memref<624x128xf32, #tpu.memory_space<hbm>>
      %dma_start3A_58 = arith.constant 0 : i32
      %dma_start3A_59 = tpu.memref_slice %arg13[%mul3A_48, %dma_start3A_58] : memref<10000x128xf32, #tpu.memory_space<vmem_shared>> -> memref<624x128xf32, #tpu.memory_space<vmem_shared>>
      tpu.enqueue_dma source(%dma_start3A_59 : memref<624x128xf32, #tpu.memory_space<vmem_shared>>) target(%dma_start3A_57 : memref<624x128xf32, #tpu.memory_space<hbm>>) target_semaphore(%run_scoped3A : memref<!tpu.dma_semaphore, #tpu.memory_space<semaphore_mem>>)
      %dma_wait3A = arith.constant 0 : i32
      %dma_wait3A_60 = tpu.memref_slice %arg6[%arg0, %mul3A_50, %dma_wait3A] : memref<2x10000x128xf32, #tpu.memory_space<hbm>> -> memref<1x624x128xf32, #tpu.memory_space<hbm>>
      %dma_wait3A_61 = tpu.memref_squeeze %dma_wait3A_60 : memref<1x624x128xf32, #tpu.memory_space<hbm>> -> memref<624x128xf32, #tpu.memory_space<hbm>>
      %dma_wait3A_62 = arith.constant 0 : i32
      %dma_wait3A_63 = tpu.memref_slice %arg13[%mul3A_48, %dma_wait3A_62] : memref<10000x128xf32, #tpu.memory_space<vmem_shared>> -> memref<624x128xf32, #tpu.memory_space<vmem_shared>>
      tpu.wait_dma2 semaphore(%run_scoped3A : memref<!tpu.dma_semaphore, #tpu.memory_space<semaphore_mem>>) src(%dma_wait3A_63 : memref<624x128xf32, #tpu.memory_space<vmem_shared>>) dst(%dma_wait3A_61 : memref<624x128xf32, #tpu.memory_space<hbm>>)
      tpu.yield
    }) : () -> ()
    %eq3A_51 = arith.constant 15 : i32
    %eq3A_52 = arith.cmpi eq, %arg1, %eq3A_51 : i32
    %convert_element_type3A_53 = arith.extui %eq3A_52 : i1 to i32
    %cond3A_54 = arith.constant 0 : i32
    %cond3A_55 = arith.cmpi ne, %convert_element_type3A_53, %cond3A_54 : i32
    scf.if %cond3A_55 {
      "tpu.region"() ({
        %run_scoped3A = tpu.sem_alloc : memref<!tpu.dma_semaphore, #tpu.memory_space<semaphore_mem>>
        %dma_start3A = arith.constant 9984 : i32
        %dma_start3A_56 = arith.constant 0 : i32
        %dma_start3A_57 = tpu.memref_slice %arg6[%arg0, %dma_start3A, %dma_start3A_56] : memref<2x10000x128xf32, #tpu.memory_space<hbm>> -> memref<1x16x128xf32, #tpu.memory_space<hbm>>
        %dma_start3A_58 = tpu.memref_squeeze %dma_start3A_57 : memref<1x16x128xf32, #tpu.memory_space<hbm>> -> memref<16x128xf32, #tpu.memory_space<hbm>>
        %dma_start3A_59 = arith.constant 9984 : i32
        %dma_start3A_60 = arith.constant 0 : i32
        %dma_start3A_61 = tpu.memref_slice %arg13[%dma_start3A_59, %dma_start3A_60] : memref<10000x128xf32, #tpu.memory_space<vmem_shared>> -> memref<16x128xf32, #tpu.memory_space<vmem_shared>>
        tpu.enqueue_dma source(%dma_start3A_61 : memref<16x128xf32, #tpu.memory_space<vmem_shared>>) target(%dma_start3A_58 : memref<16x128xf32, #tpu.memory_space<hbm>>) target_semaphore(%run_scoped3A : memref<!tpu.dma_semaphore, #tpu.memory_space<semaphore_mem>>)
        %dma_wait3A = arith.constant 9984 : i32
        %dma_wait3A_62 = arith.constant 0 : i32
        %dma_wait3A_63 = tpu.memref_slice %arg6[%arg0, %dma_wait3A, %dma_wait3A_62] : memref<2x10000x128xf32, #tpu.memory_space<hbm>> -> memref<1x16x128xf32, #tpu.memory_space<hbm>>
        %dma_wait3A_64 = tpu.memref_squeeze %dma_wait3A_63 : memref<1x16x128xf32, #tpu.memory_space<hbm>> -> memref<16x128xf32, #tpu.memory_space<hbm>>
        %dma_wait3A_65 = arith.constant 9984 : i32
        %dma_wait3A_66 = arith.constant 0 : i32
        %dma_wait3A_67 = tpu.memref_slice %arg13[%dma_wait3A_65, %dma_wait3A_66] : memref<10000x128xf32, #tpu.memory_space<vmem_shared>> -> memref<16x128xf32, #tpu.memory_space<vmem_shared>>
        tpu.wait_dma2 semaphore(%run_scoped3A : memref<!tpu.dma_semaphore, #tpu.memory_space<semaphore_mem>>) src(%dma_wait3A_67 : memref<16x128xf32, #tpu.memory_space<vmem_shared>>) dst(%dma_wait3A_64 : memref<16x128xf32, #tpu.memory_space<hbm>>)
        tpu.yield
      }) : () -> ()
    } else {
    }
    return
  }
}

#map = affine_map<(d0, d1) -> (0, 0)>
#map1 = affine_map<(d0, d1) -> (0, 0, 0, 0)>
#map2 = affine_map<(d0, d1) -> (0, 0, 0)>
module attributes {stable_mosaic.version = 14 : i64} {
  func.func @segsum(%arg0: i32, %arg1: i32, %arg2: memref<10000x128xf32, #tpu.memory_space<hbm>>, %arg3: memref<320000x128xf32, #tpu.memory_space<hbm>>, %arg4: memref<32x5x25x80xi32, #tpu.memory_space<hbm>>, %arg5: memref<32x5x25x80xi32, #tpu.memory_space<hbm>>, %arg6: memref<2x10000x128xf32, #tpu.memory_space<hbm>>, %arg7: memref<25x80xi32, #tpu.memory_space<vmem>>, %arg8: memref<25x80xi32, #tpu.memory_space<vmem>>, %arg9: memref<80x128xf32, #tpu.memory_space<vmem>>, %arg10: memref<80x128xf32, #tpu.memory_space<vmem>>, %arg11: memref<80x128xf32, #tpu.memory_space<vmem>>, %arg12: memref<80x128xf32, #tpu.memory_space<vmem>>, %arg13: memref<10000x128xf32, #tpu.memory_space<vmem_shared>>, %arg14: memref<!tpu.dma_semaphore, #tpu.memory_space<semaphore_mem>>, %arg15: memref<!tpu.dma_semaphore, #tpu.memory_space<semaphore_mem>>, %arg16: memref<!tpu.dma_semaphore, #tpu.memory_space<semaphore_mem>>, %arg17: memref<!tpu.dma_semaphore, #tpu.memory_space<semaphore_mem>>) attributes {dimension_semantics = [#tpu.dimension_semantics<core_parallel>, #tpu.dimension_semantics<subcore_parallel>], iteration_bounds = array<i64: 2, 16>, scalar_prefetch = 0 : i64, scratch_operands = 11 : i64, tpu.core_type = #tpu.core_type<sc_vector_subcore>, window_params = [{transform_indices = #map}, {transform_indices = #map}, {transform_indices = #map1}, {transform_indices = #map1}, {transform_indices = #map2}]} {
    %mul3A = arith.constant 16 : i32
    %mul3A_0 = arith.muli %arg0, %mul3A : i32
    %add3A = arith.addi %mul3A_0, %arg1 : i32
    %scan3A = arith.constant 0 : i32
    %scan3A_1 = arith.constant 80 : i32
    %scan3A_2 = arith.addi %scan3A, %scan3A_1 : i32
    %scan3A_3 = arith.constant 1 : i32
    scf.for %scan3A_56 = %scan3A to %scan3A_2 step %scan3A_3  : i32 {
      %mul3A_57 = arith.constant 1 : i32
      %mul3A_58 = arith.muli %scan3A_56, %mul3A_57 : i32
      %add3A_59 = arith.constant 0 : i32
      %add3A_60 = arith.addi %add3A_59, %mul3A_58 : i32
      %broadcast_in_dim3A = arith.constant 0.000000e+00 : f32
      %broadcast_in_dim3A_61 = vector.broadcast %broadcast_in_dim3A : f32 to vector<16xf32>
      %swap3A = arith.index_cast %add3A_60 : i32 to index
      %swap3A_62 = arith.constant 0 : index
      %swap3A_63 = tpu.vector_load %arg9[%swap3A, %swap3A_62] {strides = array<i32>} : memref<80x128xf32, #tpu.memory_space<vmem>>, vector<1x16xf32>,
      %swap3A_64 = vector.shape_cast %swap3A_63 : vector<1x16xf32> to vector<16xf32>
      %swap3A_65 = vector.shape_cast %broadcast_in_dim3A_61 : vector<16xf32> to vector<1x16xf32>
      tpu.vector_store %arg9[%swap3A, %swap3A_62], %swap3A_65 {strides = array<i32>} : memref<80x128xf32, #tpu.memory_space<vmem>>, vector<1x16xf32>,
      %broadcast_in_dim3A_66 = arith.constant 0.000000e+00 : f32
      %broadcast_in_dim3A_67 = vector.broadcast %broadcast_in_dim3A_66 : f32 to vector<16xf32>
      %swap3A_68 = arith.index_cast %add3A_60 : i32 to index
      %swap3A_69 = arith.constant 16 : index
      %swap3A_70 = tpu.vector_load %arg9[%swap3A_68, %swap3A_69] {strides = array<i32>} : memref<80x128xf32, #tpu.memory_space<vmem>>, vector<1x16xf32>,
      %swap3A_71 = vector.shape_cast %swap3A_70 : vector<1x16xf32> to vector<16xf32>
      %swap3A_72 = vector.shape_cast %broadcast_in_dim3A_67 : vector<16xf32> to vector<1x16xf32>
      tpu.vector_store %arg9[%swap3A_68, %swap3A_69], %swap3A_72 {strides = array<i32>} : memref<80x128xf32, #tpu.memory_space<vmem>>, vector<1x16xf32>,
      %broadcast_in_dim3A_73 = arith.constant 0.000000e+00 : f32
      %broadcast_in_dim3A_74 = vector.broadcast %broadcast_in_dim3A_73 : f32 to vector<16xf32>
      %swap3A_75 = arith.index_cast %add3A_60 : i32 to index
      %swap3A_76 = arith.constant 32 : index
      %swap3A_77 = tpu.vector_load %arg9[%swap3A_75, %swap3A_76] {strides = array<i32>} : memref<80x128xf32, #tpu.memory_space<vmem>>, vector<1x16xf32>,
      %swap3A_78 = vector.shape_cast %swap3A_77 : vector<1x16xf32> to vector<16xf32>
      %swap3A_79 = vector.shape_cast %broadcast_in_dim3A_74 : vector<16xf32> to vector<1x16xf32>
      tpu.vector_store %arg9[%swap3A_75, %swap3A_76], %swap3A_79 {strides = array<i32>} : memref<80x128xf32, #tpu.memory_space<vmem>>, vector<1x16xf32>,
      %broadcast_in_dim3A_80 = arith.constant 0.000000e+00 : f32
      %broadcast_in_dim3A_81 = vector.broadcast %broadcast_in_dim3A_80 : f32 to vector<16xf32>
      %swap3A_82 = arith.index_cast %add3A_60 : i32 to index
      %swap3A_83 = arith.constant 48 : index
      %swap3A_84 = tpu.vector_load %arg9[%swap3A_82, %swap3A_83] {strides = array<i32>} : memref<80x128xf32, #tpu.memory_space<vmem>>, vector<1x16xf32>,
      %swap3A_85 = vector.shape_cast %swap3A_84 : vector<1x16xf32> to vector<16xf32>
      %swap3A_86 = vector.shape_cast %broadcast_in_dim3A_81 : vector<16xf32> to vector<1x16xf32>
      tpu.vector_store %arg9[%swap3A_82, %swap3A_83], %swap3A_86 {strides = array<i32>} : memref<80x128xf32, #tpu.memory_space<vmem>>, vector<1x16xf32>,
      %broadcast_in_dim3A_87 = arith.constant 0.000000e+00 : f32
      %broadcast_in_dim3A_88 = vector.broadcast %broadcast_in_dim3A_87 : f32 to vector<16xf32>
      %swap3A_89 = arith.index_cast %add3A_60 : i32 to index
      %swap3A_90 = arith.constant 64 : index
      %swap3A_91 = tpu.vector_load %arg9[%swap3A_89, %swap3A_90] {strides = array<i32>} : memref<80x128xf32, #tpu.memory_space<vmem>>, vector<1x16xf32>,
      %swap3A_92 = vector.shape_cast %swap3A_91 : vector<1x16xf32> to vector<16xf32>
      %swap3A_93 = vector.shape_cast %broadcast_in_dim3A_88 : vector<16xf32> to vector<1x16xf32>
      tpu.vector_store %arg9[%swap3A_89, %swap3A_90], %swap3A_93 {strides = array<i32>} : memref<80x128xf32, #tpu.memory_space<vmem>>, vector<1x16xf32>,
      %broadcast_in_dim3A_94 = arith.constant 0.000000e+00 : f32
      %broadcast_in_dim3A_95 = vector.broadcast %broadcast_in_dim3A_94 : f32 to vector<16xf32>
      %swap3A_96 = arith.index_cast %add3A_60 : i32 to index
      %swap3A_97 = arith.constant 80 : index
      %swap3A_98 = tpu.vector_load %arg9[%swap3A_96, %swap3A_97] {strides = array<i32>} : memref<80x128xf32, #tpu.memory_space<vmem>>, vector<1x16xf32>,
      %swap3A_99 = vector.shape_cast %swap3A_98 : vector<1x16xf32> to vector<16xf32>
      %swap3A_100 = vector.shape_cast %broadcast_in_dim3A_95 : vector<16xf32> to vector<1x16xf32>
      tpu.vector_store %arg9[%swap3A_96, %swap3A_97], %swap3A_100 {strides = array<i32>} : memref<80x128xf32, #tpu.memory_space<vmem>>, vector<1x16xf32>,
      %broadcast_in_dim3A_101 = arith.constant 0.000000e+00 : f32
      %broadcast_in_dim3A_102 = vector.broadcast %broadcast_in_dim3A_101 : f32 to vector<16xf32>
      %swap3A_103 = arith.index_cast %add3A_60 : i32 to index
      %swap3A_104 = arith.constant 96 : index
      %swap3A_105 = tpu.vector_load %arg9[%swap3A_103, %swap3A_104] {strides = array<i32>} : memref<80x128xf32, #tpu.memory_space<vmem>>, vector<1x16xf32>,
      %swap3A_106 = vector.shape_cast %swap3A_105 : vector<1x16xf32> to vector<16xf32>
      %swap3A_107 = vector.shape_cast %broadcast_in_dim3A_102 : vector<16xf32> to vector<1x16xf32>
      tpu.vector_store %arg9[%swap3A_103, %swap3A_104], %swap3A_107 {strides = array<i32>} : memref<80x128xf32, #tpu.memory_space<vmem>>, vector<1x16xf32>,
      %broadcast_in_dim3A_108 = arith.constant 0.000000e+00 : f32
      %broadcast_in_dim3A_109 = vector.broadcast %broadcast_in_dim3A_108 : f32 to vector<16xf32>
      %swap3A_110 = arith.index_cast %add3A_60 : i32 to index
      %swap3A_111 = arith.constant 112 : index
      %swap3A_112 = tpu.vector_load %arg9[%swap3A_110, %swap3A_111] {strides = array<i32>} : memref<80x128xf32, #tpu.memory_space<vmem>>, vector<1x16xf32>,
      %swap3A_113 = vector.shape_cast %swap3A_112 : vector<1x16xf32> to vector<16xf32>
      %swap3A_114 = vector.shape_cast %broadcast_in_dim3A_109 : vector<16xf32> to vector<1x16xf32>
      tpu.vector_store %arg9[%swap3A_110, %swap3A_111], %swap3A_114 {strides = array<i32>} : memref<80x128xf32, #tpu.memory_space<vmem>>, vector<1x16xf32>,
    }
    %scan3A_4 = arith.constant 80 : i32
    %mul3A_5 = arith.constant 624 : i32
    %mul3A_6 = arith.muli %arg1, %mul3A_5 : i32
    %add3A_7 = arith.constant 0 : i32
    %add3A_8 = arith.addi %mul3A_6, %add3A_7 : i32
    "tpu.region"() ({
      %run_scoped3A = tpu.sem_alloc : memref<!tpu.dma_semaphore, #tpu.memory_space<semaphore_mem>>
      %dma_start3A = arith.constant 0 : i32
      %dma_start3A_56 = tpu.memref_slice %arg13[%add3A_8, %dma_start3A] : memref<10000x128xf32, #tpu.memory_space<vmem_shared>> -> memref<80x128xf32, #tpu.memory_space<vmem_shared>>
      %dma_start3A_57 = arith.constant 0 : i32
      %dma_start3A_58 = tpu.memref_slice %arg13[%add3A_8, %dma_start3A_57] : memref<10000x128xf32, #tpu.memory_space<vmem_shared>> -> memref<80x128xf32, #tpu.memory_space<vmem_shared>>
      tpu.enqueue_dma source(%arg9 : memref<80x128xf32, #tpu.memory_space<vmem>>) target(%dma_start3A_58 : memref<80x128xf32, #tpu.memory_space<vmem_shared>>) target_semaphore(%run_scoped3A : memref<!tpu.dma_semaphore, #tpu.memory_space<semaphore_mem>>)
      %dma_wait3A = arith.constant 0 : i32
      %dma_wait3A_59 = tpu.memref_slice %arg13[%add3A_8, %dma_wait3A] : memref<10000x128xf32, #tpu.memory_space<vmem_shared>> -> memref<80x128xf32, #tpu.memory_space<vmem_shared>>
      %dma_wait3A_60 = arith.constant 0 : i32
      %dma_wait3A_61 = tpu.memref_slice %arg13[%add3A_8, %dma_wait3A_60] : memref<10000x128xf32, #tpu.memory_space<vmem_shared>> -> memref<80x128xf32, #tpu.memory_space<vmem_shared>>
      tpu.wait_dma2 semaphore(%run_scoped3A : memref<!tpu.dma_semaphore, #tpu.memory_space<semaphore_mem>>) src(%arg9 : memref<80x128xf32, #tpu.memory_space<vmem>>) dst(%dma_wait3A_61 : memref<80x128xf32, #tpu.memory_space<vmem_shared>>)
      tpu.yield
    }) : () -> ()
    %mul3A_9 = arith.constant 624 : i32
    %mul3A_10 = arith.muli %arg1, %mul3A_9 : i32
    %add3A_11 = arith.constant 80 : i32
    %add3A_12 = arith.addi %mul3A_10, %add3A_11 : i32
    "tpu.region"() ({
      %run_scoped3A = tpu.sem_alloc : memref<!tpu.dma_semaphore, #tpu.memory_space<semaphore_mem>>
      %dma_start3A = arith.constant 0 : i32
      %dma_start3A_56 = tpu.memref_slice %arg13[%add3A_12, %dma_start3A] : memref<10000x128xf32, #tpu.memory_space<vmem_shared>> -> memref<80x128xf32, #tpu.memory_space<vmem_shared>>
      %dma_start3A_57 = arith.constant 0 : i32
      %dma_start3A_58 = tpu.memref_slice %arg13[%add3A_12, %dma_start3A_57] : memref<10000x128xf32, #tpu.memory_space<vmem_shared>> -> memref<80x128xf32, #tpu.memory_space<vmem_shared>>
      tpu.enqueue_dma source(%arg9 : memref<80x128xf32, #tpu.memory_space<vmem>>) target(%dma_start3A_58 : memref<80x128xf32, #tpu.memory_space<vmem_shared>>) target_semaphore(%run_scoped3A : memref<!tpu.dma_semaphore, #tpu.memory_space<semaphore_mem>>)
      %dma_wait3A = arith.constant 0 : i32
      %dma_wait3A_59 = tpu.memref_slice %arg13[%add3A_12, %dma_wait3A] : memref<10000x128xf32, #tpu.memory_space<vmem_shared>> -> memref<80x128xf32, #tpu.memory_space<vmem_shared>>
      %dma_wait3A_60 = arith.constant 0 : i32
      %dma_wait3A_61 = tpu.memref_slice %arg13[%add3A_12, %dma_wait3A_60] : memref<10000x128xf32, #tpu.memory_space<vmem_shared>> -> memref<80x128xf32, #tpu.memory_space<vmem_shared>>
      tpu.wait_dma2 semaphore(%run_scoped3A : memref<!tpu.dma_semaphore, #tpu.memory_space<semaphore_mem>>) src(%arg9 : memref<80x128xf32, #tpu.memory_space<vmem>>) dst(%dma_wait3A_61 : memref<80x128xf32, #tpu.memory_space<vmem_shared>>)
      tpu.yield
    }) : () -> ()
    %mul3A_13 = arith.constant 624 : i32
    %mul3A_14 = arith.muli %arg1, %mul3A_13 : i32
    %add3A_15 = arith.constant 160 : i32
    %add3A_16 = arith.addi %mul3A_14, %add3A_15 : i32
    "tpu.region"() ({
      %run_scoped3A = tpu.sem_alloc : memref<!tpu.dma_semaphore, #tpu.memory_space<semaphore_mem>>
      %dma_start3A = arith.constant 0 : i32
      %dma_start3A_56 = tpu.memref_slice %arg13[%add3A_16, %dma_start3A] : memref<10000x128xf32, #tpu.memory_space<vmem_shared>> -> memref<80x128xf32, #tpu.memory_space<vmem_shared>>
      %dma_start3A_57 = arith.constant 0 : i32
      %dma_start3A_58 = tpu.memref_slice %arg13[%add3A_16, %dma_start3A_57] : memref<10000x128xf32, #tpu.memory_space<vmem_shared>> -> memref<80x128xf32, #tpu.memory_space<vmem_shared>>
      tpu.enqueue_dma source(%arg9 : memref<80x128xf32, #tpu.memory_space<vmem>>) target(%dma_start3A_58 : memref<80x128xf32, #tpu.memory_space<vmem_shared>>) target_semaphore(%run_scoped3A : memref<!tpu.dma_semaphore, #tpu.memory_space<semaphore_mem>>)
      %dma_wait3A = arith.constant 0 : i32
      %dma_wait3A_59 = tpu.memref_slice %arg13[%add3A_16, %dma_wait3A] : memref<10000x128xf32, #tpu.memory_space<vmem_shared>> -> memref<80x128xf32, #tpu.memory_space<vmem_shared>>
      %dma_wait3A_60 = arith.constant 0 : i32
      %dma_wait3A_61 = tpu.memref_slice %arg13[%add3A_16, %dma_wait3A_60] : memref<10000x128xf32, #tpu.memory_space<vmem_shared>> -> memref<80x128xf32, #tpu.memory_space<vmem_shared>>
      tpu.wait_dma2 semaphore(%run_scoped3A : memref<!tpu.dma_semaphore, #tpu.memory_space<semaphore_mem>>) src(%arg9 : memref<80x128xf32, #tpu.memory_space<vmem>>) dst(%dma_wait3A_61 : memref<80x128xf32, #tpu.memory_space<vmem_shared>>)
      tpu.yield
    }) : () -> ()
    %mul3A_17 = arith.constant 624 : i32
    %mul3A_18 = arith.muli %arg1, %mul3A_17 : i32
    %add3A_19 = arith.constant 240 : i32
    %add3A_20 = arith.addi %mul3A_18, %add3A_19 : i32
    "tpu.region"() ({
      %run_scoped3A = tpu.sem_alloc : memref<!tpu.dma_semaphore, #tpu.memory_space<semaphore_mem>>
      %dma_start3A = arith.constant 0 : i32
      %dma_start3A_56 = tpu.memref_slice %arg13[%add3A_20, %dma_start3A] : memref<10000x128xf32, #tpu.memory_space<vmem_shared>> -> memref<80x128xf32, #tpu.memory_space<vmem_shared>>
      %dma_start3A_57 = arith.constant 0 : i32
      %dma_start3A_58 = tpu.memref_slice %arg13[%add3A_20, %dma_start3A_57] : memref<10000x128xf32, #tpu.memory_space<vmem_shared>> -> memref<80x128xf32, #tpu.memory_space<vmem_shared>>
      tpu.enqueue_dma source(%arg9 : memref<80x128xf32, #tpu.memory_space<vmem>>) target(%dma_start3A_58 : memref<80x128xf32, #tpu.memory_space<vmem_shared>>) target_semaphore(%run_scoped3A : memref<!tpu.dma_semaphore, #tpu.memory_space<semaphore_mem>>)
      %dma_wait3A = arith.constant 0 : i32
      %dma_wait3A_59 = tpu.memref_slice %arg13[%add3A_20, %dma_wait3A] : memref<10000x128xf32, #tpu.memory_space<vmem_shared>> -> memref<80x128xf32, #tpu.memory_space<vmem_shared>>
      %dma_wait3A_60 = arith.constant 0 : i32
      %dma_wait3A_61 = tpu.memref_slice %arg13[%add3A_20, %dma_wait3A_60] : memref<10000x128xf32, #tpu.memory_space<vmem_shared>> -> memref<80x128xf32, #tpu.memory_space<vmem_shared>>
      tpu.wait_dma2 semaphore(%run_scoped3A : memref<!tpu.dma_semaphore, #tpu.memory_space<semaphore_mem>>) src(%arg9 : memref<80x128xf32, #tpu.memory_space<vmem>>) dst(%dma_wait3A_61 : memref<80x128xf32, #tpu.memory_space<vmem_shared>>)
      tpu.yield
    }) : () -> ()
    %mul3A_21 = arith.constant 624 : i32
    %mul3A_22 = arith.muli %arg1, %mul3A_21 : i32
    %add3A_23 = arith.constant 320 : i32
    %add3A_24 = arith.addi %mul3A_22, %add3A_23 : i32
    "tpu.region"() ({
      %run_scoped3A = tpu.sem_alloc : memref<!tpu.dma_semaphore, #tpu.memory_space<semaphore_mem>>
      %dma_start3A = arith.constant 0 : i32
      %dma_start3A_56 = tpu.memref_slice %arg13[%add3A_24, %dma_start3A] : memref<10000x128xf32, #tpu.memory_space<vmem_shared>> -> memref<80x128xf32, #tpu.memory_space<vmem_shared>>
      %dma_start3A_57 = arith.constant 0 : i32
      %dma_start3A_58 = tpu.memref_slice %arg13[%add3A_24, %dma_start3A_57] : memref<10000x128xf32, #tpu.memory_space<vmem_shared>> -> memref<80x128xf32, #tpu.memory_space<vmem_shared>>
      tpu.enqueue_dma source(%arg9 : memref<80x128xf32, #tpu.memory_space<vmem>>) target(%dma_start3A_58 : memref<80x128xf32, #tpu.memory_space<vmem_shared>>) target_semaphore(%run_scoped3A : memref<!tpu.dma_semaphore, #tpu.memory_space<semaphore_mem>>)
      %dma_wait3A = arith.constant 0 : i32
      %dma_wait3A_59 = tpu.memref_slice %arg13[%add3A_24, %dma_wait3A] : memref<10000x128xf32, #tpu.memory_space<vmem_shared>> -> memref<80x128xf32, #tpu.memory_space<vmem_shared>>
      %dma_wait3A_60 = arith.constant 0 : i32
      %dma_wait3A_61 = tpu.memref_slice %arg13[%add3A_24, %dma_wait3A_60] : memref<10000x128xf32, #tpu.memory_space<vmem_shared>> -> memref<80x128xf32, #tpu.memory_space<vmem_shared>>
      tpu.wait_dma2 semaphore(%run_scoped3A : memref<!tpu.dma_semaphore, #tpu.memory_space<semaphore_mem>>) src(%arg9 : memref<80x128xf32, #tpu.memory_space<vmem>>) dst(%dma_wait3A_61 : memref<80x128xf32, #tpu.memory_space<vmem_shared>>)
      tpu.yield
    }) : () -> ()
    %mul3A_25 = arith.constant 624 : i32
    %mul3A_26 = arith.muli %arg1, %mul3A_25 : i32
    %add3A_27 = arith.constant 400 : i32
    %add3A_28 = arith.addi %mul3A_26, %add3A_27 : i32
    "tpu.region"() ({
      %run_scoped3A = tpu.sem_alloc : memref<!tpu.dma_semaphore, #tpu.memory_space<semaphore_mem>>
      %dma_start3A = arith.constant 0 : i32
      %dma_start3A_56 = tpu.memref_slice %arg13[%add3A_28, %dma_start3A] : memref<10000x128xf32, #tpu.memory_space<vmem_shared>> -> memref<80x128xf32, #tpu.memory_space<vmem_shared>>
      %dma_start3A_57 = arith.constant 0 : i32
      %dma_start3A_58 = tpu.memref_slice %arg13[%add3A_28, %dma_start3A_57] : memref<10000x128xf32, #tpu.memory_space<vmem_shared>> -> memref<80x128xf32, #tpu.memory_space<vmem_shared>>
      tpu.enqueue_dma source(%arg9 : memref<80x128xf32, #tpu.memory_space<vmem>>) target(%dma_start3A_58 : memref<80x128xf32, #tpu.memory_space<vmem_shared>>) target_semaphore(%run_scoped3A : memref<!tpu.dma_semaphore, #tpu.memory_space<semaphore_mem>>)
      %dma_wait3A = arith.constant 0 : i32
      %dma_wait3A_59 = tpu.memref_slice %arg13[%add3A_28, %dma_wait3A] : memref<10000x128xf32, #tpu.memory_space<vmem_shared>> -> memref<80x128xf32, #tpu.memory_space<vmem_shared>>
      %dma_wait3A_60 = arith.constant 0 : i32
      %dma_wait3A_61 = tpu.memref_slice %arg13[%add3A_28, %dma_wait3A_60] : memref<10000x128xf32, #tpu.memory_space<vmem_shared>> -> memref<80x128xf32, #tpu.memory_space<vmem_shared>>
      tpu.wait_dma2 semaphore(%run_scoped3A : memref<!tpu.dma_semaphore, #tpu.memory_space<semaphore_mem>>) src(%arg9 : memref<80x128xf32, #tpu.memory_space<vmem>>) dst(%dma_wait3A_61 : memref<80x128xf32, #tpu.memory_space<vmem_shared>>)
      tpu.yield
    }) : () -> ()
    %mul3A_29 = arith.constant 624 : i32
    %mul3A_30 = arith.muli %arg1, %mul3A_29 : i32
    %add3A_31 = arith.constant 480 : i32
    %add3A_32 = arith.addi %mul3A_30, %add3A_31 : i32
    "tpu.region"() ({
      %run_scoped3A = tpu.sem_alloc : memref<!tpu.dma_semaphore, #tpu.memory_space<semaphore_mem>>
      %dma_start3A = arith.constant 0 : i32
      %dma_start3A_56 = tpu.memref_slice %arg13[%add3A_32, %dma_start3A] : memref<10000x128xf32, #tpu.memory_space<vmem_shared>> -> memref<80x128xf32, #tpu.memory_space<vmem_shared>>
      %dma_start3A_57 = arith.constant 0 : i32
      %dma_start3A_58 = tpu.memref_slice %arg13[%add3A_32, %dma_start3A_57] : memref<10000x128xf32, #tpu.memory_space<vmem_shared>> -> memref<80x128xf32, #tpu.memory_space<vmem_shared>>
      tpu.enqueue_dma source(%arg9 : memref<80x128xf32, #tpu.memory_space<vmem>>) target(%dma_start3A_58 : memref<80x128xf32, #tpu.memory_space<vmem_shared>>) target_semaphore(%run_scoped3A : memref<!tpu.dma_semaphore, #tpu.memory_space<semaphore_mem>>)
      %dma_wait3A = arith.constant 0 : i32
      %dma_wait3A_59 = tpu.memref_slice %arg13[%add3A_32, %dma_wait3A] : memref<10000x128xf32, #tpu.memory_space<vmem_shared>> -> memref<80x128xf32, #tpu.memory_space<vmem_shared>>
      %dma_wait3A_60 = arith.constant 0 : i32
      %dma_wait3A_61 = tpu.memref_slice %arg13[%add3A_32, %dma_wait3A_60] : memref<10000x128xf32, #tpu.memory_space<vmem_shared>> -> memref<80x128xf32, #tpu.memory_space<vmem_shared>>
      tpu.wait_dma2 semaphore(%run_scoped3A : memref<!tpu.dma_semaphore, #tpu.memory_space<semaphore_mem>>) src(%arg9 : memref<80x128xf32, #tpu.memory_space<vmem>>) dst(%dma_wait3A_61 : memref<80x128xf32, #tpu.memory_space<vmem_shared>>)
      tpu.yield
    }) : () -> ()
    %mul3A_33 = arith.constant 624 : i32
    %mul3A_34 = arith.muli %arg1, %mul3A_33 : i32
    %add3A_35 = arith.constant 560 : i32
    %add3A_36 = arith.addi %mul3A_34, %add3A_35 : i32
    "tpu.region"() ({
      %run_scoped3A = tpu.sem_alloc : memref<!tpu.dma_semaphore, #tpu.memory_space<semaphore_mem>>
      %dma_start3A = arith.constant 0 : i32
      %dma_start3A_56 = arith.constant 0 : i32
      %dma_start3A_57 = tpu.memref_slice %arg9[%dma_start3A, %dma_start3A_56] : memref<80x128xf32, #tpu.memory_space<vmem>> -> memref<64x128xf32, #tpu.memory_space<vmem>>
      %dma_start3A_58 = arith.constant 0 : i32
      %dma_start3A_59 = tpu.memref_slice %arg13[%add3A_36, %dma_start3A_58] : memref<10000x128xf32, #tpu.memory_space<vmem_shared>> -> memref<64x128xf32, #tpu.memory_space<vmem_shared>>
      %dma_start3A_60 = arith.constant 0 : i32
      %dma_start3A_61 = tpu.memref_slice %arg13[%add3A_36, %dma_start3A_60] : memref<10000x128xf32, #tpu.memory_space<vmem_shared>> -> memref<64x128xf32, #tpu.memory_space<vmem_shared>>
      %dma_start3A_62 = arith.constant 0 : i32
      %dma_start3A_63 = arith.constant 0 : i32
      %dma_start3A_64 = tpu.memref_slice %arg9[%dma_start3A_62, %dma_start3A_63] : memref<80x128xf32, #tpu.memory_space<vmem>> -> memref<64x128xf32, #tpu.memory_space<vmem>>
      tpu.enqueue_dma source(%dma_start3A_64 : memref<64x128xf32, #tpu.memory_space<vmem>>) target(%dma_start3A_61 : memref<64x128xf32, #tpu.memory_space<vmem_shared>>) target_semaphore(%run_scoped3A : memref<!tpu.dma_semaphore, #tpu.memory_space<semaphore_mem>>)
      %dma_wait3A = arith.constant 0 : i32
      %dma_wait3A_65 = arith.constant 0 : i32
      %dma_wait3A_66 = tpu.memref_slice %arg9[%dma_wait3A, %dma_wait3A_65] : memref<80x128xf32, #tpu.memory_space<vmem>> -> memref<64x128xf32, #tpu.memory_space<vmem>>
      %dma_wait3A_67 = arith.constant 0 : i32
      %dma_wait3A_68 = tpu.memref_slice %arg13[%add3A_36, %dma_wait3A_67] : memref<10000x128xf32, #tpu.memory_space<vmem_shared>> -> memref<64x128xf32, #tpu.memory_space<vmem_shared>>
      %dma_wait3A_69 = arith.constant 0 : i32
      %dma_wait3A_70 = tpu.memref_slice %arg13[%add3A_36, %dma_wait3A_69] : memref<10000x128xf32, #tpu.memory_space<vmem_shared>> -> memref<64x128xf32, #tpu.memory_space<vmem_shared>>
      %dma_wait3A_71 = arith.constant 0 : i32
      %dma_wait3A_72 = arith.constant 0 : i32
      %dma_wait3A_73 = tpu.memref_slice %arg9[%dma_wait3A_71, %dma_wait3A_72] : memref<80x128xf32, #tpu.memory_space<vmem>> -> memref<64x128xf32, #tpu.memory_space<vmem>>
      tpu.wait_dma2 semaphore(%run_scoped3A : memref<!tpu.dma_semaphore, #tpu.memory_space<semaphore_mem>>) src(%dma_wait3A_73 : memref<64x128xf32, #tpu.memory_space<vmem>>) dst(%dma_wait3A_70 : memref<64x128xf32, #tpu.memory_space<vmem_shared>>)
      tpu.yield
    }) : () -> ()
    %eq3A = arith.constant 15 : i32
    %eq3A_37 = arith.cmpi eq, %arg1, %eq3A : i32
    %convert_element_type3A = arith.extui %eq3A_37 : i1 to i32
    %cond3A = arith.constant 0 : i32
    %cond3A_38 = arith.cmpi ne, %convert_element_type3A, %cond3A : i32
    scf.if %cond3A_38 {
      "tpu.region"() ({
        %run_scoped3A = tpu.sem_alloc : memref<!tpu.dma_semaphore, #tpu.memory_space<semaphore_mem>>
        %dma_start3A = arith.constant 0 : i32
        %dma_start3A_56 = arith.constant 0 : i32
        %dma_start3A_57 = tpu.memref_slice %arg9[%dma_start3A, %dma_start3A_56] : memref<80x128xf32, #tpu.memory_space<vmem>> -> memref<16x128xf32, #tpu.memory_space<vmem>>
        %dma_start3A_58 = arith.constant 9984 : i32
        %dma_start3A_59 = arith.constant 0 : i32
        %dma_start3A_60 = tpu.memref_slice %arg13[%dma_start3A_58, %dma_start3A_59] : memref<10000x128xf32, #tpu.memory_space<vmem_shared>> -> memref<16x128xf32, #tpu.memory_space<vmem_shared>>
        %dma_start3A_61 = arith.constant 9984 : i32
        %dma_start3A_62 = arith.constant 0 : i32
        %dma_start3A_63 = tpu.memref_slice %arg13[%dma_start3A_61, %dma_start3A_62] : memref<10000x128xf32, #tpu.memory_space<vmem_shared>> -> memref<16x128xf32, #tpu.memory_space<vmem_shared>>
        %dma_start3A_64 = arith.constant 0 : i32
        %dma_start3A_65 = arith.constant 0 : i32
        %dma_start3A_66 = tpu.memref_slice %arg9[%dma_start3A_64, %dma_start3A_65] : memref<80x128xf32, #tpu.memory_space<vmem>> -> memref<16x128xf32, #tpu.memory_space<vmem>>
        tpu.enqueue_dma source(%dma_start3A_66 : memref<16x128xf32, #tpu.memory_space<vmem>>) target(%dma_start3A_63 : memref<16x128xf32, #tpu.memory_space<vmem_shared>>) target_semaphore(%run_scoped3A : memref<!tpu.dma_semaphore, #tpu.memory_space<semaphore_mem>>)
        %dma_wait3A = arith.constant 0 : i32
        %dma_wait3A_67 = arith.constant 0 : i32
        %dma_wait3A_68 = tpu.memref_slice %arg9[%dma_wait3A, %dma_wait3A_67] : memref<80x128xf32, #tpu.memory_space<vmem>> -> memref<16x128xf32, #tpu.memory_space<vmem>>
        %dma_wait3A_69 = arith.constant 9984 : i32
        %dma_wait3A_70 = arith.constant 0 : i32
        %dma_wait3A_71 = tpu.memref_slice %arg13[%dma_wait3A_69, %dma_wait3A_70] : memref<10000x128xf32, #tpu.memory_space<vmem_shared>> -> memref<16x128xf32, #tpu.memory_space<vmem_shared>>
        %dma_wait3A_72 = arith.constant 9984 : i32
        %dma_wait3A_73 = arith.constant 0 : i32
        %dma_wait3A_74 = tpu.memref_slice %arg13[%dma_wait3A_72, %dma_wait3A_73] : memref<10000x128xf32, #tpu.memory_space<vmem_shared>> -> memref<16x128xf32, #tpu.memory_space<vmem_shared>>
        %dma_wait3A_75 = arith.constant 0 : i32
        %dma_wait3A_76 = arith.constant 0 : i32
        %dma_wait3A_77 = tpu.memref_slice %arg9[%dma_wait3A_75, %dma_wait3A_76] : memref<80x128xf32, #tpu.memory_space<vmem>> -> memref<16x128xf32, #tpu.memory_space<vmem>>
        tpu.wait_dma2 semaphore(%run_scoped3A : memref<!tpu.dma_semaphore, #tpu.memory_space<semaphore_mem>>) src(%dma_wait3A_77 : memref<16x128xf32, #tpu.memory_space<vmem>>) dst(%dma_wait3A_74 : memref<16x128xf32, #tpu.memory_space<vmem_shared>>)
        tpu.yield
      }) : () -> ()
    } else {
    }
    %barrier3A = arith.constant 0 : index
    tpu.barrier barrier_id(%barrier3A)
    %mul3A_39 = arith.constant 10000 : i32
    %mul3A_40 = arith.muli %add3A, %mul3A_39 : i32
    %scan3A_41 = arith.constant 0 : i32
    %scan3A_42 = arith.constant 5 : i32
    %scan3A_43 = arith.addi %scan3A_41, %scan3A_42 : i32
    %scan3A_44 = arith.constant 1 : i32
    scf.for %scan3A_56 = %scan3A_41 to %scan3A_43 step %scan3A_44  : i32 {
      %mul3A_57 = arith.constant 1 : i32
      %mul3A_58 = arith.muli %scan3A_56, %mul3A_57 : i32
      %add3A_59 = arith.constant 0 : i32
      %add3A_60 = arith.addi %add3A_59, %mul3A_58 : i32
      "tpu.region"() ({
        %run_scoped3A_105 = tpu.sem_alloc : memref<!tpu.dma_semaphore, #tpu.memory_space<semaphore_mem>>
        %dma_start3A_106 = arith.constant 0 : i32
        %dma_start3A_107 = arith.constant 0 : i32
        %dma_start3A_108 = tpu.memref_slice %arg4[%add3A, %add3A_60, %dma_start3A_106, %dma_start3A_107] : memref<32x5x25x80xi32, #tpu.memory_space<hbm>> -> memref<1x1x25x80xi32, #tpu.memory_space<hbm>>
        %dma_start3A_109 = tpu.memref_squeeze %dma_start3A_108 : memref<1x1x25x80xi32, #tpu.memory_space<hbm>> -> memref<25x80xi32, #tpu.memory_space<hbm>>
        %dma_start3A_110 = arith.constant 0 : i32
        %dma_start3A_111 = arith.constant 0 : i32
        %dma_start3A_112 = tpu.memref_slice %arg4[%add3A, %add3A_60, %dma_start3A_110, %dma_start3A_111] : memref<32x5x25x80xi32, #tpu.memory_space<hbm>> -> memref<1x1x25x80xi32, #tpu.memory_space<hbm>>
        %dma_start3A_113 = tpu.memref_squeeze %dma_start3A_112 : memref<1x1x25x80xi32, #tpu.memory_space<hbm>> -> memref<25x80xi32, #tpu.memory_space<hbm>>
        tpu.enqueue_dma source(%dma_start3A_113 : memref<25x80xi32, #tpu.memory_space<hbm>>) target(%arg7 : memref<25x80xi32, #tpu.memory_space<vmem>>) target_semaphore(%run_scoped3A_105 : memref<!tpu.dma_semaphore, #tpu.memory_space<semaphore_mem>>)
        %dma_wait3A_114 = arith.constant 0 : i32
        %dma_wait3A_115 = arith.constant 0 : i32
        %dma_wait3A_116 = tpu.memref_slice %arg4[%add3A, %add3A_60, %dma_wait3A_114, %dma_wait3A_115] : memref<32x5x25x80xi32, #tpu.memory_space<hbm>> -> memref<1x1x25x80xi32, #tpu.memory_space<hbm>>
        %dma_wait3A_117 = tpu.memref_squeeze %dma_wait3A_116 : memref<1x1x25x80xi32, #tpu.memory_space<hbm>> -> memref<25x80xi32, #tpu.memory_space<hbm>>
        %dma_wait3A_118 = arith.constant 0 : i32
        %dma_wait3A_119 = arith.constant 0 : i32
        %dma_wait3A_120 = tpu.memref_slice %arg4[%add3A, %add3A_60, %dma_wait3A_118, %dma_wait3A_119] : memref<32x5x25x80xi32, #tpu.memory_space<hbm>> -> memref<1x1x25x80xi32, #tpu.memory_space<hbm>>
        %dma_wait3A_121 = tpu.memref_squeeze %dma_wait3A_120 : memref<1x1x25x80xi32, #tpu.memory_space<hbm>> -> memref<25x80xi32, #tpu.memory_space<hbm>>
        tpu.wait_dma2 semaphore(%run_scoped3A_105 : memref<!tpu.dma_semaphore, #tpu.memory_space<semaphore_mem>>) src(%dma_wait3A_121 : memref<25x80xi32, #tpu.memory_space<hbm>>) dst(%arg7 : memref<25x80xi32, #tpu.memory_space<vmem>>)
        tpu.yield
      }) : () -> ()
      "tpu.region"() ({
        %run_scoped3A_105 = tpu.sem_alloc : memref<!tpu.dma_semaphore, #tpu.memory_space<semaphore_mem>>
        %dma_start3A_106 = arith.constant 0 : i32
        %dma_start3A_107 = arith.constant 0 : i32
        %dma_start3A_108 = tpu.memref_slice %arg5[%add3A, %add3A_60, %dma_start3A_106, %dma_start3A_107] : memref<32x5x25x80xi32, #tpu.memory_space<hbm>> -> memref<1x1x25x80xi32, #tpu.memory_space<hbm>>
        %dma_start3A_109 = tpu.memref_squeeze %dma_start3A_108 : memref<1x1x25x80xi32, #tpu.memory_space<hbm>> -> memref<25x80xi32, #tpu.memory_space<hbm>>
        %dma_start3A_110 = arith.constant 0 : i32
        %dma_start3A_111 = arith.constant 0 : i32
        %dma_start3A_112 = tpu.memref_slice %arg5[%add3A, %add3A_60, %dma_start3A_110, %dma_start3A_111] : memref<32x5x25x80xi32, #tpu.memory_space<hbm>> -> memref<1x1x25x80xi32, #tpu.memory_space<hbm>>
        %dma_start3A_113 = tpu.memref_squeeze %dma_start3A_112 : memref<1x1x25x80xi32, #tpu.memory_space<hbm>> -> memref<25x80xi32, #tpu.memory_space<hbm>>
        tpu.enqueue_dma source(%dma_start3A_113 : memref<25x80xi32, #tpu.memory_space<hbm>>) target(%arg8 : memref<25x80xi32, #tpu.memory_space<vmem>>) target_semaphore(%run_scoped3A_105 : memref<!tpu.dma_semaphore, #tpu.memory_space<semaphore_mem>>)
        %dma_wait3A_114 = arith.constant 0 : i32
        %dma_wait3A_115 = arith.constant 0 : i32
        %dma_wait3A_116 = tpu.memref_slice %arg5[%add3A, %add3A_60, %dma_wait3A_114, %dma_wait3A_115] : memref<32x5x25x80xi32, #tpu.memory_space<hbm>> -> memref<1x1x25x80xi32, #tpu.memory_space<hbm>>
        %dma_wait3A_117 = tpu.memref_squeeze %dma_wait3A_116 : memref<1x1x25x80xi32, #tpu.memory_space<hbm>> -> memref<25x80xi32, #tpu.memory_space<hbm>>
        %dma_wait3A_118 = arith.constant 0 : i32
        %dma_wait3A_119 = arith.constant 0 : i32
        %dma_wait3A_120 = tpu.memref_slice %arg5[%add3A, %add3A_60, %dma_wait3A_118, %dma_wait3A_119] : memref<32x5x25x80xi32, #tpu.memory_space<hbm>> -> memref<1x1x25x80xi32, #tpu.memory_space<hbm>>
        %dma_wait3A_121 = tpu.memref_squeeze %dma_wait3A_120 : memref<1x1x25x80xi32, #tpu.memory_space<hbm>> -> memref<25x80xi32, #tpu.memory_space<hbm>>
        tpu.wait_dma2 semaphore(%run_scoped3A_105 : memref<!tpu.dma_semaphore, #tpu.memory_space<semaphore_mem>>) src(%dma_wait3A_121 : memref<25x80xi32, #tpu.memory_space<hbm>>) dst(%arg8 : memref<25x80xi32, #tpu.memory_space<vmem>>)
        tpu.yield
      }) : () -> ()
      %dma_start3A = arith.constant 0 : i32
      %dma_start3A_61 = arith.constant 0 : i32
      %dma_start3A_62 = tpu.memref_slice %arg7[%dma_start3A, %dma_start3A_61] : memref<25x80xi32, #tpu.memory_space<vmem>> -> memref<1x80xi32, #tpu.memory_space<vmem>>
      %dma_start3A_63 = tpu.memref_squeeze %dma_start3A_62 : memref<1x80xi32, #tpu.memory_space<vmem>> -> memref<80xi32, #tpu.memory_space<vmem>>
      %dma_start3A_64 = arith.constant 0 : i32
      %dma_start3A_65 = arith.constant 0 : i32
      %dma_start3A_66 = tpu.memref_slice %arg2[%dma_start3A_64, %dma_start3A_65] : memref<10000x128xf32, #tpu.memory_space<hbm>> -> memref<10000x128xf32, #tpu.memory_space<hbm>>
      tpu.enqueue_indirect_dma source(%dma_start3A_66 : memref<10000x128xf32, #tpu.memory_space<hbm>>) target(%arg9 : memref<80x128xf32, #tpu.memory_space<vmem>>) offsets(%dma_start3A_63 : memref<80xi32, #tpu.memory_space<vmem>>) semaphore(%arg14 : memref<!tpu.dma_semaphore, #tpu.memory_space<semaphore_mem>>)
      %mul3A_67 = arith.constant 25 : i32
      %mul3A_68 = arith.muli %add3A_60, %mul3A_67 : i32
      %add3A_69 = arith.constant 0 : i32
      %add3A_70 = arith.addi %mul3A_68, %add3A_69 : i32
      %mul3A_71 = arith.constant 80 : i32
      %mul3A_72 = arith.muli %add3A_70, %mul3A_71 : i32
      %add3A_73 = arith.addi %mul3A_40, %mul3A_72 : i32
      %dma_start3A_74 = arith.constant 0 : i32
      %dma_start3A_75 = tpu.memref_slice %arg3[%add3A_73, %dma_start3A_74] : memref<320000x128xf32, #tpu.memory_space<hbm>> -> memref<80x128xf32, #tpu.memory_space<hbm>>
      %dma_start3A_76 = arith.constant 0 : i32
      %dma_start3A_77 = tpu.memref_slice %arg3[%add3A_73, %dma_start3A_76] : memref<320000x128xf32, #tpu.memory_space<hbm>> -> memref<80x128xf32, #tpu.memory_space<hbm>>
      tpu.enqueue_dma source(%dma_start3A_77 : memref<80x128xf32, #tpu.memory_space<hbm>>) target(%arg11 : memref<80x128xf32, #tpu.memory_space<vmem>>) target_semaphore(%arg16 : memref<!tpu.dma_semaphore, #tpu.memory_space<semaphore_mem>>)
      %scan3A_78 = arith.constant 0 : i32
      %scan3A_79 = arith.constant 12 : i32
      %scan3A_80 = arith.addi %scan3A_78, %scan3A_79 : i32
      %scan3A_81 = arith.constant 1 : i32
      scf.for %scan3A_105 = %scan3A_78 to %scan3A_80 step %scan3A_81  : i32 {
        %mul3A_106 = arith.constant 1 : i32
        %mul3A_107 = arith.muli %scan3A_105, %mul3A_106 : i32
        %add3A_108 = arith.constant 0 : i32
        %add3A_109 = arith.addi %add3A_108, %mul3A_107 : i32
        %mul3A_110 = arith.constant 2 : i32
        %mul3A_111 = arith.muli %mul3A_110, %add3A_109 : i32
        %add3A_112 = arith.constant 1 : i32
        %add3A_113 = arith.addi %mul3A_111, %add3A_112 : i32
        %dma_start3A_114 = arith.constant 0 : i32
        %dma_start3A_115 = tpu.memref_slice %arg7[%add3A_113, %dma_start3A_114] : memref<25x80xi32, #tpu.memory_space<vmem>> -> memref<1x80xi32, #tpu.memory_space<vmem>>
        %dma_start3A_116 = tpu.memref_squeeze %dma_start3A_115 : memref<1x80xi32, #tpu.memory_space<vmem>> -> memref<80xi32, #tpu.memory_space<vmem>>
        %dma_start3A_117 = arith.constant 0 : i32
        %dma_start3A_118 = arith.constant 0 : i32
        %dma_start3A_119 = tpu.memref_slice %arg2[%dma_start3A_117, %dma_start3A_118] : memref<10000x128xf32, #tpu.memory_space<hbm>> -> memref<10000x128xf32, #tpu.memory_space<hbm>>
        tpu.enqueue_indirect_dma source(%dma_start3A_119 : memref<10000x128xf32, #tpu.memory_space<hbm>>) target(%arg10 : memref<80x128xf32, #tpu.memory_space<vmem>>) offsets(%dma_start3A_116 : memref<80xi32, #tpu.memory_space<vmem>>) semaphore(%arg15 : memref<!tpu.dma_semaphore, #tpu.memory_space<semaphore_mem>>)
        %mul3A_120 = arith.constant 25 : i32
        %mul3A_121 = arith.muli %add3A_60, %mul3A_120 : i32
        %add3A_122 = arith.addi %mul3A_121, %add3A_113 : i32
        %mul3A_123 = arith.constant 80 : i32
        %mul3A_124 = arith.muli %add3A_122, %mul3A_123 : i32
        %add3A_125 = arith.addi %mul3A_40, %mul3A_124 : i32
        %dma_start3A_126 = arith.constant 0 : i32
        %dma_start3A_127 = tpu.memref_slice %arg3[%add3A_125, %dma_start3A_126] : memref<320000x128xf32, #tpu.memory_space<hbm>> -> memref<80x128xf32, #tpu.memory_space<hbm>>
        %dma_start3A_128 = arith.constant 0 : i32
        %dma_start3A_129 = tpu.memref_slice %arg3[%add3A_125, %dma_start3A_128] : memref<320000x128xf32, #tpu.memory_space<hbm>> -> memref<80x128xf32, #tpu.memory_space<hbm>>
        tpu.enqueue_dma source(%dma_start3A_129 : memref<80x128xf32, #tpu.memory_space<hbm>>) target(%arg12 : memref<80x128xf32, #tpu.memory_space<vmem>>) target_semaphore(%arg17 : memref<!tpu.dma_semaphore, #tpu.memory_space<semaphore_mem>>)
        %dma_wait3A_130 = arith.constant 0 : i32
        %dma_wait3A_131 = tpu.memref_slice %arg7[%mul3A_111, %dma_wait3A_130] : memref<25x80xi32, #tpu.memory_space<vmem>> -> memref<1x80xi32, #tpu.memory_space<vmem>>
        %dma_wait3A_132 = tpu.memref_squeeze %dma_wait3A_131 : memref<1x80xi32, #tpu.memory_space<vmem>> -> memref<80xi32, #tpu.memory_space<vmem>>
        %dma_wait3A_133 = arith.constant 0 : i32
        %dma_wait3A_134 = arith.constant 0 : i32
        %dma_wait3A_135 = tpu.memref_slice %arg2[%dma_wait3A_133, %dma_wait3A_134] : memref<10000x128xf32, #tpu.memory_space<hbm>> -> memref<10000x128xf32, #tpu.memory_space<hbm>>
        tpu.wait_indirect_dma semaphore(%arg14 : memref<!tpu.dma_semaphore, #tpu.memory_space<semaphore_mem>>) src(%dma_wait3A_135 : memref<10000x128xf32, #tpu.memory_space<hbm>>) dst(%arg9 : memref<80x128xf32, #tpu.memory_space<vmem>>)
        %mul3A_136 = arith.constant 25 : i32
        %mul3A_137 = arith.muli %add3A_60, %mul3A_136 : i32
        %add3A_138 = arith.addi %mul3A_137, %mul3A_111 : i32
        %mul3A_139 = arith.constant 80 : i32
        %mul3A_140 = arith.muli %add3A_138, %mul3A_139 : i32
        %add3A_141 = arith.addi %mul3A_40, %mul3A_140 : i32
        %dma_wait3A_142 = arith.constant 0 : i32
        %dma_wait3A_143 = tpu.memref_slice %arg3[%add3A_141, %dma_wait3A_142] : memref<320000x128xf32, #tpu.memory_space<hbm>> -> memref<80x128xf32, #tpu.memory_space<hbm>>
        %dma_wait3A_144 = arith.constant 0 : i32
        %dma_wait3A_145 = tpu.memref_slice %arg3[%add3A_141, %dma_wait3A_144] : memref<320000x128xf32, #tpu.memory_space<hbm>> -> memref<80x128xf32, #tpu.memory_space<hbm>>
        tpu.wait_dma2 semaphore(%arg16 : memref<!tpu.dma_semaphore, #tpu.memory_space<semaphore_mem>>) src(%dma_wait3A_145 : memref<80x128xf32, #tpu.memory_space<hbm>>) dst(%arg11 : memref<80x128xf32, #tpu.memory_space<vmem>>)
        %scan3A_146 = arith.constant 0 : i32
        %scan3A_147 = arith.constant 80 : i32
        %scan3A_148 = arith.addi %scan3A_146, %scan3A_147 : i32
        %scan3A_149 = arith.constant 1 : i32
        scf.for %scan3A_194 = %scan3A_146 to %scan3A_148 step %scan3A_149  : i32 {
          %mul3A_195 = arith.constant 1 : i32
          %mul3A_196 = arith.muli %scan3A_194, %mul3A_195 : i32
          %add3A_197 = arith.constant 0 : i32
          %add3A_198 = arith.addi %add3A_197, %mul3A_196 : i32
          %get3A = arith.index_cast %add3A_198 : i32 to index
          %get3A_199 = arith.constant 0 : index
          %get3A_200 = tpu.vector_load %arg9[%get3A, %get3A_199] {strides = array<i32>} : memref<80x128xf32, #tpu.memory_space<vmem>>, vector<1x16xf32>,
          %get3A_201 = vector.shape_cast %get3A_200 : vector<1x16xf32> to vector<16xf32>
          %get3A_202 = arith.index_cast %add3A_198 : i32 to index
          %get3A_203 = arith.constant 0 : index
          %get3A_204 = tpu.vector_load %arg11[%get3A_202, %get3A_203] {strides = array<i32>} : memref<80x128xf32, #tpu.memory_space<vmem>>, vector<1x16xf32>,
          %get3A_205 = vector.shape_cast %get3A_204 : vector<1x16xf32> to vector<16xf32>
          %add3A_206 = arith.addf %get3A_201, %get3A_205 : vector<16xf32>
          %max3A = arith.constant 0.000000e+00 : f32
          %max3A_207 = vector.broadcast %max3A : f32 to vector<16xf32>
          %max3A_208 = arith.maximumf %add3A_206, %max3A_207 : vector<16xf32>
          %swap3A = arith.index_cast %add3A_198 : i32 to index
          %swap3A_209 = arith.constant 0 : index
          %swap3A_210 = tpu.vector_load %arg9[%swap3A, %swap3A_209] {strides = array<i32>} : memref<80x128xf32, #tpu.memory_space<vmem>>, vector<1x16xf32>,
          %swap3A_211 = vector.shape_cast %swap3A_210 : vector<1x16xf32> to vector<16xf32>
          %swap3A_212 = vector.shape_cast %max3A_208 : vector<16xf32> to vector<1x16xf32>
          tpu.vector_store %arg9[%swap3A, %swap3A_209], %swap3A_212 {strides = array<i32>} : memref<80x128xf32, #tpu.memory_space<vmem>>, vector<1x16xf32>,
          %get3A_213 = arith.index_cast %add3A_198 : i32 to index
          %get3A_214 = arith.constant 16 : index
          %get3A_215 = tpu.vector_load %arg9[%get3A_213, %get3A_214] {strides = array<i32>} : memref<80x128xf32, #tpu.memory_space<vmem>>, vector<1x16xf32>,
          %get3A_216 = vector.shape_cast %get3A_215 : vector<1x16xf32> to vector<16xf32>
          %get3A_217 = arith.index_cast %add3A_198 : i32 to index
          %get3A_218 = arith.constant 16 : index
          %get3A_219 = tpu.vector_load %arg11[%get3A_217, %get3A_218] {strides = array<i32>} : memref<80x128xf32, #tpu.memory_space<vmem>>, vector<1x16xf32>,
          %get3A_220 = vector.shape_cast %get3A_219 : vector<1x16xf32> to vector<16xf32>
          %add3A_221 = arith.addf %get3A_216, %get3A_220 : vector<16xf32>
          %max3A_222 = arith.constant 0.000000e+00 : f32
          %max3A_223 = vector.broadcast %max3A_222 : f32 to vector<16xf32>
          %max3A_224 = arith.maximumf %add3A_221, %max3A_223 : vector<16xf32>
          %swap3A_225 = arith.index_cast %add3A_198 : i32 to index
          %swap3A_226 = arith.constant 16 : index
          %swap3A_227 = tpu.vector_load %arg9[%swap3A_225, %swap3A_226] {strides = array<i32>} : memref<80x128xf32, #tpu.memory_space<vmem>>, vector<1x16xf32>,
          %swap3A_228 = vector.shape_cast %swap3A_227 : vector<1x16xf32> to vector<16xf32>
          %swap3A_229 = vector.shape_cast %max3A_224 : vector<16xf32> to vector<1x16xf32>
          tpu.vector_store %arg9[%swap3A_225, %swap3A_226], %swap3A_229 {strides = array<i32>} : memref<80x128xf32, #tpu.memory_space<vmem>>, vector<1x16xf32>,
          %get3A_230 = arith.index_cast %add3A_198 : i32 to index
          %get3A_231 = arith.constant 32 : index
          %get3A_232 = tpu.vector_load %arg9[%get3A_230, %get3A_231] {strides = array<i32>} : memref<80x128xf32, #tpu.memory_space<vmem>>, vector<1x16xf32>,
          %get3A_233 = vector.shape_cast %get3A_232 : vector<1x16xf32> to vector<16xf32>
          %get3A_234 = arith.index_cast %add3A_198 : i32 to index
          %get3A_235 = arith.constant 32 : index
          %get3A_236 = tpu.vector_load %arg11[%get3A_234, %get3A_235] {strides = array<i32>} : memref<80x128xf32, #tpu.memory_space<vmem>>, vector<1x16xf32>,
          %get3A_237 = vector.shape_cast %get3A_236 : vector<1x16xf32> to vector<16xf32>
          %add3A_238 = arith.addf %get3A_233, %get3A_237 : vector<16xf32>
          %max3A_239 = arith.constant 0.000000e+00 : f32
          %max3A_240 = vector.broadcast %max3A_239 : f32 to vector<16xf32>
          %max3A_241 = arith.maximumf %add3A_238, %max3A_240 : vector<16xf32>
          %swap3A_242 = arith.index_cast %add3A_198 : i32 to index
          %swap3A_243 = arith.constant 32 : index
          %swap3A_244 = tpu.vector_load %arg9[%swap3A_242, %swap3A_243] {strides = array<i32>} : memref<80x128xf32, #tpu.memory_space<vmem>>, vector<1x16xf32>,
          %swap3A_245 = vector.shape_cast %swap3A_244 : vector<1x16xf32> to vector<16xf32>
          %swap3A_246 = vector.shape_cast %max3A_241 : vector<16xf32> to vector<1x16xf32>
          tpu.vector_store %arg9[%swap3A_242, %swap3A_243], %swap3A_246 {strides = array<i32>} : memref<80x128xf32, #tpu.memory_space<vmem>>, vector<1x16xf32>,
          %get3A_247 = arith.index_cast %add3A_198 : i32 to index
          %get3A_248 = arith.constant 48 : index
          %get3A_249 = tpu.vector_load %arg9[%get3A_247, %get3A_248] {strides = array<i32>} : memref<80x128xf32, #tpu.memory_space<vmem>>, vector<1x16xf32>,
          %get3A_250 = vector.shape_cast %get3A_249 : vector<1x16xf32> to vector<16xf32>
          %get3A_251 = arith.index_cast %add3A_198 : i32 to index
          %get3A_252 = arith.constant 48 : index
          %get3A_253 = tpu.vector_load %arg11[%get3A_251, %get3A_252] {strides = array<i32>} : memref<80x128xf32, #tpu.memory_space<vmem>>, vector<1x16xf32>,
          %get3A_254 = vector.shape_cast %get3A_253 : vector<1x16xf32> to vector<16xf32>
          %add3A_255 = arith.addf %get3A_250, %get3A_254 : vector<16xf32>
          %max3A_256 = arith.constant 0.000000e+00 : f32
          %max3A_257 = vector.broadcast %max3A_256 : f32 to vector<16xf32>
          %max3A_258 = arith.maximumf %add3A_255, %max3A_257 : vector<16xf32>
          %swap3A_259 = arith.index_cast %add3A_198 : i32 to index
          %swap3A_260 = arith.constant 48 : index
          %swap3A_261 = tpu.vector_load %arg9[%swap3A_259, %swap3A_260] {strides = array<i32>} : memref<80x128xf32, #tpu.memory_space<vmem>>, vector<1x16xf32>,
          %swap3A_262 = vector.shape_cast %swap3A_261 : vector<1x16xf32> to vector<16xf32>
          %swap3A_263 = vector.shape_cast %max3A_258 : vector<16xf32> to vector<1x16xf32>
          tpu.vector_store %arg9[%swap3A_259, %swap3A_260], %swap3A_263 {strides = array<i32>} : memref<80x128xf32, #tpu.memory_space<vmem>>, vector<1x16xf32>,
          %get3A_264 = arith.index_cast %add3A_198 : i32 to index
          %get3A_265 = arith.constant 64 : index
          %get3A_266 = tpu.vector_load %arg9[%get3A_264, %get3A_265] {strides = array<i32>} : memref<80x128xf32, #tpu.memory_space<vmem>>, vector<1x16xf32>,
          %get3A_267 = vector.shape_cast %get3A_266 : vector<1x16xf32> to vector<16xf32>
          %get3A_268 = arith.index_cast %add3A_198 : i32 to index
          %get3A_269 = arith.constant 64 : index
          %get3A_270 = tpu.vector_load %arg11[%get3A_268, %get3A_269] {strides = array<i32>} : memref<80x128xf32, #tpu.memory_space<vmem>>, vector<1x16xf32>,
          %get3A_271 = vector.shape_cast %get3A_270 : vector<1x16xf32> to vector<16xf32>
          %add3A_272 = arith.addf %get3A_267, %get3A_271 : vector<16xf32>
          %max3A_273 = arith.constant 0.000000e+00 : f32
          %max3A_274 = vector.broadcast %max3A_273 : f32 to vector<16xf32>
          %max3A_275 = arith.maximumf %add3A_272, %max3A_274 : vector<16xf32>
          %swap3A_276 = arith.index_cast %add3A_198 : i32 to index
          %swap3A_277 = arith.constant 64 : index
          %swap3A_278 = tpu.vector_load %arg9[%swap3A_276, %swap3A_277] {strides = array<i32>} : memref<80x128xf32, #tpu.memory_space<vmem>>, vector<1x16xf32>,
          %swap3A_279 = vector.shape_cast %swap3A_278 : vector<1x16xf32> to vector<16xf32>
          %swap3A_280 = vector.shape_cast %max3A_275 : vector<16xf32> to vector<1x16xf32>
          tpu.vector_store %arg9[%swap3A_276, %swap3A_277], %swap3A_280 {strides = array<i32>} : memref<80x128xf32, #tpu.memory_space<vmem>>, vector<1x16xf32>,
          %get3A_281 = arith.index_cast %add3A_198 : i32 to index
          %get3A_282 = arith.constant 80 : index
          %get3A_283 = tpu.vector_load %arg9[%get3A_281, %get3A_282] {strides = array<i32>} : memref<80x128xf32, #tpu.memory_space<vmem>>, vector<1x16xf32>,
          %get3A_284 = vector.shape_cast %get3A_283 : vector<1x16xf32> to vector<16xf32>
          %get3A_285 = arith.index_cast %add3A_198 : i32 to index
          %get3A_286 = arith.constant 80 : index
          %get3A_287 = tpu.vector_load %arg11[%get3A_285, %get3A_286] {strides = array<i32>} : memref<80x128xf32, #tpu.memory_space<vmem>>, vector<1x16xf32>,
          %get3A_288 = vector.shape_cast %get3A_287 : vector<1x16xf32> to vector<16xf32>
          %add3A_289 = arith.addf %get3A_284, %get3A_288 : vector<16xf32>
          %max3A_290 = arith.constant 0.000000e+00 : f32
          %max3A_291 = vector.broadcast %max3A_290 : f32 to vector<16xf32>
          %max3A_292 = arith.maximumf %add3A_289, %max3A_291 : vector<16xf32>
          %swap3A_293 = arith.index_cast %add3A_198 : i32 to index
          %swap3A_294 = arith.constant 80 : index
          %swap3A_295 = tpu.vector_load %arg9[%swap3A_293, %swap3A_294] {strides = array<i32>} : memref<80x128xf32, #tpu.memory_space<vmem>>, vector<1x16xf32>,
          %swap3A_296 = vector.shape_cast %swap3A_295 : vector<1x16xf32> to vector<16xf32>
          %swap3A_297 = vector.shape_cast %max3A_292 : vector<16xf32> to vector<1x16xf32>
          tpu.vector_store %arg9[%swap3A_293, %swap3A_294], %swap3A_297 {strides = array<i32>} : memref<80x128xf32, #tpu.memory_space<vmem>>, vector<1x16xf32>,
          %get3A_298 = arith.index_cast %add3A_198 : i32 to index
          %get3A_299 = arith.constant 96 : index
          %get3A_300 = tpu.vector_load %arg9[%get3A_298, %get3A_299] {strides = array<i32>} : memref<80x128xf32, #tpu.memory_space<vmem>>, vector<1x16xf32>,
          %get3A_301 = vector.shape_cast %get3A_300 : vector<1x16xf32> to vector<16xf32>
          %get3A_302 = arith.index_cast %add3A_198 : i32 to index
          %get3A_303 = arith.constant 96 : index
          %get3A_304 = tpu.vector_load %arg11[%get3A_302, %get3A_303] {strides = array<i32>} : memref<80x128xf32, #tpu.memory_space<vmem>>, vector<1x16xf32>,
          %get3A_305 = vector.shape_cast %get3A_304 : vector<1x16xf32> to vector<16xf32>
          %add3A_306 = arith.addf %get3A_301, %get3A_305 : vector<16xf32>
          %max3A_307 = arith.constant 0.000000e+00 : f32
          %max3A_308 = vector.broadcast %max3A_307 : f32 to vector<16xf32>
          %max3A_309 = arith.maximumf %add3A_306, %max3A_308 : vector<16xf32>
          %swap3A_310 = arith.index_cast %add3A_198 : i32 to index
          %swap3A_311 = arith.constant 96 : index
          %swap3A_312 = tpu.vector_load %arg9[%swap3A_310, %swap3A_311] {strides = array<i32>} : memref<80x128xf32, #tpu.memory_space<vmem>>, vector<1x16xf32>,
          %swap3A_313 = vector.shape_cast %swap3A_312 : vector<1x16xf32> to vector<16xf32>
          %swap3A_314 = vector.shape_cast %max3A_309 : vector<16xf32> to vector<1x16xf32>
          tpu.vector_store %arg9[%swap3A_310, %swap3A_311], %swap3A_314 {strides = array<i32>} : memref<80x128xf32, #tpu.memory_space<vmem>>, vector<1x16xf32>,
          %get3A_315 = arith.index_cast %add3A_198 : i32 to index
          %get3A_316 = arith.constant 112 : index
          %get3A_317 = tpu.vector_load %arg9[%get3A_315, %get3A_316] {strides = array<i32>} : memref<80x128xf32, #tpu.memory_space<vmem>>, vector<1x16xf32>,
          %get3A_318 = vector.shape_cast %get3A_317 : vector<1x16xf32> to vector<16xf32>
          %get3A_319 = arith.index_cast %add3A_198 : i32 to index
          %get3A_320 = arith.constant 112 : index
          %get3A_321 = tpu.vector_load %arg11[%get3A_319, %get3A_320] {strides = array<i32>} : memref<80x128xf32, #tpu.memory_space<vmem>>, vector<1x16xf32>,
          %get3A_322 = vector.shape_cast %get3A_321 : vector<1x16xf32> to vector<16xf32>
          %add3A_323 = arith.addf %get3A_318, %get3A_322 : vector<16xf32>
          %max3A_324 = arith.constant 0.000000e+00 : f32
          %max3A_325 = vector.broadcast %max3A_324 : f32 to vector<16xf32>
          %max3A_326 = arith.maximumf %add3A_323, %max3A_325 : vector<16xf32>
          %swap3A_327 = arith.index_cast %add3A_198 : i32 to index
          %swap3A_328 = arith.constant 112 : index
          %swap3A_329 = tpu.vector_load %arg9[%swap3A_327, %swap3A_328] {strides = array<i32>} : memref<80x128xf32, #tpu.memory_space<vmem>>, vector<1x16xf32>,
          %swap3A_330 = vector.shape_cast %swap3A_329 : vector<1x16xf32> to vector<16xf32>
          %swap3A_331 = vector.shape_cast %max3A_326 : vector<16xf32> to vector<1x16xf32>
          tpu.vector_store %arg9[%swap3A_327, %swap3A_328], %swap3A_331 {strides = array<i32>} : memref<80x128xf32, #tpu.memory_space<vmem>>, vector<1x16xf32>,
        }
        %scan3A_150 = arith.constant 80 : i32
        "tpu.region"() ({
          %run_scoped3A_194 = tpu.sem_alloc : memref<!tpu.dma_semaphore, #tpu.memory_space<semaphore_mem>>
          %dma_start3A_195 = arith.constant 0 : i32
          %dma_start3A_196 = tpu.memref_slice %arg8[%mul3A_111, %dma_start3A_195] : memref<25x80xi32, #tpu.memory_space<vmem>> -> memref<1x80xi32, #tpu.memory_space<vmem>>
          %dma_start3A_197 = tpu.memref_squeeze %dma_start3A_196 : memref<1x80xi32, #tpu.memory_space<vmem>> -> memref<80xi32, #tpu.memory_space<vmem>>
          %dma_start3A_198 = arith.constant 0 : i32
          %dma_start3A_199 = arith.constant 0 : i32
          %dma_start3A_200 = tpu.memref_slice %arg13[%dma_start3A_198, %dma_start3A_199] : memref<10000x128xf32, #tpu.memory_space<vmem_shared>> -> memref<10000x128xf32, #tpu.memory_space<vmem_shared>>
          tpu.enqueue_indirect_dma source(%arg9 : memref<80x128xf32, #tpu.memory_space<vmem>>) target(%dma_start3A_200 : memref<10000x128xf32, #tpu.memory_space<vmem_shared>>) offsets(%dma_start3A_197 : memref<80xi32, #tpu.memory_space<vmem>>) semaphore(%run_scoped3A_194 : memref<!tpu.dma_semaphore, #tpu.memory_space<semaphore_mem>>) {add = true}
          %dma_wait3A_201 = arith.constant 0 : i32
          %dma_wait3A_202 = tpu.memref_slice %arg8[%mul3A_111, %dma_wait3A_201] : memref<25x80xi32, #tpu.memory_space<vmem>> -> memref<1x80xi32, #tpu.memory_space<vmem>>
          %dma_wait3A_203 = tpu.memref_squeeze %dma_wait3A_202 : memref<1x80xi32, #tpu.memory_space<vmem>> -> memref<80xi32, #tpu.memory_space<vmem>>
          %dma_wait3A_204 = arith.constant 0 : i32
          %dma_wait3A_205 = arith.constant 0 : i32
          %dma_wait3A_206 = tpu.memref_slice %arg13[%dma_wait3A_204, %dma_wait3A_205] : memref<10000x128xf32, #tpu.memory_space<vmem_shared>> -> memref<10000x128xf32, #tpu.memory_space<vmem_shared>>
          tpu.wait_indirect_dma semaphore(%run_scoped3A_194 : memref<!tpu.dma_semaphore, #tpu.memory_space<semaphore_mem>>) src(%arg9 : memref<80x128xf32, #tpu.memory_space<vmem>>) dst(%dma_wait3A_206 : memref<10000x128xf32, #tpu.memory_space<vmem_shared>>)
          tpu.yield
        }) : () -> ()
        %mul3A_151 = arith.constant 2 : i32
        %mul3A_152 = arith.muli %mul3A_151, %add3A_109 : i32
        %add3A_153 = arith.constant 1 : i32
        %add3A_154 = arith.addi %mul3A_152, %add3A_153 : i32
        %add3A_155 = arith.constant 1 : i32
        %add3A_156 = arith.addi %add3A_154, %add3A_155 : i32
        %dma_start3A_157 = arith.constant 0 : i32
        %dma_start3A_158 = tpu.memref_slice %arg7[%add3A_156, %dma_start3A_157] : memref<25x80xi32, #tpu.memory_space<vmem>> -> memref<1x80xi32, #tpu.memory_space<vmem>>
        %dma_start3A_159 = tpu.memref_squeeze %dma_start3A_158 : memref<1x80xi32, #tpu.memory_space<vmem>> -> memref<80xi32, #tpu.memory_space<vmem>>
        %dma_start3A_160 = arith.constant 0 : i32
        %dma_start3A_161 = arith.constant 0 : i32
        %dma_start3A_162 = tpu.memref_slice %arg2[%dma_start3A_160, %dma_start3A_161] : memref<10000x128xf32, #tpu.memory_space<hbm>> -> memref<10000x128xf32, #tpu.memory_space<hbm>>
        tpu.enqueue_indirect_dma source(%dma_start3A_162 : memref<10000x128xf32, #tpu.memory_space<hbm>>) target(%arg9 : memref<80x128xf32, #tpu.memory_space<vmem>>) offsets(%dma_start3A_159 : memref<80xi32, #tpu.memory_space<vmem>>) semaphore(%arg14 : memref<!tpu.dma_semaphore, #tpu.memory_space<semaphore_mem>>)
        %mul3A_163 = arith.constant 25 : i32
        %mul3A_164 = arith.muli %add3A_60, %mul3A_163 : i32
        %add3A_165 = arith.addi %mul3A_164, %add3A_156 : i32
        %mul3A_166 = arith.constant 80 : i32
        %mul3A_167 = arith.muli %add3A_165, %mul3A_166 : i32
        %add3A_168 = arith.addi %mul3A_40, %mul3A_167 : i32
        %dma_start3A_169 = arith.constant 0 : i32
        %dma_start3A_170 = tpu.memref_slice %arg3[%add3A_168, %dma_start3A_169] : memref<320000x128xf32, #tpu.memory_space<hbm>> -> memref<80x128xf32, #tpu.memory_space<hbm>>
        %dma_start3A_171 = arith.constant 0 : i32
        %dma_start3A_172 = tpu.memref_slice %arg3[%add3A_168, %dma_start3A_171] : memref<320000x128xf32, #tpu.memory_space<hbm>> -> memref<80x128xf32, #tpu.memory_space<hbm>>
        tpu.enqueue_dma source(%dma_start3A_172 : memref<80x128xf32, #tpu.memory_space<hbm>>) target(%arg11 : memref<80x128xf32, #tpu.memory_space<vmem>>) target_semaphore(%arg16 : memref<!tpu.dma_semaphore, #tpu.memory_space<semaphore_mem>>)
        %dma_wait3A_173 = arith.constant 0 : i32
        %dma_wait3A_174 = tpu.memref_slice %arg7[%add3A_154, %dma_wait3A_173] : memref<25x80xi32, #tpu.memory_space<vmem>> -> memref<1x80xi32, #tpu.memory_space<vmem>>
        %dma_wait3A_175 = tpu.memref_squeeze %dma_wait3A_174 : memref<1x80xi32, #tpu.memory_space<vmem>> -> memref<80xi32, #tpu.memory_space<vmem>>
        %dma_wait3A_176 = arith.constant 0 : i32
        %dma_wait3A_177 = arith.constant 0 : i32
        %dma_wait3A_178 = tpu.memref_slice %arg2[%dma_wait3A_176, %dma_wait3A_177] : memref<10000x128xf32, #tpu.memory_space<hbm>> -> memref<10000x128xf32, #tpu.memory_space<hbm>>
        tpu.wait_indirect_dma semaphore(%arg15 : memref<!tpu.dma_semaphore, #tpu.memory_space<semaphore_mem>>) src(%dma_wait3A_178 : memref<10000x128xf32, #tpu.memory_space<hbm>>) dst(%arg10 : memref<80x128xf32, #tpu.memory_space<vmem>>)
        %mul3A_179 = arith.constant 25 : i32
        %mul3A_180 = arith.muli %add3A_60, %mul3A_179 : i32
        %add3A_181 = arith.addi %mul3A_180, %add3A_154 : i32
        %mul3A_182 = arith.constant 80 : i32
        %mul3A_183 = arith.muli %add3A_181, %mul3A_182 : i32
        %add3A_184 = arith.addi %mul3A_40, %mul3A_183 : i32
        %dma_wait3A_185 = arith.constant 0 : i32
        %dma_wait3A_186 = tpu.memref_slice %arg3[%add3A_184, %dma_wait3A_185] : memref<320000x128xf32, #tpu.memory_space<hbm>> -> memref<80x128xf32, #tpu.memory_space<hbm>>
        %dma_wait3A_187 = arith.constant 0 : i32
        %dma_wait3A_188 = tpu.memref_slice %arg3[%add3A_184, %dma_wait3A_187] : memref<320000x128xf32, #tpu.memory_space<hbm>> -> memref<80x128xf32, #tpu.memory_space<hbm>>
        tpu.wait_dma2 semaphore(%arg17 : memref<!tpu.dma_semaphore, #tpu.memory_space<semaphore_mem>>) src(%dma_wait3A_188 : memref<80x128xf32, #tpu.memory_space<hbm>>) dst(%arg12 : memref<80x128xf32, #tpu.memory_space<vmem>>)
        %scan3A_189 = arith.constant 0 : i32
        %scan3A_190 = arith.constant 80 : i32
        %scan3A_191 = arith.addi %scan3A_189, %scan3A_190 : i32
        %scan3A_192 = arith.constant 1 : i32
        scf.for %scan3A_194 = %scan3A_189 to %scan3A_191 step %scan3A_192  : i32 {
          %mul3A_195 = arith.constant 1 : i32
          %mul3A_196 = arith.muli %scan3A_194, %mul3A_195 : i32
          %add3A_197 = arith.constant 0 : i32
          %add3A_198 = arith.addi %add3A_197, %mul3A_196 : i32
          %get3A = arith.index_cast %add3A_198 : i32 to index
          %get3A_199 = arith.constant 0 : index
          %get3A_200 = tpu.vector_load %arg10[%get3A, %get3A_199] {strides = array<i32>} : memref<80x128xf32, #tpu.memory_space<vmem>>, vector<1x16xf32>,
          %get3A_201 = vector.shape_cast %get3A_200 : vector<1x16xf32> to vector<16xf32>
          %get3A_202 = arith.index_cast %add3A_198 : i32 to index
          %get3A_203 = arith.constant 0 : index
          %get3A_204 = tpu.vector_load %arg12[%get3A_202, %get3A_203] {strides = array<i32>} : memref<80x128xf32, #tpu.memory_space<vmem>>, vector<1x16xf32>,
          %get3A_205 = vector.shape_cast %get3A_204 : vector<1x16xf32> to vector<16xf32>
          %add3A_206 = arith.addf %get3A_201, %get3A_205 : vector<16xf32>
          %max3A = arith.constant 0.000000e+00 : f32
          %max3A_207 = vector.broadcast %max3A : f32 to vector<16xf32>
          %max3A_208 = arith.maximumf %add3A_206, %max3A_207 : vector<16xf32>
          %swap3A = arith.index_cast %add3A_198 : i32 to index
          %swap3A_209 = arith.constant 0 : index
          %swap3A_210 = tpu.vector_load %arg10[%swap3A, %swap3A_209] {strides = array<i32>} : memref<80x128xf32, #tpu.memory_space<vmem>>, vector<1x16xf32>,
          %swap3A_211 = vector.shape_cast %swap3A_210 : vector<1x16xf32> to vector<16xf32>
          %swap3A_212 = vector.shape_cast %max3A_208 : vector<16xf32> to vector<1x16xf32>
          tpu.vector_store %arg10[%swap3A, %swap3A_209], %swap3A_212 {strides = array<i32>} : memref<80x128xf32, #tpu.memory_space<vmem>>, vector<1x16xf32>,
          %get3A_213 = arith.index_cast %add3A_198 : i32 to index
          %get3A_214 = arith.constant 16 : index
          %get3A_215 = tpu.vector_load %arg10[%get3A_213, %get3A_214] {strides = array<i32>} : memref<80x128xf32, #tpu.memory_space<vmem>>, vector<1x16xf32>,
          %get3A_216 = vector.shape_cast %get3A_215 : vector<1x16xf32> to vector<16xf32>
          %get3A_217 = arith.index_cast %add3A_198 : i32 to index
          %get3A_218 = arith.constant 16 : index
          %get3A_219 = tpu.vector_load %arg12[%get3A_217, %get3A_218] {strides = array<i32>} : memref<80x128xf32, #tpu.memory_space<vmem>>, vector<1x16xf32>,
          %get3A_220 = vector.shape_cast %get3A_219 : vector<1x16xf32> to vector<16xf32>
          %add3A_221 = arith.addf %get3A_216, %get3A_220 : vector<16xf32>
          %max3A_222 = arith.constant 0.000000e+00 : f32
          %max3A_223 = vector.broadcast %max3A_222 : f32 to vector<16xf32>
          %max3A_224 = arith.maximumf %add3A_221, %max3A_223 : vector<16xf32>
          %swap3A_225 = arith.index_cast %add3A_198 : i32 to index
          %swap3A_226 = arith.constant 16 : index
          %swap3A_227 = tpu.vector_load %arg10[%swap3A_225, %swap3A_226] {strides = array<i32>} : memref<80x128xf32, #tpu.memory_space<vmem>>, vector<1x16xf32>,
          %swap3A_228 = vector.shape_cast %swap3A_227 : vector<1x16xf32> to vector<16xf32>
          %swap3A_229 = vector.shape_cast %max3A_224 : vector<16xf32> to vector<1x16xf32>
          tpu.vector_store %arg10[%swap3A_225, %swap3A_226], %swap3A_229 {strides = array<i32>} : memref<80x128xf32, #tpu.memory_space<vmem>>, vector<1x16xf32>,
          %get3A_230 = arith.index_cast %add3A_198 : i32 to index
          %get3A_231 = arith.constant 32 : index
          %get3A_232 = tpu.vector_load %arg10[%get3A_230, %get3A_231] {strides = array<i32>} : memref<80x128xf32, #tpu.memory_space<vmem>>, vector<1x16xf32>,
          %get3A_233 = vector.shape_cast %get3A_232 : vector<1x16xf32> to vector<16xf32>
          %get3A_234 = arith.index_cast %add3A_198 : i32 to index
          %get3A_235 = arith.constant 32 : index
          %get3A_236 = tpu.vector_load %arg12[%get3A_234, %get3A_235] {strides = array<i32>} : memref<80x128xf32, #tpu.memory_space<vmem>>, vector<1x16xf32>,
          %get3A_237 = vector.shape_cast %get3A_236 : vector<1x16xf32> to vector<16xf32>
          %add3A_238 = arith.addf %get3A_233, %get3A_237 : vector<16xf32>
          %max3A_239 = arith.constant 0.000000e+00 : f32
          %max3A_240 = vector.broadcast %max3A_239 : f32 to vector<16xf32>
          %max3A_241 = arith.maximumf %add3A_238, %max3A_240 : vector<16xf32>
          %swap3A_242 = arith.index_cast %add3A_198 : i32 to index
          %swap3A_243 = arith.constant 32 : index
          %swap3A_244 = tpu.vector_load %arg10[%swap3A_242, %swap3A_243] {strides = array<i32>} : memref<80x128xf32, #tpu.memory_space<vmem>>, vector<1x16xf32>,
          %swap3A_245 = vector.shape_cast %swap3A_244 : vector<1x16xf32> to vector<16xf32>
          %swap3A_246 = vector.shape_cast %max3A_241 : vector<16xf32> to vector<1x16xf32>
          tpu.vector_store %arg10[%swap3A_242, %swap3A_243], %swap3A_246 {strides = array<i32>} : memref<80x128xf32, #tpu.memory_space<vmem>>, vector<1x16xf32>,
          %get3A_247 = arith.index_cast %add3A_198 : i32 to index
          %get3A_248 = arith.constant 48 : index
          %get3A_249 = tpu.vector_load %arg10[%get3A_247, %get3A_248] {strides = array<i32>} : memref<80x128xf32, #tpu.memory_space<vmem>>, vector<1x16xf32>,
          %get3A_250 = vector.shape_cast %get3A_249 : vector<1x16xf32> to vector<16xf32>
          %get3A_251 = arith.index_cast %add3A_198 : i32 to index
          %get3A_252 = arith.constant 48 : index
          %get3A_253 = tpu.vector_load %arg12[%get3A_251, %get3A_252] {strides = array<i32>} : memref<80x128xf32, #tpu.memory_space<vmem>>, vector<1x16xf32>,
          %get3A_254 = vector.shape_cast %get3A_253 : vector<1x16xf32> to vector<16xf32>
          %add3A_255 = arith.addf %get3A_250, %get3A_254 : vector<16xf32>
          %max3A_256 = arith.constant 0.000000e+00 : f32
          %max3A_257 = vector.broadcast %max3A_256 : f32 to vector<16xf32>
          %max3A_258 = arith.maximumf %add3A_255, %max3A_257 : vector<16xf32>
          %swap3A_259 = arith.index_cast %add3A_198 : i32 to index
          %swap3A_260 = arith.constant 48 : index
          %swap3A_261 = tpu.vector_load %arg10[%swap3A_259, %swap3A_260] {strides = array<i32>} : memref<80x128xf32, #tpu.memory_space<vmem>>, vector<1x16xf32>,
          %swap3A_262 = vector.shape_cast %swap3A_261 : vector<1x16xf32> to vector<16xf32>
          %swap3A_263 = vector.shape_cast %max3A_258 : vector<16xf32> to vector<1x16xf32>
          tpu.vector_store %arg10[%swap3A_259, %swap3A_260], %swap3A_263 {strides = array<i32>} : memref<80x128xf32, #tpu.memory_space<vmem>>, vector<1x16xf32>,
          %get3A_264 = arith.index_cast %add3A_198 : i32 to index
          %get3A_265 = arith.constant 64 : index
          %get3A_266 = tpu.vector_load %arg10[%get3A_264, %get3A_265] {strides = array<i32>} : memref<80x128xf32, #tpu.memory_space<vmem>>, vector<1x16xf32>,
          %get3A_267 = vector.shape_cast %get3A_266 : vector<1x16xf32> to vector<16xf32>
          %get3A_268 = arith.index_cast %add3A_198 : i32 to index
          %get3A_269 = arith.constant 64 : index
          %get3A_270 = tpu.vector_load %arg12[%get3A_268, %get3A_269] {strides = array<i32>} : memref<80x128xf32, #tpu.memory_space<vmem>>, vector<1x16xf32>,
          %get3A_271 = vector.shape_cast %get3A_270 : vector<1x16xf32> to vector<16xf32>
          %add3A_272 = arith.addf %get3A_267, %get3A_271 : vector<16xf32>
          %max3A_273 = arith.constant 0.000000e+00 : f32
          %max3A_274 = vector.broadcast %max3A_273 : f32 to vector<16xf32>
          %max3A_275 = arith.maximumf %add3A_272, %max3A_274 : vector<16xf32>
          %swap3A_276 = arith.index_cast %add3A_198 : i32 to index
          %swap3A_277 = arith.constant 64 : index
          %swap3A_278 = tpu.vector_load %arg10[%swap3A_276, %swap3A_277] {strides = array<i32>} : memref<80x128xf32, #tpu.memory_space<vmem>>, vector<1x16xf32>,
          %swap3A_279 = vector.shape_cast %swap3A_278 : vector<1x16xf32> to vector<16xf32>
          %swap3A_280 = vector.shape_cast %max3A_275 : vector<16xf32> to vector<1x16xf32>
          tpu.vector_store %arg10[%swap3A_276, %swap3A_277], %swap3A_280 {strides = array<i32>} : memref<80x128xf32, #tpu.memory_space<vmem>>, vector<1x16xf32>,
          %get3A_281 = arith.index_cast %add3A_198 : i32 to index
          %get3A_282 = arith.constant 80 : index
          %get3A_283 = tpu.vector_load %arg10[%get3A_281, %get3A_282] {strides = array<i32>} : memref<80x128xf32, #tpu.memory_space<vmem>>, vector<1x16xf32>,
          %get3A_284 = vector.shape_cast %get3A_283 : vector<1x16xf32> to vector<16xf32>
          %get3A_285 = arith.index_cast %add3A_198 : i32 to index
          %get3A_286 = arith.constant 80 : index
          %get3A_287 = tpu.vector_load %arg12[%get3A_285, %get3A_286] {strides = array<i32>} : memref<80x128xf32, #tpu.memory_space<vmem>>, vector<1x16xf32>,
          %get3A_288 = vector.shape_cast %get3A_287 : vector<1x16xf32> to vector<16xf32>
          %add3A_289 = arith.addf %get3A_284, %get3A_288 : vector<16xf32>
          %max3A_290 = arith.constant 0.000000e+00 : f32
          %max3A_291 = vector.broadcast %max3A_290 : f32 to vector<16xf32>
          %max3A_292 = arith.maximumf %add3A_289, %max3A_291 : vector<16xf32>
          %swap3A_293 = arith.index_cast %add3A_198 : i32 to index
          %swap3A_294 = arith.constant 80 : index
          %swap3A_295 = tpu.vector_load %arg10[%swap3A_293, %swap3A_294] {strides = array<i32>} : memref<80x128xf32, #tpu.memory_space<vmem>>, vector<1x16xf32>,
          %swap3A_296 = vector.shape_cast %swap3A_295 : vector<1x16xf32> to vector<16xf32>
          %swap3A_297 = vector.shape_cast %max3A_292 : vector<16xf32> to vector<1x16xf32>
          tpu.vector_store %arg10[%swap3A_293, %swap3A_294], %swap3A_297 {strides = array<i32>} : memref<80x128xf32, #tpu.memory_space<vmem>>, vector<1x16xf32>,
          %get3A_298 = arith.index_cast %add3A_198 : i32 to index
          %get3A_299 = arith.constant 96 : index
          %get3A_300 = tpu.vector_load %arg10[%get3A_298, %get3A_299] {strides = array<i32>} : memref<80x128xf32, #tpu.memory_space<vmem>>, vector<1x16xf32>,
          %get3A_301 = vector.shape_cast %get3A_300 : vector<1x16xf32> to vector<16xf32>
          %get3A_302 = arith.index_cast %add3A_198 : i32 to index
          %get3A_303 = arith.constant 96 : index
          %get3A_304 = tpu.vector_load %arg12[%get3A_302, %get3A_303] {strides = array<i32>} : memref<80x128xf32, #tpu.memory_space<vmem>>, vector<1x16xf32>,
          %get3A_305 = vector.shape_cast %get3A_304 : vector<1x16xf32> to vector<16xf32>
          %add3A_306 = arith.addf %get3A_301, %get3A_305 : vector<16xf32>
          %max3A_307 = arith.constant 0.000000e+00 : f32
          %max3A_308 = vector.broadcast %max3A_307 : f32 to vector<16xf32>
          %max3A_309 = arith.maximumf %add3A_306, %max3A_308 : vector<16xf32>
          %swap3A_310 = arith.index_cast %add3A_198 : i32 to index
          %swap3A_311 = arith.constant 96 : index
          %swap3A_312 = tpu.vector_load %arg10[%swap3A_310, %swap3A_311] {strides = array<i32>} : memref<80x128xf32, #tpu.memory_space<vmem>>, vector<1x16xf32>,
          %swap3A_313 = vector.shape_cast %swap3A_312 : vector<1x16xf32> to vector<16xf32>
          %swap3A_314 = vector.shape_cast %max3A_309 : vector<16xf32> to vector<1x16xf32>
          tpu.vector_store %arg10[%swap3A_310, %swap3A_311], %swap3A_314 {strides = array<i32>} : memref<80x128xf32, #tpu.memory_space<vmem>>, vector<1x16xf32>,
          %get3A_315 = arith.index_cast %add3A_198 : i32 to index
          %get3A_316 = arith.constant 112 : index
          %get3A_317 = tpu.vector_load %arg10[%get3A_315, %get3A_316] {strides = array<i32>} : memref<80x128xf32, #tpu.memory_space<vmem>>, vector<1x16xf32>,
          %get3A_318 = vector.shape_cast %get3A_317 : vector<1x16xf32> to vector<16xf32>
          %get3A_319 = arith.index_cast %add3A_198 : i32 to index
          %get3A_320 = arith.constant 112 : index
          %get3A_321 = tpu.vector_load %arg12[%get3A_319, %get3A_320] {strides = array<i32>} : memref<80x128xf32, #tpu.memory_space<vmem>>, vector<1x16xf32>,
          %get3A_322 = vector.shape_cast %get3A_321 : vector<1x16xf32> to vector<16xf32>
          %add3A_323 = arith.addf %get3A_318, %get3A_322 : vector<16xf32>
          %max3A_324 = arith.constant 0.000000e+00 : f32
          %max3A_325 = vector.broadcast %max3A_324 : f32 to vector<16xf32>
          %max3A_326 = arith.maximumf %add3A_323, %max3A_325 : vector<16xf32>
          %swap3A_327 = arith.index_cast %add3A_198 : i32 to index
          %swap3A_328 = arith.constant 112 : index
          %swap3A_329 = tpu.vector_load %arg10[%swap3A_327, %swap3A_328] {strides = array<i32>} : memref<80x128xf32, #tpu.memory_space<vmem>>, vector<1x16xf32>,
          %swap3A_330 = vector.shape_cast %swap3A_329 : vector<1x16xf32> to vector<16xf32>
          %swap3A_331 = vector.shape_cast %max3A_326 : vector<16xf32> to vector<1x16xf32>
          tpu.vector_store %arg10[%swap3A_327, %swap3A_328], %swap3A_331 {strides = array<i32>} : memref<80x128xf32, #tpu.memory_space<vmem>>, vector<1x16xf32>,
        }
        %scan3A_193 = arith.constant 80 : i32
        "tpu.region"() ({
          %run_scoped3A_194 = tpu.sem_alloc : memref<!tpu.dma_semaphore, #tpu.memory_space<semaphore_mem>>
          %dma_start3A_195 = arith.constant 0 : i32
          %dma_start3A_196 = tpu.memref_slice %arg8[%add3A_154, %dma_start3A_195] : memref<25x80xi32, #tpu.memory_space<vmem>> -> memref<1x80xi32, #tpu.memory_space<vmem>>
          %dma_start3A_197 = tpu.memref_squeeze %dma_start3A_196 : memref<1x80xi32, #tpu.memory_space<vmem>> -> memref<80xi32, #tpu.memory_space<vmem>>
          %dma_start3A_198 = arith.constant 0 : i32
          %dma_start3A_199 = arith.constant 0 : i32
          %dma_start3A_200 = tpu.memref_slice %arg13[%dma_start3A_198, %dma_start3A_199] : memref<10000x128xf32, #tpu.memory_space<vmem_shared>> -> memref<10000x128xf32, #tpu.memory_space<vmem_shared>>
          tpu.enqueue_indirect_dma source(%arg10 : memref<80x128xf32, #tpu.memory_space<vmem>>) target(%dma_start3A_200 : memref<10000x128xf32, #tpu.memory_space<vmem_shared>>) offsets(%dma_start3A_197 : memref<80xi32, #tpu.memory_space<vmem>>) semaphore(%run_scoped3A_194 : memref<!tpu.dma_semaphore, #tpu.memory_space<semaphore_mem>>) {add = true}
          %dma_wait3A_201 = arith.constant 0 : i32
          %dma_wait3A_202 = tpu.memref_slice %arg8[%add3A_154, %dma_wait3A_201] : memref<25x80xi32, #tpu.memory_space<vmem>> -> memref<1x80xi32, #tpu.memory_space<vmem>>
          %dma_wait3A_203 = tpu.memref_squeeze %dma_wait3A_202 : memref<1x80xi32, #tpu.memory_space<vmem>> -> memref<80xi32, #tpu.memory_space<vmem>>
          %dma_wait3A_204 = arith.constant 0 : i32
          %dma_wait3A_205 = arith.constant 0 : i32
          %dma_wait3A_206 = tpu.memref_slice %arg13[%dma_wait3A_204, %dma_wait3A_205] : memref<10000x128xf32, #tpu.memory_space<vmem_shared>> -> memref<10000x128xf32, #tpu.memory_space<vmem_shared>>
          tpu.wait_indirect_dma semaphore(%run_scoped3A_194 : memref<!tpu.dma_semaphore, #tpu.memory_space<semaphore_mem>>) src(%arg10 : memref<80x128xf32, #tpu.memory_space<vmem>>) dst(%dma_wait3A_206 : memref<10000x128xf32, #tpu.memory_space<vmem_shared>>)
          tpu.yield
        }) : () -> ()
      }
      %scan3A_82 = arith.constant 12 : i32
      %dma_wait3A = arith.constant 24 : i32
      %dma_wait3A_83 = arith.constant 0 : i32
      %dma_wait3A_84 = tpu.memref_slice %arg7[%dma_wait3A, %dma_wait3A_83] : memref<25x80xi32, #tpu.memory_space<vmem>> -> memref<1x80xi32, #tpu.memory_space<vmem>>
      %dma_wait3A_85 = tpu.memref_squeeze %dma_wait3A_84 : memref<1x80xi32, #tpu.memory_space<vmem>> -> memref<80xi32, #tpu.memory_space<vmem>>
      %dma_wait3A_86 = arith.constant 0 : i32
      %dma_wait3A_87 = arith.constant 0 : i32
      %dma_wait3A_88 = tpu.memref_slice %arg2[%dma_wait3A_86, %dma_wait3A_87] : memref<10000x128xf32, #tpu.memory_space<hbm>> -> memref<10000x128xf32, #tpu.memory_space<hbm>>
      tpu.wait_indirect_dma semaphore(%arg14 : memref<!tpu.dma_semaphore, #tpu.memory_space<semaphore_mem>>) src(%dma_wait3A_88 : memref<10000x128xf32, #tpu.memory_space<hbm>>) dst(%arg9 : memref<80x128xf32, #tpu.memory_space<vmem>>)
      %mul3A_89 = arith.constant 25 : i32
      %mul3A_90 = arith.muli %add3A_60, %mul3A_89 : i32
      %add3A_91 = arith.constant 24 : i32
      %add3A_92 = arith.addi %mul3A_90, %add3A_91 : i32
      %mul3A_93 = arith.constant 80 : i32
      %mul3A_94 = arith.muli %add3A_92, %mul3A_93 : i32
      %add3A_95 = arith.addi %mul3A_40, %mul3A_94 : i32
      %dma_wait3A_96 = arith.constant 0 : i32
      %dma_wait3A_97 = tpu.memref_slice %arg3[%add3A_95, %dma_wait3A_96] : memref<320000x128xf32, #tpu.memory_space<hbm>> -> memref<80x128xf32, #tpu.memory_space<hbm>>
      %dma_wait3A_98 = arith.constant 0 : i32
      %dma_wait3A_99 = tpu.memref_slice %arg3[%add3A_95, %dma_wait3A_98] : memref<320000x128xf32, #tpu.memory_space<hbm>> -> memref<80x128xf32, #tpu.memory_space<hbm>>
      tpu.wait_dma2 semaphore(%arg16 : memref<!tpu.dma_semaphore, #tpu.memory_space<semaphore_mem>>) src(%dma_wait3A_99 : memref<80x128xf32, #tpu.memory_space<hbm>>) dst(%arg11 : memref<80x128xf32, #tpu.memory_space<vmem>>)
      %scan3A_100 = arith.constant 0 : i32
      %scan3A_101 = arith.constant 80 : i32
      %scan3A_102 = arith.addi %scan3A_100, %scan3A_101 : i32
      %scan3A_103 = arith.constant 1 : i32
      scf.for %scan3A_105 = %scan3A_100 to %scan3A_102 step %scan3A_103  : i32 {
        %mul3A_106 = arith.constant 1 : i32
        %mul3A_107 = arith.muli %scan3A_105, %mul3A_106 : i32
        %add3A_108 = arith.constant 0 : i32
        %add3A_109 = arith.addi %add3A_108, %mul3A_107 : i32
        %get3A = arith.index_cast %add3A_109 : i32 to index
        %get3A_110 = arith.constant 0 : index
        %get3A_111 = tpu.vector_load %arg9[%get3A, %get3A_110] {strides = array<i32>} : memref<80x128xf32, #tpu.memory_space<vmem>>, vector<1x16xf32>,
        %get3A_112 = vector.shape_cast %get3A_111 : vector<1x16xf32> to vector<16xf32>
        %get3A_113 = arith.index_cast %add3A_109 : i32 to index
        %get3A_114 = arith.constant 0 : index
        %get3A_115 = tpu.vector_load %arg11[%get3A_113, %get3A_114] {strides = array<i32>} : memref<80x128xf32, #tpu.memory_space<vmem>>, vector<1x16xf32>,
        %get3A_116 = vector.shape_cast %get3A_115 : vector<1x16xf32> to vector<16xf32>
        %add3A_117 = arith.addf %get3A_112, %get3A_116 : vector<16xf32>
        %max3A = arith.constant 0.000000e+00 : f32
        %max3A_118 = vector.broadcast %max3A : f32 to vector<16xf32>
        %max3A_119 = arith.maximumf %add3A_117, %max3A_118 : vector<16xf32>
        %swap3A = arith.index_cast %add3A_109 : i32 to index
        %swap3A_120 = arith.constant 0 : index
        %swap3A_121 = tpu.vector_load %arg9[%swap3A, %swap3A_120] {strides = array<i32>} : memref<80x128xf32, #tpu.memory_space<vmem>>, vector<1x16xf32>,
        %swap3A_122 = vector.shape_cast %swap3A_121 : vector<1x16xf32> to vector<16xf32>
        %swap3A_123 = vector.shape_cast %max3A_119 : vector<16xf32> to vector<1x16xf32>
        tpu.vector_store %arg9[%swap3A, %swap3A_120], %swap3A_123 {strides = array<i32>} : memref<80x128xf32, #tpu.memory_space<vmem>>, vector<1x16xf32>,
        %get3A_124 = arith.index_cast %add3A_109 : i32 to index
        %get3A_125 = arith.constant 16 : index
        %get3A_126 = tpu.vector_load %arg9[%get3A_124, %get3A_125] {strides = array<i32>} : memref<80x128xf32, #tpu.memory_space<vmem>>, vector<1x16xf32>,
        %get3A_127 = vector.shape_cast %get3A_126 : vector<1x16xf32> to vector<16xf32>
        %get3A_128 = arith.index_cast %add3A_109 : i32 to index
        %get3A_129 = arith.constant 16 : index
        %get3A_130 = tpu.vector_load %arg11[%get3A_128, %get3A_129] {strides = array<i32>} : memref<80x128xf32, #tpu.memory_space<vmem>>, vector<1x16xf32>,
        %get3A_131 = vector.shape_cast %get3A_130 : vector<1x16xf32> to vector<16xf32>
        %add3A_132 = arith.addf %get3A_127, %get3A_131 : vector<16xf32>
        %max3A_133 = arith.constant 0.000000e+00 : f32
        %max3A_134 = vector.broadcast %max3A_133 : f32 to vector<16xf32>
        %max3A_135 = arith.maximumf %add3A_132, %max3A_134 : vector<16xf32>
        %swap3A_136 = arith.index_cast %add3A_109 : i32 to index
        %swap3A_137 = arith.constant 16 : index
        %swap3A_138 = tpu.vector_load %arg9[%swap3A_136, %swap3A_137] {strides = array<i32>} : memref<80x128xf32, #tpu.memory_space<vmem>>, vector<1x16xf32>,
        %swap3A_139 = vector.shape_cast %swap3A_138 : vector<1x16xf32> to vector<16xf32>
        %swap3A_140 = vector.shape_cast %max3A_135 : vector<16xf32> to vector<1x16xf32>
        tpu.vector_store %arg9[%swap3A_136, %swap3A_137], %swap3A_140 {strides = array<i32>} : memref<80x128xf32, #tpu.memory_space<vmem>>, vector<1x16xf32>,
        %get3A_141 = arith.index_cast %add3A_109 : i32 to index
        %get3A_142 = arith.constant 32 : index
        %get3A_143 = tpu.vector_load %arg9[%get3A_141, %get3A_142] {strides = array<i32>} : memref<80x128xf32, #tpu.memory_space<vmem>>, vector<1x16xf32>,
        %get3A_144 = vector.shape_cast %get3A_143 : vector<1x16xf32> to vector<16xf32>
        %get3A_145 = arith.index_cast %add3A_109 : i32 to index
        %get3A_146 = arith.constant 32 : index
        %get3A_147 = tpu.vector_load %arg11[%get3A_145, %get3A_146] {strides = array<i32>} : memref<80x128xf32, #tpu.memory_space<vmem>>, vector<1x16xf32>,
        %get3A_148 = vector.shape_cast %get3A_147 : vector<1x16xf32> to vector<16xf32>
        %add3A_149 = arith.addf %get3A_144, %get3A_148 : vector<16xf32>
        %max3A_150 = arith.constant 0.000000e+00 : f32
        %max3A_151 = vector.broadcast %max3A_150 : f32 to vector<16xf32>
        %max3A_152 = arith.maximumf %add3A_149, %max3A_151 : vector<16xf32>
        %swap3A_153 = arith.index_cast %add3A_109 : i32 to index
        %swap3A_154 = arith.constant 32 : index
        %swap3A_155 = tpu.vector_load %arg9[%swap3A_153, %swap3A_154] {strides = array<i32>} : memref<80x128xf32, #tpu.memory_space<vmem>>, vector<1x16xf32>,
        %swap3A_156 = vector.shape_cast %swap3A_155 : vector<1x16xf32> to vector<16xf32>
        %swap3A_157 = vector.shape_cast %max3A_152 : vector<16xf32> to vector<1x16xf32>
        tpu.vector_store %arg9[%swap3A_153, %swap3A_154], %swap3A_157 {strides = array<i32>} : memref<80x128xf32, #tpu.memory_space<vmem>>, vector<1x16xf32>,
        %get3A_158 = arith.index_cast %add3A_109 : i32 to index
        %get3A_159 = arith.constant 48 : index
        %get3A_160 = tpu.vector_load %arg9[%get3A_158, %get3A_159] {strides = array<i32>} : memref<80x128xf32, #tpu.memory_space<vmem>>, vector<1x16xf32>,
        %get3A_161 = vector.shape_cast %get3A_160 : vector<1x16xf32> to vector<16xf32>
        %get3A_162 = arith.index_cast %add3A_109 : i32 to index
        %get3A_163 = arith.constant 48 : index
        %get3A_164 = tpu.vector_load %arg11[%get3A_162, %get3A_163] {strides = array<i32>} : memref<80x128xf32, #tpu.memory_space<vmem>>, vector<1x16xf32>,
        %get3A_165 = vector.shape_cast %get3A_164 : vector<1x16xf32> to vector<16xf32>
        %add3A_166 = arith.addf %get3A_161, %get3A_165 : vector<16xf32>
        %max3A_167 = arith.constant 0.000000e+00 : f32
        %max3A_168 = vector.broadcast %max3A_167 : f32 to vector<16xf32>
        %max3A_169 = arith.maximumf %add3A_166, %max3A_168 : vector<16xf32>
        %swap3A_170 = arith.index_cast %add3A_109 : i32 to index
        %swap3A_171 = arith.constant 48 : index
        %swap3A_172 = tpu.vector_load %arg9[%swap3A_170, %swap3A_171] {strides = array<i32>} : memref<80x128xf32, #tpu.memory_space<vmem>>, vector<1x16xf32>,
        %swap3A_173 = vector.shape_cast %swap3A_172 : vector<1x16xf32> to vector<16xf32>
        %swap3A_174 = vector.shape_cast %max3A_169 : vector<16xf32> to vector<1x16xf32>
        tpu.vector_store %arg9[%swap3A_170, %swap3A_171], %swap3A_174 {strides = array<i32>} : memref<80x128xf32, #tpu.memory_space<vmem>>, vector<1x16xf32>,
        %get3A_175 = arith.index_cast %add3A_109 : i32 to index
        %get3A_176 = arith.constant 64 : index
        %get3A_177 = tpu.vector_load %arg9[%get3A_175, %get3A_176] {strides = array<i32>} : memref<80x128xf32, #tpu.memory_space<vmem>>, vector<1x16xf32>,
        %get3A_178 = vector.shape_cast %get3A_177 : vector<1x16xf32> to vector<16xf32>
        %get3A_179 = arith.index_cast %add3A_109 : i32 to index
        %get3A_180 = arith.constant 64 : index
        %get3A_181 = tpu.vector_load %arg11[%get3A_179, %get3A_180] {strides = array<i32>} : memref<80x128xf32, #tpu.memory_space<vmem>>, vector<1x16xf32>,
        %get3A_182 = vector.shape_cast %get3A_181 : vector<1x16xf32> to vector<16xf32>
        %add3A_183 = arith.addf %get3A_178, %get3A_182 : vector<16xf32>
        %max3A_184 = arith.constant 0.000000e+00 : f32
        %max3A_185 = vector.broadcast %max3A_184 : f32 to vector<16xf32>
        %max3A_186 = arith.maximumf %add3A_183, %max3A_185 : vector<16xf32>
        %swap3A_187 = arith.index_cast %add3A_109 : i32 to index
        %swap3A_188 = arith.constant 64 : index
        %swap3A_189 = tpu.vector_load %arg9[%swap3A_187, %swap3A_188] {strides = array<i32>} : memref<80x128xf32, #tpu.memory_space<vmem>>, vector<1x16xf32>,
        %swap3A_190 = vector.shape_cast %swap3A_189 : vector<1x16xf32> to vector<16xf32>
        %swap3A_191 = vector.shape_cast %max3A_186 : vector<16xf32> to vector<1x16xf32>
        tpu.vector_store %arg9[%swap3A_187, %swap3A_188], %swap3A_191 {strides = array<i32>} : memref<80x128xf32, #tpu.memory_space<vmem>>, vector<1x16xf32>,
        %get3A_192 = arith.index_cast %add3A_109 : i32 to index
        %get3A_193 = arith.constant 80 : index
        %get3A_194 = tpu.vector_load %arg9[%get3A_192, %get3A_193] {strides = array<i32>} : memref<80x128xf32, #tpu.memory_space<vmem>>, vector<1x16xf32>,
        %get3A_195 = vector.shape_cast %get3A_194 : vector<1x16xf32> to vector<16xf32>
        %get3A_196 = arith.index_cast %add3A_109 : i32 to index
        %get3A_197 = arith.constant 80 : index
        %get3A_198 = tpu.vector_load %arg11[%get3A_196, %get3A_197] {strides = array<i32>} : memref<80x128xf32, #tpu.memory_space<vmem>>, vector<1x16xf32>,
        %get3A_199 = vector.shape_cast %get3A_198 : vector<1x16xf32> to vector<16xf32>
        %add3A_200 = arith.addf %get3A_195, %get3A_199 : vector<16xf32>
        %max3A_201 = arith.constant 0.000000e+00 : f32
        %max3A_202 = vector.broadcast %max3A_201 : f32 to vector<16xf32>
        %max3A_203 = arith.maximumf %add3A_200, %max3A_202 : vector<16xf32>
        %swap3A_204 = arith.index_cast %add3A_109 : i32 to index
        %swap3A_205 = arith.constant 80 : index
        %swap3A_206 = tpu.vector_load %arg9[%swap3A_204, %swap3A_205] {strides = array<i32>} : memref<80x128xf32, #tpu.memory_space<vmem>>, vector<1x16xf32>,
        %swap3A_207 = vector.shape_cast %swap3A_206 : vector<1x16xf32> to vector<16xf32>
        %swap3A_208 = vector.shape_cast %max3A_203 : vector<16xf32> to vector<1x16xf32>
        tpu.vector_store %arg9[%swap3A_204, %swap3A_205], %swap3A_208 {strides = array<i32>} : memref<80x128xf32, #tpu.memory_space<vmem>>, vector<1x16xf32>,
        %get3A_209 = arith.index_cast %add3A_109 : i32 to index
        %get3A_210 = arith.constant 96 : index
        %get3A_211 = tpu.vector_load %arg9[%get3A_209, %get3A_210] {strides = array<i32>} : memref<80x128xf32, #tpu.memory_space<vmem>>, vector<1x16xf32>,
        %get3A_212 = vector.shape_cast %get3A_211 : vector<1x16xf32> to vector<16xf32>
        %get3A_213 = arith.index_cast %add3A_109 : i32 to index
        %get3A_214 = arith.constant 96 : index
        %get3A_215 = tpu.vector_load %arg11[%get3A_213, %get3A_214] {strides = array<i32>} : memref<80x128xf32, #tpu.memory_space<vmem>>, vector<1x16xf32>,
        %get3A_216 = vector.shape_cast %get3A_215 : vector<1x16xf32> to vector<16xf32>
        %add3A_217 = arith.addf %get3A_212, %get3A_216 : vector<16xf32>
        %max3A_218 = arith.constant 0.000000e+00 : f32
        %max3A_219 = vector.broadcast %max3A_218 : f32 to vector<16xf32>
        %max3A_220 = arith.maximumf %add3A_217, %max3A_219 : vector<16xf32>
        %swap3A_221 = arith.index_cast %add3A_109 : i32 to index
        %swap3A_222 = arith.constant 96 : index
        %swap3A_223 = tpu.vector_load %arg9[%swap3A_221, %swap3A_222] {strides = array<i32>} : memref<80x128xf32, #tpu.memory_space<vmem>>, vector<1x16xf32>,
        %swap3A_224 = vector.shape_cast %swap3A_223 : vector<1x16xf32> to vector<16xf32>
        %swap3A_225 = vector.shape_cast %max3A_220 : vector<16xf32> to vector<1x16xf32>
        tpu.vector_store %arg9[%swap3A_221, %swap3A_222], %swap3A_225 {strides = array<i32>} : memref<80x128xf32, #tpu.memory_space<vmem>>, vector<1x16xf32>,
        %get3A_226 = arith.index_cast %add3A_109 : i32 to index
        %get3A_227 = arith.constant 112 : index
        %get3A_228 = tpu.vector_load %arg9[%get3A_226, %get3A_227] {strides = array<i32>} : memref<80x128xf32, #tpu.memory_space<vmem>>, vector<1x16xf32>,
        %get3A_229 = vector.shape_cast %get3A_228 : vector<1x16xf32> to vector<16xf32>
        %get3A_230 = arith.index_cast %add3A_109 : i32 to index
        %get3A_231 = arith.constant 112 : index
        %get3A_232 = tpu.vector_load %arg11[%get3A_230, %get3A_231] {strides = array<i32>} : memref<80x128xf32, #tpu.memory_space<vmem>>, vector<1x16xf32>,
        %get3A_233 = vector.shape_cast %get3A_232 : vector<1x16xf32> to vector<16xf32>
        %add3A_234 = arith.addf %get3A_229, %get3A_233 : vector<16xf32>
        %max3A_235 = arith.constant 0.000000e+00 : f32
        %max3A_236 = vector.broadcast %max3A_235 : f32 to vector<16xf32>
        %max3A_237 = arith.maximumf %add3A_234, %max3A_236 : vector<16xf32>
        %swap3A_238 = arith.index_cast %add3A_109 : i32 to index
        %swap3A_239 = arith.constant 112 : index
        %swap3A_240 = tpu.vector_load %arg9[%swap3A_238, %swap3A_239] {strides = array<i32>} : memref<80x128xf32, #tpu.memory_space<vmem>>, vector<1x16xf32>,
        %swap3A_241 = vector.shape_cast %swap3A_240 : vector<1x16xf32> to vector<16xf32>
        %swap3A_242 = vector.shape_cast %max3A_237 : vector<16xf32> to vector<1x16xf32>
        tpu.vector_store %arg9[%swap3A_238, %swap3A_239], %swap3A_242 {strides = array<i32>} : memref<80x128xf32, #tpu.memory_space<vmem>>, vector<1x16xf32>,
      }
      %scan3A_104 = arith.constant 80 : i32
      %run_scoped3A = arith.constant 24 : i32
      "tpu.region"() ({
        %run_scoped3A_105 = tpu.sem_alloc : memref<!tpu.dma_semaphore, #tpu.memory_space<semaphore_mem>>
        %dma_start3A_106 = arith.constant 0 : i32
        %dma_start3A_107 = tpu.memref_slice %arg8[%run_scoped3A, %dma_start3A_106] : memref<25x80xi32, #tpu.memory_space<vmem>> -> memref<1x80xi32, #tpu.memory_space<vmem>>
        %dma_start3A_108 = tpu.memref_squeeze %dma_start3A_107 : memref<1x80xi32, #tpu.memory_space<vmem>> -> memref<80xi32, #tpu.memory_space<vmem>>
        %dma_start3A_109 = arith.constant 0 : i32
        %dma_start3A_110 = arith.constant 0 : i32
        %dma_start3A_111 = tpu.memref_slice %arg13[%dma_start3A_109, %dma_start3A_110] : memref<10000x128xf32, #tpu.memory_space<vmem_shared>> -> memref<10000x128xf32, #tpu.memory_space<vmem_shared>>
        tpu.enqueue_indirect_dma source(%arg9 : memref<80x128xf32, #tpu.memory_space<vmem>>) target(%dma_start3A_111 : memref<10000x128xf32, #tpu.memory_space<vmem_shared>>) offsets(%dma_start3A_108 : memref<80xi32, #tpu.memory_space<vmem>>) semaphore(%run_scoped3A_105 : memref<!tpu.dma_semaphore, #tpu.memory_space<semaphore_mem>>) {add = true}
        %dma_wait3A_112 = arith.constant 0 : i32
        %dma_wait3A_113 = tpu.memref_slice %arg8[%run_scoped3A, %dma_wait3A_112] : memref<25x80xi32, #tpu.memory_space<vmem>> -> memref<1x80xi32, #tpu.memory_space<vmem>>
        %dma_wait3A_114 = tpu.memref_squeeze %dma_wait3A_113 : memref<1x80xi32, #tpu.memory_space<vmem>> -> memref<80xi32, #tpu.memory_space<vmem>>
        %dma_wait3A_115 = arith.constant 0 : i32
        %dma_wait3A_116 = arith.constant 0 : i32
        %dma_wait3A_117 = tpu.memref_slice %arg13[%dma_wait3A_115, %dma_wait3A_116] : memref<10000x128xf32, #tpu.memory_space<vmem_shared>> -> memref<10000x128xf32, #tpu.memory_space<vmem_shared>>
        tpu.wait_indirect_dma semaphore(%run_scoped3A_105 : memref<!tpu.dma_semaphore, #tpu.memory_space<semaphore_mem>>) src(%arg9 : memref<80x128xf32, #tpu.memory_space<vmem>>) dst(%dma_wait3A_117 : memref<10000x128xf32, #tpu.memory_space<vmem_shared>>)
        tpu.yield
      }) : () -> ()
    }
    %scan3A_45 = arith.constant 5 : i32
    %barrier3A_46 = arith.constant 0 : index
    tpu.barrier barrier_id(%barrier3A_46)
    %mul3A_47 = arith.constant 624 : i32
    %mul3A_48 = arith.muli %arg1, %mul3A_47 : i32
    %mul3A_49 = arith.constant 624 : i32
    %mul3A_50 = arith.muli %arg1, %mul3A_49 : i32
    "tpu.region"() ({
      %run_scoped3A = tpu.sem_alloc : memref<!tpu.dma_semaphore, #tpu.memory_space<semaphore_mem>>
      %dma_start3A = arith.constant 0 : i32
      %dma_start3A_56 = tpu.memref_slice %arg6[%arg0, %mul3A_50, %dma_start3A] : memref<2x10000x128xf32, #tpu.memory_space<hbm>> -> memref<1x624x128xf32, #tpu.memory_space<hbm>>
      %dma_start3A_57 = tpu.memref_squeeze %dma_start3A_56 : memref<1x624x128xf32, #tpu.memory_space<hbm>> -> memref<624x128xf32, #tpu.memory_space<hbm>>
      %dma_start3A_58 = arith.constant 0 : i32
      %dma_start3A_59 = tpu.memref_slice %arg13[%mul3A_48, %dma_start3A_58] : memref<10000x128xf32, #tpu.memory_space<vmem_shared>> -> memref<624x128xf32, #tpu.memory_space<vmem_shared>>
      tpu.enqueue_dma source(%dma_start3A_59 : memref<624x128xf32, #tpu.memory_space<vmem_shared>>) target(%dma_start3A_57 : memref<624x128xf32, #tpu.memory_space<hbm>>) target_semaphore(%run_scoped3A : memref<!tpu.dma_semaphore, #tpu.memory_space<semaphore_mem>>)
      %dma_wait3A = arith.constant 0 : i32
      %dma_wait3A_60 = tpu.memref_slice %arg6[%arg0, %mul3A_50, %dma_wait3A] : memref<2x10000x128xf32, #tpu.memory_space<hbm>> -> memref<1x624x128xf32, #tpu.memory_space<hbm>>
      %dma_wait3A_61 = tpu.memref_squeeze %dma_wait3A_60 : memref<1x624x128xf32, #tpu.memory_space<hbm>> -> memref<624x128xf32, #tpu.memory_space<hbm>>
      %dma_wait3A_62 = arith.constant 0 : i32
      %dma_wait3A_63 = tpu.memref_slice %arg13[%mul3A_48, %dma_wait3A_62] : memref<10000x128xf32, #tpu.memory_space<vmem_shared>> -> memref<624x128xf32, #tpu.memory_space<vmem_shared>>
      tpu.wait_dma2 semaphore(%run_scoped3A : memref<!tpu.dma_semaphore, #tpu.memory_space<semaphore_mem>>) src(%dma_wait3A_63 : memref<624x128xf32, #tpu.memory_space<vmem_shared>>) dst(%dma_wait3A_61 : memref<624x128xf32, #tpu.memory_space<hbm>>)
      tpu.yield
    }) : () -> ()
    %eq3A_51 = arith.constant 15 : i32
    %eq3A_52 = arith.cmpi eq, %arg1, %eq3A_51 : i32
    %convert_element_type3A_53 = arith.extui %eq3A_52 : i1 to i32
    %cond3A_54 = arith.constant 0 : i32
    %cond3A_55 = arith.cmpi ne, %convert_element_type3A_53, %cond3A_54 : i32
    scf.if %cond3A_55 {
      "tpu.region"() ({
        %run_scoped3A = tpu.sem_alloc : memref<!tpu.dma_semaphore, #tpu.memory_space<semaphore_mem>>
        %dma_start3A = arith.constant 9984 : i32
        %dma_start3A_56 = arith.constant 0 : i32
        %dma_start3A_57 = tpu.memref_slice %arg6[%arg0, %dma_start3A, %dma_start3A_56] : memref<2x10000x128xf32, #tpu.memory_space<hbm>> -> memref<1x16x128xf32, #tpu.memory_space<hbm>>
        %dma_start3A_58 = tpu.memref_squeeze %dma_start3A_57 : memref<1x16x128xf32, #tpu.memory_space<hbm>> -> memref<16x128xf32, #tpu.memory_space<hbm>>
        %dma_start3A_59 = arith.constant 9984 : i32
        %dma_start3A_60 = arith.constant 0 : i32
        %dma_start3A_61 = tpu.memref_slice %arg13[%dma_start3A_59, %dma_start3A_60] : memref<10000x128xf32, #tpu.memory_space<vmem_shared>> -> memref<16x128xf32, #tpu.memory_space<vmem_shared>>
        tpu.enqueue_dma source(%dma_start3A_61 : memref<16x128xf32, #tpu.memory_space<vmem_shared>>) target(%dma_start3A_58 : memref<16x128xf32, #tpu.memory_space<hbm>>) target_semaphore(%run_scoped3A : memref<!tpu.dma_semaphore, #tpu.memory_space<semaphore_mem>>)
        %dma_wait3A = arith.constant 9984 : i32
        %dma_wait3A_62 = arith.constant 0 : i32
        %dma_wait3A_63 = tpu.memref_slice %arg6[%arg0, %dma_wait3A, %dma_wait3A_62] : memref<2x10000x128xf32, #tpu.memory_space<hbm>> -> memref<1x16x128xf32, #tpu.memory_space<hbm>>
        %dma_wait3A_64 = tpu.memref_squeeze %dma_wait3A_63 : memref<1x16x128xf32, #tpu.memory_space<hbm>> -> memref<16x128xf32, #tpu.memory_space<hbm>>
        %dma_wait3A_65 = arith.constant 9984 : i32
        %dma_wait3A_66 = arith.constant 0 : i32
        %dma_wait3A_67 = tpu.memref_slice %arg13[%dma_wait3A_65, %dma_wait3A_66] : memref<10000x128xf32, #tpu.memory_space<vmem_shared>> -> memref<16x128xf32, #tpu.memory_space<vmem_shared>>
        tpu.wait_dma2 semaphore(%run_scoped3A : memref<!tpu.dma_semaphore, #tpu.memory_space<semaphore_mem>>) src(%dma_wait3A_67 : memref<16x128xf32, #tpu.memory_space<vmem_shared>>) dst(%dma_wait3A_64 : memref<16x128xf32, #tpu.memory_space<hbm>>)
        tpu.yield
      }) : () -> ()
    } else {
    }
    return
  }
}

module attributes {stable_mosaic.version = 14 : i64} {
  func.func @_edge_emb_kernel(%arg0: i32, %arg1: memref<16x6400xf32, #tpu.memory_space<vmem>>, %arg2: memref<16x128xf32, #tpu.memory_space<vmem>>, %arg3: memref<1x128xf32, #tpu.memory_space<vmem>>, %arg4: memref<6400x128xf32, #tpu.memory_space<vmem>>) attributes {dimension_semantics = [#tpu.dimension_semantics<arbitrary>], iteration_bounds = array<i64: 50>, scalar_prefetch = 0 : i64, scratch_operands = 0 : i64, tpu.core_type = #tpu.core_type<tc>, window_params = [{transform_indices = @transform_0, window_bounds = array<i64: 16, 6400>}, {pipeline_mode = #tpu.pipeline_mode<synchronous>, transform_indices = @transform_1, window_bounds = array<i64: 16, 128>}, {pipeline_mode = #tpu.pipeline_mode<synchronous>, transform_indices = @transform_2, window_bounds = array<i64: 1, 128>}, {transform_indices = @transform_3, window_bounds = array<i64: 6400, 128>}]} {
    %get3A = arith.constant 0 : index
    %get3A_0 = arith.constant 0 : index
    %get3A_1 = vector.load %arg1[%get3A, %get3A_0] : memref<16x6400xf32, #tpu.memory_space<vmem>>, vector<16x6400xf32>
    %get3A_2 = arith.constant 0 : index
    %get3A_3 = arith.constant 0 : index
    %get3A_4 = vector.load %arg2[%get3A_2, %get3A_3] : memref<16x128xf32, #tpu.memory_space<vmem>>, vector<16x128xf32>
    %dot_general3A = arith.constant dense<0.000000e+00> : vector<6400x128xf32>
    %dot_general3A_5 = tpu.matmul %get3A_1, %get3A_4, %dot_general3A {dimension_numbers = #tpu.dot_dimension_numbers<[0], [0], [1], [1], [0, 1, 1, 1], [], []>, precision = #tpu.contract_precision<fp32>, transpose_lhs_hint = false} : vector<16x6400xf32>, vector<16x128xf32>, vector<6400x128xf32> -> vector<6400x128xf32>
    %get3A_6 = arith.constant 0 : index
    %get3A_7 = arith.constant 0 : index
    %get3A_8 = vector.load %arg3[%get3A_6, %get3A_7] : memref<1x128xf32, #tpu.memory_space<vmem>>, vector<1x128xf32>
    %add3A = vector.broadcast %get3A_8 : vector<1x128xf32> to vector<6400x128xf32>
    %add3A_9 = arith.addf %dot_general3A_5, %add3A : vector<6400x128xf32>
    %swap3A = arith.constant 0 : index
    %swap3A_10 = arith.constant 0 : index
    %swap3A_11 = vector.load %arg4[%swap3A, %swap3A_10] : memref<6400x128xf32, #tpu.memory_space<vmem>>, vector<6400x128xf32>
    tpu.vector_store %arg4[%swap3A, %swap3A_10], %add3A_9 {strides = array<i32>} : memref<6400x128xf32, #tpu.memory_space<vmem>>, vector<6400x128xf32>,
    return
  }
  func.func @transform_0(%arg0: i32) -> (i32, i32) {
    %c0_i32 = arith.constant 0 : i32
    %c0_i32_0 = arith.constant 0 : i32
    return %c0_i32, %arg0 : i32, i32
  }
  func.func @transform_1(%arg0: i32) -> (i32, i32) {
    %c0_i32 = arith.constant 0 : i32
    %c0_i32_0 = arith.constant 0 : i32
    %c0_i32_1 = arith.constant 0 : i32
    return %c0_i32, %c0_i32_0 : i32, i32
  }
  func.func @transform_2(%arg0: i32) -> (i32, i32) {
    %c0_i32 = arith.constant 0 : i32
    %c0_i32_0 = arith.constant 0 : i32
    %c0_i32_1 = arith.constant 0 : i32
    return %c0_i32, %c0_i32_0 : i32, i32
  }
  func.func @transform_3(%arg0: i32) -> (i32, i32) {
    %c0_i32 = arith.constant 0 : i32
    %c0_i32_0 = arith.constant 0 : i32
    return %arg0, %c0_i32 : i32, i32
  }
}

module attributes {stable_mosaic.version = 14 : i64} {
  func.func @_edge_emb_kernel(%arg0: i32, %arg1: memref<16x6400xf32, #tpu.memory_space<vmem>>, %arg2: memref<16x64xf32, #tpu.memory_space<vmem>>, %arg3: memref<1x64xf32, #tpu.memory_space<vmem>>, %arg4: memref<6400x64xf32, #tpu.memory_space<vmem>>) attributes {dimension_semantics = [#tpu.dimension_semantics<arbitrary>], iteration_bounds = array<i64: 50>, scalar_prefetch = 0 : i64, scratch_operands = 0 : i64, tpu.core_type = #tpu.core_type<tc>, window_params = [{transform_indices = @transform_0, window_bounds = array<i64: 16, 6400>}, {pipeline_mode = #tpu.pipeline_mode<synchronous>, transform_indices = @transform_1, window_bounds = array<i64: 16, 64>}, {pipeline_mode = #tpu.pipeline_mode<synchronous>, transform_indices = @transform_2, window_bounds = array<i64: 1, 64>}, {transform_indices = @transform_3, window_bounds = array<i64: 6400, 64>}]} {
    %get3A = arith.constant 0 : index
    %get3A_0 = arith.constant 0 : index
    %get3A_1 = vector.load %arg1[%get3A, %get3A_0] : memref<16x6400xf32, #tpu.memory_space<vmem>>, vector<16x6400xf32>
    %get3A_2 = arith.constant 0 : index
    %get3A_3 = arith.constant 0 : index
    %get3A_4 = vector.load %arg2[%get3A_2, %get3A_3] : memref<16x64xf32, #tpu.memory_space<vmem>>, vector<16x64xf32>
    %dot_general3A = arith.constant dense<0.000000e+00> : vector<6400x64xf32>
    %dot_general3A_5 = tpu.matmul %get3A_1, %get3A_4, %dot_general3A {dimension_numbers = #tpu.dot_dimension_numbers<[0], [0], [1], [1], [0, 1, 1, 1], [], []>, precision = #tpu.contract_precision<fp32>, transpose_lhs_hint = false} : vector<16x6400xf32>, vector<16x64xf32>, vector<6400x64xf32> -> vector<6400x64xf32>
    %get3A_6 = arith.constant 0 : index
    %get3A_7 = arith.constant 0 : index
    %get3A_8 = vector.load %arg3[%get3A_6, %get3A_7] : memref<1x64xf32, #tpu.memory_space<vmem>>, vector<1x64xf32>
    %add3A = vector.broadcast %get3A_8 : vector<1x64xf32> to vector<6400x64xf32>
    %add3A_9 = arith.addf %dot_general3A_5, %add3A : vector<6400x64xf32>
    %swap3A = arith.constant 0 : index
    %swap3A_10 = arith.constant 0 : index
    %swap3A_11 = vector.load %arg4[%swap3A, %swap3A_10] : memref<6400x64xf32, #tpu.memory_space<vmem>>, vector<6400x64xf32>
    tpu.vector_store %arg4[%swap3A, %swap3A_10], %add3A_9 {strides = array<i32>} : memref<6400x64xf32, #tpu.memory_space<vmem>>, vector<6400x64xf32>,
    return
  }
  func.func @transform_0(%arg0: i32) -> (i32, i32) {
    %c0_i32 = arith.constant 0 : i32
    %c0_i32_0 = arith.constant 0 : i32
    return %c0_i32, %arg0 : i32, i32
  }
  func.func @transform_1(%arg0: i32) -> (i32, i32) {
    %c0_i32 = arith.constant 0 : i32
    %c0_i32_0 = arith.constant 0 : i32
    %c0_i32_1 = arith.constant 0 : i32
    return %c0_i32, %c0_i32_0 : i32, i32
  }
  func.func @transform_2(%arg0: i32) -> (i32, i32) {
    %c0_i32 = arith.constant 0 : i32
    %c0_i32_0 = arith.constant 0 : i32
    %c0_i32_1 = arith.constant 0 : i32
    return %c0_i32, %c0_i32_0 : i32, i32
  }
  func.func @transform_3(%arg0: i32) -> (i32, i32) {
    %c0_i32 = arith.constant 0 : i32
    %c0_i32_0 = arith.constant 0 : i32
    return %arg0, %c0_i32 : i32, i32
  }
}

module attributes {stable_mosaic.version = 14 : i64} {
  func.func @_mlp_kernel(%arg0: i32, %arg1: memref<1000x128xf32, #tpu.memory_space<vmem>>, %arg2: memref<2x1000x128xf32, #tpu.memory_space<vmem>>, %arg3: memref<128x64xf32, #tpu.memory_space<vmem>>, %arg4: memref<1x64xf32, #tpu.memory_space<vmem>>, %arg5: memref<64x64xf32, #tpu.memory_space<vmem>>, %arg6: memref<1x64xf32, #tpu.memory_space<vmem>>, %arg7: memref<1000x128xf32, #tpu.memory_space<vmem>>) attributes {dimension_semantics = [#tpu.dimension_semantics<arbitrary>], iteration_bounds = array<i64: 10>, scalar_prefetch = 0 : i64, scratch_operands = 0 : i64, tpu.core_type = #tpu.core_type<tc>, window_params = [{transform_indices = @transform_0, window_bounds = array<i64: 1000, 128>}, {transform_indices = @transform_1, window_bounds = array<i64: 2, 1000, 128>}, {pipeline_mode = #tpu.pipeline_mode<synchronous>, transform_indices = @transform_2, window_bounds = array<i64: 128, 64>}, {pipeline_mode = #tpu.pipeline_mode<synchronous>, transform_indices = @transform_3, window_bounds = array<i64: 1, 64>}, {pipeline_mode = #tpu.pipeline_mode<synchronous>, transform_indices = @transform_4, window_bounds = array<i64: 64, 64>}, {pipeline_mode = #tpu.pipeline_mode<synchronous>, transform_indices = @transform_5, window_bounds = array<i64: 1, 64>}, {transform_indices = @transform_6, window_bounds = array<i64: 1000, 128>}]} {
    %get3A = arith.constant 0 : index
    %get3A_0 = arith.constant 0 : index
    %get3A_1 = vector.load %arg1[%get3A, %get3A_0] : memref<1000x128xf32, #tpu.memory_space<vmem>>, vector<1000x128xf32>
    %get3A_2 = arith.constant 0 : index
    %get3A_3 = arith.constant 0 : index
    %get3A_4 = arith.constant 0 : index
    %get3A_5 = vector.load %arg2[%get3A_2, %get3A_3, %get3A_4] : memref<2x1000x128xf32, #tpu.memory_space<vmem>>, vector<1x1000x128xf32>
    %get3A_6 = vector.shape_cast %get3A_5 : vector<1x1000x128xf32> to vector<1000x128xf32>
    %get3A_7 = arith.constant 1 : index
    %get3A_8 = arith.constant 0 : index
    %get3A_9 = arith.constant 0 : index
    %get3A_10 = vector.load %arg2[%get3A_7, %get3A_8, %get3A_9] : memref<2x1000x128xf32, #tpu.memory_space<vmem>>, vector<1x1000x128xf32>
    %get3A_11 = vector.shape_cast %get3A_10 : vector<1x1000x128xf32> to vector<1000x128xf32>
    %add3A = arith.addf %get3A_6, %get3A_11 : vector<1000x128xf32>
    %add3A_12 = arith.addf %get3A_1, %add3A : vector<1000x128xf32>
    %get3A_13 = arith.constant 0 : index
    %get3A_14 = arith.constant 0 : index
    %get3A_15 = vector.load %arg3[%get3A_13, %get3A_14] : memref<128x64xf32, #tpu.memory_space<vmem>>, vector<128x64xf32>
    %dot_general3A = arith.constant dense<0.000000e+00> : vector<1000x64xf32>
    %dot_general3A_16 = tpu.matmul %add3A_12, %get3A_15, %dot_general3A {dimension_numbers = #tpu.dot_dimension_numbers<[1], [0], [0], [1], [0, 0, 1, 1], [], []>, precision = #tpu.contract_precision<fp32>, transpose_lhs_hint = false} : vector<1000x128xf32>, vector<128x64xf32>, vector<1000x64xf32> -> vector<1000x64xf32>
    %get3A_17 = arith.constant 0 : index
    %get3A_18 = arith.constant 0 : index
    %get3A_19 = vector.load %arg4[%get3A_17, %get3A_18] : memref<1x64xf32, #tpu.memory_space<vmem>>, vector<1x64xf32>
    %add3A_20 = vector.broadcast %get3A_19 : vector<1x64xf32> to vector<1000x64xf32>
    %add3A_21 = arith.addf %dot_general3A_16, %add3A_20 : vector<1000x64xf32>
    %max3A = arith.constant 0.000000e+00 : f32
    %max3A_22 = vector.broadcast %max3A : f32 to vector<1000x64xf32>
    %max3A_23 = arith.maximumf %add3A_21, %max3A_22 : vector<1000x64xf32>
    %get3A_24 = arith.constant 0 : index
    %get3A_25 = arith.constant 0 : index
    %get3A_26 = vector.load %arg5[%get3A_24, %get3A_25] : memref<64x64xf32, #tpu.memory_space<vmem>>, vector<64x64xf32>
    %dot_general3A_27 = arith.constant dense<0.000000e+00> : vector<1000x64xf32>
    %dot_general3A_28 = tpu.matmul %max3A_23, %get3A_26, %dot_general3A_27 {dimension_numbers = #tpu.dot_dimension_numbers<[1], [0], [0], [1], [0, 0, 1, 1], [], []>, precision = #tpu.contract_precision<fp32>, transpose_lhs_hint = false} : vector<1000x64xf32>, vector<64x64xf32>, vector<1000x64xf32> -> vector<1000x64xf32>
    %get3A_29 = arith.constant 0 : index
    %get3A_30 = arith.constant 0 : index
    %get3A_31 = vector.load %arg6[%get3A_29, %get3A_30] : memref<1x64xf32, #tpu.memory_space<vmem>>, vector<1x64xf32>
    %add3A_32 = vector.broadcast %get3A_31 : vector<1x64xf32> to vector<1000x64xf32>
    %add3A_33 = arith.addf %dot_general3A_28, %add3A_32 : vector<1000x64xf32>
    %max3A_34 = arith.constant 0.000000e+00 : f32
    %max3A_35 = vector.broadcast %max3A_34 : f32 to vector<1000x64xf32>
    %max3A_36 = arith.maximumf %add3A_33, %max3A_35 : vector<1000x64xf32>
    %broadcast_in_dim3A = arith.constant 0.000000e+00 : f32
    %broadcast_in_dim3A_37 = vector.broadcast %broadcast_in_dim3A : f32 to vector<1000x64xf32>
    %concatenate3A = tpu.concatenate %max3A_36, %broadcast_in_dim3A_37 in 1 : vector<1000x64xf32>, vector<1000x64xf32> -> vector<1000x128xf32>
    %swap3A = arith.constant 0 : index
    %swap3A_38 = arith.constant 0 : index
    %swap3A_39 = vector.load %arg7[%swap3A, %swap3A_38] : memref<1000x128xf32, #tpu.memory_space<vmem>>, vector<1000x128xf32>
    tpu.vector_store %arg7[%swap3A, %swap3A_38], %concatenate3A {strides = array<i32>} : memref<1000x128xf32, #tpu.memory_space<vmem>>, vector<1000x128xf32>,
    return
  }
  func.func @transform_0(%arg0: i32) -> (i32, i32) {
    %c0_i32 = arith.constant 0 : i32
    %c0_i32_0 = arith.constant 0 : i32
    return %arg0, %c0_i32 : i32, i32
  }
  func.func @transform_1(%arg0: i32) -> (i32, i32, i32) {
    %c0_i32 = arith.constant 0 : i32
    %c0_i32_0 = arith.constant 0 : i32
    %c0_i32_1 = arith.constant 0 : i32
    return %c0_i32, %arg0, %c0_i32_0 : i32, i32, i32
  }
  func.func @transform_2(%arg0: i32) -> (i32, i32) {
    %c0_i32 = arith.constant 0 : i32
    %c0_i32_0 = arith.constant 0 : i32
    %c0_i32_1 = arith.constant 0 : i32
    return %c0_i32, %c0_i32_0 : i32, i32
  }
  func.func @transform_3(%arg0: i32) -> (i32, i32) {
    %c0_i32 = arith.constant 0 : i32
    %c0_i32_0 = arith.constant 0 : i32
    %c0_i32_1 = arith.constant 0 : i32
    return %c0_i32, %c0_i32_0 : i32, i32
  }
  func.func @transform_4(%arg0: i32) -> (i32, i32) {
    %c0_i32 = arith.constant 0 : i32
    %c0_i32_0 = arith.constant 0 : i32
    %c0_i32_1 = arith.constant 0 : i32
    return %c0_i32, %c0_i32_0 : i32, i32
  }
  func.func @transform_5(%arg0: i32) -> (i32, i32) {
    %c0_i32 = arith.constant 0 : i32
    %c0_i32_0 = arith.constant 0 : i32
    %c0_i32_1 = arith.constant 0 : i32
    return %c0_i32, %c0_i32_0 : i32, i32
  }
  func.func @transform_6(%arg0: i32) -> (i32, i32) {
    %c0_i32 = arith.constant 0 : i32
    %c0_i32_0 = arith.constant 0 : i32
    return %arg0, %c0_i32 : i32, i32
  }
}

module attributes {stable_mosaic.version = 14 : i64} {
  func.func @_mlp_kernel(%arg0: i32, %arg1: memref<1000x128xf32, #tpu.memory_space<vmem>>, %arg2: memref<2x1000x128xf32, #tpu.memory_space<vmem>>, %arg3: memref<64x64xf32, #tpu.memory_space<vmem>>, %arg4: memref<1x64xf32, #tpu.memory_space<vmem>>, %arg5: memref<64x64xf32, #tpu.memory_space<vmem>>, %arg6: memref<1x64xf32, #tpu.memory_space<vmem>>, %arg7: memref<1000x64xf32, #tpu.memory_space<vmem>>) attributes {dimension_semantics = [#tpu.dimension_semantics<arbitrary>], iteration_bounds = array<i64: 10>, scalar_prefetch = 0 : i64, scratch_operands = 0 : i64, tpu.core_type = #tpu.core_type<tc>, window_params = [{transform_indices = @transform_0, window_bounds = array<i64: 1000, 128>}, {transform_indices = @transform_1, window_bounds = array<i64: 2, 1000, 128>}, {pipeline_mode = #tpu.pipeline_mode<synchronous>, transform_indices = @transform_2, window_bounds = array<i64: 64, 64>}, {pipeline_mode = #tpu.pipeline_mode<synchronous>, transform_indices = @transform_3, window_bounds = array<i64: 1, 64>}, {pipeline_mode = #tpu.pipeline_mode<synchronous>, transform_indices = @transform_4, window_bounds = array<i64: 64, 64>}, {pipeline_mode = #tpu.pipeline_mode<synchronous>, transform_indices = @transform_5, window_bounds = array<i64: 1, 64>}, {transform_indices = @transform_6, window_bounds = array<i64: 1000, 64>}]} {
    %get3A = arith.constant 0 : index
    %get3A_0 = arith.constant 0 : index
    %get3A_1 = vector.load %arg1[%get3A, %get3A_0] : memref<1000x128xf32, #tpu.memory_space<vmem>>, vector<1000x128xf32>
    %slice3A = vector.extract_strided_slice %get3A_1 {offsets = [0, 0], sizes = [1000, 64], strides = [1, 1]} : vector<1000x128xf32> to vector<1000x64xf32>
    %get3A_2 = arith.constant 0 : index
    %get3A_3 = arith.constant 0 : index
    %get3A_4 = arith.constant 0 : index
    %get3A_5 = vector.load %arg2[%get3A_2, %get3A_3, %get3A_4] : memref<2x1000x128xf32, #tpu.memory_space<vmem>>, vector<1x1000x128xf32>
    %get3A_6 = vector.shape_cast %get3A_5 : vector<1x1000x128xf32> to vector<1000x128xf32>
    %get3A_7 = arith.constant 1 : index
    %get3A_8 = arith.constant 0 : index
    %get3A_9 = arith.constant 0 : index
    %get3A_10 = vector.load %arg2[%get3A_7, %get3A_8, %get3A_9] : memref<2x1000x128xf32, #tpu.memory_space<vmem>>, vector<1x1000x128xf32>
    %get3A_11 = vector.shape_cast %get3A_10 : vector<1x1000x128xf32> to vector<1000x128xf32>
    %add3A = arith.addf %get3A_6, %get3A_11 : vector<1000x128xf32>
    %slice3A_12 = vector.extract_strided_slice %add3A {offsets = [0, 0], sizes = [1000, 64], strides = [1, 1]} : vector<1000x128xf32> to vector<1000x64xf32>
    %add3A_13 = arith.addf %slice3A, %slice3A_12 : vector<1000x64xf32>
    %get3A_14 = arith.constant 0 : index
    %get3A_15 = arith.constant 0 : index
    %get3A_16 = vector.load %arg3[%get3A_14, %get3A_15] : memref<64x64xf32, #tpu.memory_space<vmem>>, vector<64x64xf32>
    %dot_general3A = arith.constant dense<0.000000e+00> : vector<1000x64xf32>
    %dot_general3A_17 = tpu.matmul %add3A_13, %get3A_16, %dot_general3A {dimension_numbers = #tpu.dot_dimension_numbers<[1], [0], [0], [1], [0, 0, 1, 1], [], []>, precision = #tpu.contract_precision<fp32>, transpose_lhs_hint = false} : vector<1000x64xf32>, vector<64x64xf32>, vector<1000x64xf32> -> vector<1000x64xf32>
    %get3A_18 = arith.constant 0 : index
    %get3A_19 = arith.constant 0 : index
    %get3A_20 = vector.load %arg4[%get3A_18, %get3A_19] : memref<1x64xf32, #tpu.memory_space<vmem>>, vector<1x64xf32>
    %add3A_21 = vector.broadcast %get3A_20 : vector<1x64xf32> to vector<1000x64xf32>
    %add3A_22 = arith.addf %dot_general3A_17, %add3A_21 : vector<1000x64xf32>
    %max3A = arith.constant 0.000000e+00 : f32
    %max3A_23 = vector.broadcast %max3A : f32 to vector<1000x64xf32>
    %max3A_24 = arith.maximumf %add3A_22, %max3A_23 : vector<1000x64xf32>
    %get3A_25 = arith.constant 0 : index
    %get3A_26 = arith.constant 0 : index
    %get3A_27 = vector.load %arg5[%get3A_25, %get3A_26] : memref<64x64xf32, #tpu.memory_space<vmem>>, vector<64x64xf32>
    %dot_general3A_28 = arith.constant dense<0.000000e+00> : vector<1000x64xf32>
    %dot_general3A_29 = tpu.matmul %max3A_24, %get3A_27, %dot_general3A_28 {dimension_numbers = #tpu.dot_dimension_numbers<[1], [0], [0], [1], [0, 0, 1, 1], [], []>, precision = #tpu.contract_precision<fp32>, transpose_lhs_hint = false} : vector<1000x64xf32>, vector<64x64xf32>, vector<1000x64xf32> -> vector<1000x64xf32>
    %get3A_30 = arith.constant 0 : index
    %get3A_31 = arith.constant 0 : index
    %get3A_32 = vector.load %arg6[%get3A_30, %get3A_31] : memref<1x64xf32, #tpu.memory_space<vmem>>, vector<1x64xf32>
    %add3A_33 = vector.broadcast %get3A_32 : vector<1x64xf32> to vector<1000x64xf32>
    %add3A_34 = arith.addf %dot_general3A_29, %add3A_33 : vector<1000x64xf32>
    %max3A_35 = arith.constant 0.000000e+00 : f32
    %max3A_36 = vector.broadcast %max3A_35 : f32 to vector<1000x64xf32>
    %max3A_37 = arith.maximumf %add3A_34, %max3A_36 : vector<1000x64xf32>
    %swap3A = arith.constant 0 : index
    %swap3A_38 = arith.constant 0 : index
    %swap3A_39 = vector.load %arg7[%swap3A, %swap3A_38] : memref<1000x64xf32, #tpu.memory_space<vmem>>, vector<1000x64xf32>
    tpu.vector_store %arg7[%swap3A, %swap3A_38], %max3A_37 {strides = array<i32>} : memref<1000x64xf32, #tpu.memory_space<vmem>>, vector<1000x64xf32>,
    return
  }
  func.func @transform_0(%arg0: i32) -> (i32, i32) {
    %c0_i32 = arith.constant 0 : i32
    %c0_i32_0 = arith.constant 0 : i32
    return %arg0, %c0_i32 : i32, i32
  }
  func.func @transform_1(%arg0: i32) -> (i32, i32, i32) {
    %c0_i32 = arith.constant 0 : i32
    %c0_i32_0 = arith.constant 0 : i32
    %c0_i32_1 = arith.constant 0 : i32
    return %c0_i32, %arg0, %c0_i32_0 : i32, i32, i32
  }
  func.func @transform_2(%arg0: i32) -> (i32, i32) {
    %c0_i32 = arith.constant 0 : i32
    %c0_i32_0 = arith.constant 0 : i32
    %c0_i32_1 = arith.constant 0 : i32
    return %c0_i32, %c0_i32_0 : i32, i32
  }
  func.func @transform_3(%arg0: i32) -> (i32, i32) {
    %c0_i32 = arith.constant 0 : i32
    %c0_i32_0 = arith.constant 0 : i32
    %c0_i32_1 = arith.constant 0 : i32
    return %c0_i32, %c0_i32_0 : i32, i32
  }
  func.func @transform_4(%arg0: i32) -> (i32, i32) {
    %c0_i32 = arith.constant 0 : i32
    %c0_i32_0 = arith.constant 0 : i32
    %c0_i32_1 = arith.constant 0 : i32
    return %c0_i32, %c0_i32_0 : i32, i32
  }
  func.func @transform_5(%arg0: i32) -> (i32, i32) {
    %c0_i32 = arith.constant 0 : i32
    %c0_i32_0 = arith.constant 0 : i32
    %c0_i32_1 = arith.constant 0 : i32
    return %c0_i32, %c0_i32_0 : i32, i32
  }
  func.func @transform_6(%arg0: i32) -> (i32, i32) {
    %c0_i32 = arith.constant 0 : i32
    %c0_i32_0 = arith.constant 0 : i32
    return %arg0, %c0_i32 : i32, i32
  }
}

module attributes {stable_mosaic.version = 14 : i64} {
  func.func @_pool_fc_kernel(%arg0: i32, %arg1: memref<1x1x1000xi32, #tpu.memory_space<vmem>>, %arg2: memref<1000x64xf32, #tpu.memory_space<vmem>>, %arg3: memref<64x128xf32, #tpu.memory_space<vmem>>, %arg4: memref<1x128xf32, #tpu.memory_space<vmem>>, %arg5: memref<512x128xf32, #tpu.memory_space<vmem>>, %arg6: memref<512x64xf32, #tpu.memory_space<vmem>>) attributes {dimension_semantics = [#tpu.dimension_semantics<arbitrary>], iteration_bounds = array<i64: 10>, scalar_prefetch = 0 : i64, scratch_operands = 1 : i64, tpu.core_type = #tpu.core_type<tc>, window_params = [{transform_indices = @transform_0, window_bounds = array<i64: 1, 1, 1000>}, {transform_indices = @transform_1, window_bounds = array<i64: 1000, 64>}, {pipeline_mode = #tpu.pipeline_mode<synchronous>, transform_indices = @transform_2, window_bounds = array<i64: 64, 128>}, {pipeline_mode = #tpu.pipeline_mode<synchronous>, transform_indices = @transform_3, window_bounds = array<i64: 1, 128>}, {pipeline_mode = #tpu.pipeline_mode<synchronous>, transform_indices = @transform_4, window_bounds = array<i64: 512, 128>}]} {
    %eq3A = arith.constant 0 : i32
    %eq3A_0 = arith.cmpi eq, %arg0, %eq3A : i32
    %convert_element_type3A = arith.extui %eq3A_0 : i1 to i32
    %cond3A = arith.constant 0 : i32
    %cond3A_1 = arith.cmpi ne, %convert_element_type3A, %cond3A : i32
    scf.if %cond3A_1 {
      %broadcast_in_dim3A = arith.constant 0.000000e+00 : f32
      %broadcast_in_dim3A_24 = vector.broadcast %broadcast_in_dim3A : f32 to vector<512x64xf32>
      %swap3A_25 = arith.constant 0 : index
      %swap3A_26 = arith.constant 0 : index
      %swap3A_27 = vector.load %arg6[%swap3A_25, %swap3A_26] : memref<512x64xf32, #tpu.memory_space<vmem>>, vector<512x64xf32>
      tpu.vector_store %arg6[%swap3A_25, %swap3A_26], %broadcast_in_dim3A_24 {strides = array<i32>} : memref<512x64xf32, #tpu.memory_space<vmem>>, vector<512x64xf32>,
    } else {
    }
    %get3A = arith.constant 0 : index
    %get3A_2 = arith.constant 0 : index
    %get3A_3 = arith.constant 0 : index
    %get3A_4 = vector.load %arg1[%get3A, %get3A_2, %get3A_3] : memref<1x1x1000xi32, #tpu.memory_space<vmem>>, vector<1x1x1000xi32>
    %get3A_5 = vector.shape_cast %get3A_4 : vector<1x1x1000xi32> to vector<1x1000xi32>
    %iota3A = tpu.iota {dimensions = array<i32: 0>} : vector<512x1000xi32>
    %eq3A_6 = vector.broadcast %get3A_5 : vector<1x1000xi32> to vector<512x1000xi32>
    %eq3A_7 = arith.cmpi eq, %iota3A, %eq3A_6 : vector<512x1000xi32>
    %convert_element_type3A_8 = arith.extui %eq3A_7 : vector<512x1000xi1> to vector<512x1000xi32>
    %convert_element_type3A_9 = arith.sitofp %convert_element_type3A_8 : vector<512x1000xi32> to vector<512x1000xf32>
    %get3A_10 = arith.constant 0 : index
    %get3A_11 = arith.constant 0 : index
    %get3A_12 = vector.load %arg6[%get3A_10, %get3A_11] : memref<512x64xf32, #tpu.memory_space<vmem>>, vector<512x64xf32>
    %get3A_13 = arith.constant 0 : index
    %get3A_14 = arith.constant 0 : index
    %get3A_15 = vector.load %arg2[%get3A_13, %get3A_14] : memref<1000x64xf32, #tpu.memory_space<vmem>>, vector<1000x64xf32>
    %dot_general3A = arith.constant dense<0.000000e+00> : vector<512x64xf32>
    %dot_general3A_16 = tpu.matmul %convert_element_type3A_9, %get3A_15, %dot_general3A {dimension_numbers = #tpu.dot_dimension_numbers<[1], [0], [0], [1], [0, 0, 1, 1], [], []>, precision = #tpu.contract_precision<fp32>, transpose_lhs_hint = false} : vector<512x1000xf32>, vector<1000x64xf32>, vector<512x64xf32> -> vector<512x64xf32>
    %add3A = arith.addf %get3A_12, %dot_general3A_16 : vector<512x64xf32>
    %swap3A = arith.constant 0 : index
    %swap3A_17 = arith.constant 0 : index
    %swap3A_18 = vector.load %arg6[%swap3A, %swap3A_17] : memref<512x64xf32, #tpu.memory_space<vmem>>, vector<512x64xf32>
    tpu.vector_store %arg6[%swap3A, %swap3A_17], %add3A {strides = array<i32>} : memref<512x64xf32, #tpu.memory_space<vmem>>, vector<512x64xf32>,
    %eq3A_19 = arith.constant 9 : i32
    %eq3A_20 = arith.cmpi eq, %arg0, %eq3A_19 : i32
    %convert_element_type3A_21 = arith.extui %eq3A_20 : i1 to i32
    %cond3A_22 = arith.constant 0 : i32
    %cond3A_23 = arith.cmpi ne, %convert_element_type3A_21, %cond3A_22 : i32
    scf.if %cond3A_23 {
      %get3A_24 = arith.constant 0 : index
      %get3A_25 = arith.constant 0 : index
      %get3A_26 = vector.load %arg6[%get3A_24, %get3A_25] : memref<512x64xf32, #tpu.memory_space<vmem>>, vector<512x64xf32>
      %get3A_27 = arith.constant 0 : index
      %get3A_28 = arith.constant 0 : index
      %get3A_29 = vector.load %arg3[%get3A_27, %get3A_28] : memref<64x128xf32, #tpu.memory_space<vmem>>, vector<64x128xf32>
      %dot_general3A_30 = arith.constant dense<0.000000e+00> : vector<512x128xf32>
      %dot_general3A_31 = tpu.matmul %get3A_26, %get3A_29, %dot_general3A_30 {dimension_numbers = #tpu.dot_dimension_numbers<[1], [0], [0], [1], [0, 0, 1, 1], [], []>, precision = #tpu.contract_precision<fp32>, transpose_lhs_hint = false} : vector<512x64xf32>, vector<64x128xf32>, vector<512x128xf32> -> vector<512x128xf32>
      %get3A_32 = arith.constant 0 : index
      %get3A_33 = arith.constant 0 : index
      %get3A_34 = vector.load %arg4[%get3A_32, %get3A_33] : memref<1x128xf32, #tpu.memory_space<vmem>>, vector<1x128xf32>
      %add3A_35 = vector.broadcast %get3A_34 : vector<1x128xf32> to vector<512x128xf32>
      %add3A_36 = arith.addf %dot_general3A_31, %add3A_35 : vector<512x128xf32>
      %swap3A_37 = arith.constant 0 : index
      %swap3A_38 = arith.constant 0 : index
      %swap3A_39 = vector.load %arg5[%swap3A_37, %swap3A_38] : memref<512x128xf32, #tpu.memory_space<vmem>>, vector<512x128xf32>
      tpu.vector_store %arg5[%swap3A_37, %swap3A_38], %add3A_36 {strides = array<i32>} : memref<512x128xf32, #tpu.memory_space<vmem>>, vector<512x128xf32>,
    } else {
    }
    return
  }
  func.func @transform_0(%arg0: i32) -> (i32, i32, i32) {
    %c0_i32 = arith.constant 0 : i32
    %c0_i32_0 = arith.constant 0 : i32
    %c0_i32_1 = arith.constant 0 : i32
    return %arg0, %c0_i32, %c0_i32_0 : i32, i32, i32
  }
  func.func @transform_1(%arg0: i32) -> (i32, i32) {
    %c0_i32 = arith.constant 0 : i32
    %c0_i32_0 = arith.constant 0 : i32
    return %arg0, %c0_i32 : i32, i32
  }
  func.func @transform_2(%arg0: i32) -> (i32, i32) {
    %c0_i32 = arith.constant 0 : i32
    %c0_i32_0 = arith.constant 0 : i32
    %c0_i32_1 = arith.constant 0 : i32
    return %c0_i32, %c0_i32_0 : i32, i32
  }
  func.func @transform_3(%arg0: i32) -> (i32, i32) {
    %c0_i32 = arith.constant 0 : i32
    %c0_i32_0 = arith.constant 0 : i32
    %c0_i32_1 = arith.constant 0 : i32
    return %c0_i32, %c0_i32_0 : i32, i32
  }
  func.func @transform_4(%arg0: i32) -> (i32, i32) {
    %c0_i32 = arith.constant 0 : i32
    %c0_i32_0 = arith.constant 0 : i32
    %c0_i32_1 = arith.constant 0 : i32
    return %c0_i32, %c0_i32_0 : i32, i32
  }
}

</mosaic_0001>

<sc_bundles>
// kernel: kernel.12.cloned.1.call-start
scs
__scs_entry_jumppad:
0x0: {  	(pc) =	sbr.rel $0x88, $3  }
0x1: {  	(tag) =	ssettag $0x0;
	lr =	simm.s32 $0x1  }
0x2: {  	[smem:$0x3F8F] =	sst lr;
	_ =	strace $0xD0000000  }
0x3: {  	_ = 	snop  }
0x4: {  	_ = 	snop  }
0x5: {  	_ = 	snop  }
0x6: {  	_ = 	snop  }
0x7: {  	_ = 	snop  }
__scs_overlays_trampoline_lowered:
0x8: {  	[smem:$0x3F9E] =	sst s0  }
0x9: {  	[smem:$0x3F9F] =	sst s1  }
0xa: {  	[smem:$0x3FA0] =	sst s2  }
0xb: {  	[smem:$0x3FA1] =	sst s3  }
0xc: {  	[smem:$0x3FA2] =	sst s4  }
0xd: {  	[smem:$0x3FA3] =	sst s5  }
0xe: {  	[smem:$0x3FA4] =	sst s6  }
0xf: {  	[smem:$0x3FA5] =	sst s7  }
0x10: {  	[smem:$0x3FA6] =	sst s8  }
0x11: {  	[smem:$0x3FA7] =	sst s9;
	s0 =	simm.s32 @!p0 $0x0  }
0x12: {  	s1 =	sld [smem:$0x3F8D];
	s0 =	simm.s32 @p0 $0x1  }
0x13: {  	[smem:$0x3FA8] =	sst s0;
	s0 =	simm.s32 @!p1 $0x0  }
0x14: {  	s2 =	sld [smem:$0x3F8C];
	s0 =	simm.s32 @p1 $0x1  }
0x15: {  	[smem:$0x3FA9] =	sst s0;
	s0 =	simm.s32 @!p2 $0x0  }
0x16: {  	s3 =	sld [smem:$0x3FDB];
	s0 =	simm.s32 @p2 $0x1  }
0x17: {  	s4 =	simm.s32 $0x1BF5;
	[smem:$0x3FAB] =	sst s0  }
0x18: {  	s0 =	sld [smem:$0x3F8E];
	_ =	swait.ge [sflag:s4], $0x0  }
0x19: {  	s7 =	sld [smem:$0x3F8F]  }
0x1a: {  	s8 =	sadd.s32 $0xFFFFE003, lr  }
0x1b: {  	s9 =	sadd.s32 $0xFFFFFEF7, lr;
	s5 =	simm.s32 $0xFFFFFFFF;
	p2 =	slt.u32 s8, $0xFFFFF086  }
0x1c: {  	p1 =	slt.u32 s9, $0xF7A;
	s5 =	simm.s32 @!p2 $0x0  }
0x1d: {  	s5 =	simm.s32 @p1 $0x1;
	p0 =	seq.s32 s7, s2  }
0x1e: {  	s7 =	smul.u32 @!p0 $0xF7A, s2;
	p2 =	seq.s32 @!p0 s5, $0x0  }
0x1f: {  	s9 =	smul.u32 $0xF7A, s1;
	s8 =	simm.s32 @!p0 $0x1BF5;
	p2 =	por !p2, p0  }
0x20: {  	[sflag:s8] =	ssyncset.s32 @!p0 $0xFFFFF086;
	s6 =	sadd.s32 @!p0 s3, s7;
	s7 =	simm.s32 @!p0 $0x108  }
0x21: {  	s3 =	sadd.s32 s3, s9;
	s6 =	sadd.s32 @!p0 $0x88, s6;
	s7 =	simm.s32 @p2 $0x1082  }
0x22: {  	[simem:s7], [sflag:s8] =	dma.local @!p0 [hbm:s6], $0xF7A  }
0x23: {  	s9 =	sor.u32 $0xD0000000, s2;
	s6 =	simm.s32 $0x108;
	_ =	swait.ge @!p0 [sflag:s8], $0x0  }
0x24: {  	s3 =	sadd.s32 $0x88, s3;
	s6 =	simm.s32 @!p1 $0x1082;
	[sflag:s4] =	ssyncset.s32 $0xFFFFF086  }
0x25: {  	[simem:s6], [sflag:s4] =	dma.local [hbm:s3], $0xF7A  }
0x26: {  	[smem:$0x3F8F] =	sst s1;
	(tag) =	ssettag s2;
	_ =	strace s9  }
0x27: {  	s1 =	sld [smem:$0x3F9F]  }
0x28: {  	s2 =	sld [smem:$0x3FA0]  }
0x29: {  	s4 =	sld [smem:$0x3FA2]  }
0x2a: {  	p0 =	seq.s32 s5, $0x0;
	s5 =	sld [smem:$0x3FA3]  }
0x2b: {  	s6 =	sld [smem:$0x3FA4]  }
0x2c: {  	s7 =	sld [smem:$0x3FA5]  }
0x2d: {  	s3 =	simm.s32 $0x108;
	s8 =	sld [smem:$0x3FA6]  }
0x2e: {  	s3 =	simm.s32 @!p0 $0x1082;
	s9 =	sld [smem:$0x3FA7]  }
0x2f: {  	lr =	sadd.s32 s0, s3;
	s0 =	sld [smem:$0x3F9E]  }
0x30: {  	s3 =	sld [smem:$0x3FA1]  }
0x31: {  	[smem:$0x3FAA] =	sst s10  }
0x32: {  	s10 =	sld [smem:$0x3FA8];
	_ =	sdelay $0x3  }
0x33: {  	p0 =	seq.s32 s10, $0x1;
	s10 =	sld [smem:$0x3FAA];
	_ =	sdelay $0x3  }
0x34: {  	[smem:$0x3FAA] =	sst s10  }
0x35: {  	s10 =	sld [smem:$0x3FA9];
	_ =	sdelay $0x3  }
0x36: {  	p1 =	seq.s32 s10, $0x1;
	s10 =	sld [smem:$0x3FAA];
	_ =	sdelay $0x3  }
0x37: {  	[smem:$0x3FAA] =	sst s10  }
0x38: {  	s10 =	sld [smem:$0x3FAB]  }
0x39: {  	_ = 	snop;
	(pc) =	sbr.ind lr, $3  }
0x3a: {  	_ = 	snop  }
0x3b: {  	_ = 	snop  }
0x3c: {  	p2 =	seq.s32 s10, $0x1;
	s10 =	sld [smem:$0x3FAA]  }
0x3d: {  	_ =	shalt  }
0x3e: {  	_ =	shalt  }
0x3f: {  	_ =	shalt  }
0x40: {  	_ =	shalt  }
0x41: {  	_ =	shalt  }
0x42: {  	_ =	shalt  }
0x43: {  	_ =	shalt  }
0x44: {  	_ =	shalt  }
0x45: {  	_ =	shalt  }
0x46: {  	_ =	shalt  }
0x47: {  	_ =	shalt  }
0x48: {  	_ =	shalt  }
0x49: {  	_ =	shalt  }
0x4a: {  	_ =	shalt  }
0x4b: {  	_ =	shalt  }
0x4c: {  	_ =	shalt  }
0x4d: {  	_ =	shalt  }
0x4e: {  	_ =	shalt  }
0x4f: {  	_ =	shalt  }
0x50: {  	_ =	shalt  }
0x51: {  	_ =	shalt  }
0x52: {  	_ =	shalt  }
0x53: {  	_ =	shalt  }
0x54: {  	_ =	shalt  }
0x55: {  	_ =	shalt  }
0x56: {  	_ =	shalt  }
0x57: {  	_ =	shalt  }
0x58: {  	_ =	shalt  }
0x59: {  	_ =	shalt  }
0x5a: {  	_ =	shalt  }
0x5b: {  	_ =	shalt  }
0x5c: {  	_ =	shalt  }
0x5d: {  	_ =	shalt  }
0x5e: {  	_ =	shalt  }
0x5f: {  	_ =	shalt  }
0x60: {  	_ =	shalt  }
0x61: {  	_ =	shalt  }
0x62: {  	_ =	shalt  }
0x63: {  	_ =	shalt  }
0x64: {  	_ =	shalt  }
0x65: {  	_ =	shalt  }
0x66: {  	_ =	shalt  }
0x67: {  	_ =	shalt  }
0x68: {  	_ =	shalt  }
0x69: {  	_ =	shalt  }
0x6a: {  	_ =	shalt  }
0x6b: {  	_ =	shalt  }
0x6c: {  	_ =	shalt  }
0x6d: {  	_ =	shalt  }
0x6e: {  	_ =	shalt  }
0x6f: {  	_ =	shalt  }
0x70: {  	_ =	shalt  }
0x71: {  	_ =	shalt  }
0x72: {  	_ =	shalt  }
0x73: {  	_ =	shalt  }
0x74: {  	_ =	shalt  }
0x75: {  	_ =	shalt  }
0x76: {  	_ =	shalt  }
0x77: {  	_ =	shalt  }
0x78: {  	_ =	shalt  }
0x79: {  	_ =	shalt  }
0x7a: {  	_ =	shalt  }
0x7b: {  	_ =	shalt  }
0x7c: {  	_ =	shalt  }
0x7d: {  	_ =	shalt  }
0x7e: {  	_ =	shalt  }
0x7f: {  	_ =	shalt  }
0x80: {  	_ =	shalt  }
0x81: {  	_ =	shalt  }
0x82: {  	_ =	shalt  }
0x83: {  	_ =	shalt  }
0x84: {  	_ =	shalt  }
0x85: {  	_ =	shalt  }
0x86: {  	_ =	shalt  }
0x87: {  	_ =	shalt  }
.Lfunc_end0:
.L_simem_size_0:
called_computation.1_lowered:
.L_overlay_start_0:
0x88: {  	s2 =	sld [smem:$0x3FD9]  }
0x89: {  	s3 =	sld [smem:$0x3FFE];
	_ =	sdelay $0x1  }
0x8a: {  	s1 =	srdreg.scid  }
0x8b: {  	s0 =	sand.u32 $0x1, s1  }
0x8c: {  	s16 =	sshll.u32 s0, $0xA;
	s2 =	sadd.s32 s3, s2  }
0x8d: {  	s2 =	sadd.s32 s2, s16  }
0x8e: {  	[smem:$0x3FB6] =	sst s2  }
0x8f: {  	_ = 	snop  }
0x90: {  	(tm) =	ssettm $0x1  }
0x91: {  	s17 =	sld [smem:$0x3FFB];
	_ =	sdelay $0x3  }
0x92: {  	_ =	strace s17  }
0x93: {  	s2 =	sld [smem:$0x3FFC];
	_ =	sdelay $0x3  }
0x94: {  	_ =	strace s2  }
0x95: {  	s2 =	sld [smem:$0x3FFD];
	_ =	sdelay $0x3  }
0x96: {  	_ =	strace s2  }
0x97: {  	_ =	strace $0x8FFFFFFF  }
0x98: {  	s18 =	sld [smem:$0x3FDB];
	_ =	sdelay $0x1  }
0x99: {  	s19 =	simm.s32 $_scs_section_size  }
0x9a: {  	s4 =	simm.s32 $_size__tile_overlayer_lowered;
	s5 =	simm.s32 $_tile_overlayer_lowered  }
0x9b: {  	s22 =	simm.s32 $0x1BFF;
	s21 =	sshll.u32 s5, $0x1;
	s2 =	sadd.s32 s19, s18  }
0x9c: {  	s6 =	simm.s32 $0x0;
	s20 =	sshll.u32 s4, $0x1;
	s4 =	sadd.s32 s21, s2  }
0x9d: {  	[timem:s6], [sflag:s22] =	dma.local [hbm:s4], s20  }
0x9e: {  	_ =	swait.ge [sflag:s22], s20  }
0x9f: {  	s3 =	ssub.s32 $0x0, s20;
	[sflag:s22] =	ssyncset.done $0x0  }
0xa0: {  	[sflag:s22] =	ssyncadd.s32 s3;
	_ =	sdelay $0x1  }
0xa1: {  	s23 =	simm.s32 $0x1B8B  }
0xa2: {  	_ =	swait.ge [sflag:s23], $0x1  }
0xa3: {  	[sflag:s23] =	ssyncset.done $0x0  }
0xa4: {  	s25 =	simm.s32 $0x1B8E;
	s24 =	sld [smem:$0x3FFE];
	[sflag:s23] =	ssyncadd.s32 $0xFFFFFFFF  }
0xa5: {  	s26 =	simm.s32 $execute0_lowered;
	[smem:$0x3FD2] =	sst s25  }
0xa6: {  	s4 =	sshll.u32 s26, $0x1;
	_ =	strace $0x80000049;
	[dreg:$0x1] =	wrdreg $0xFFFFFFFF  }
0xa7: {  	s28 =	simm.s32 $_size_execute0_lowered;
	s2 =	sadd.s32 s2, s4;
	[dreg:$0x0] =	wrdreg $0x0  }
0xa8: {  	s4 =	sshll.u32 s28, $0x1;
	[dreg:$0x2] =	wrdreg s2  }
0xa9: {  	[dreg:$0x3] =	wrdreg s4  }
0xaa: {  	[dreg:$0x4] =	wrdreg $0xC0  }
0xab: {  	_ =	task [dreg:s6], $0x5FFFF  }
0xac: {  	[dreg:$0x1] =	wrdreg $0xFFFFFFFF  }
0xad: {  	[dreg:$0x0] =	wrdreg $0x60  }
0xae: {  	[dreg:$0x2] =	wrdreg s24  }
0xaf: {  	[dreg:$0x3] =	wrdreg $0xC0000  }
0xb0: {  	[dreg:$0x4] =	wrdreg $0x9  }
0xb1: {  	_ =	task.clear_ibuf [dreg:s6], $0x5FFFF;
	_ =	strace $0x90000049  }
0xb2: {  	s29 =	simm.s32 $0x9;
	_ =	strace $0x8000004B  }
0xb3: {  	_ =	swait.ge [sflag:s29], $0x1  }
0xb4: {  	[sflag:s29] =	ssyncadd.s32 $0xFFFFFFFF  }
0xb5: {  	_ =	strace $0x9000004B  }
0xb6: {  	_ =	sfence  }
0xb7: {  	s30 =	sld [smem:$0x0];
	_ =	sdelay $0x2  }
0xb8: {  	s31 =	sshll.u32 s1, $0xD;
	s1 =	sshrl.u32 s1, $0x2  }
0xb9: {  	s3 =	sand.u32 $0x4000, s31;
	s1 =	sadd.s32 s1, s30  }
0xba: {  	s0 =	sor.u32 s3, s0;
	s1 =	sshll.u32 s1, $0x11  }
0xbb: {  	s0 =	sor.u32 s1, s0  }
0xbc: {  	s0 =	sadd.s32 $0x8F2B, s0  }
0xbd: {  	[sflag:s0] =	ssyncadd.remote.s32 $0x1  }
0xbe: {  	_ =	sfence.sel $0xFFFF  }
0xbf: {  	[dreg:$0x0] =	wrdreg $0xFFFFFFFF;
	(pc) =	sbr.abs _section_cstart, $3  }
0xc0: {  	[dreg:$0x1] =	wrdreg $0xFFFFFFFF  }
0xc1: {  	_ =	task.clear_ibuf [dreg:s6], $0x2FFFF;
	_ =	strace $0x9FFFFFFF  }
0xc2: {  	(tm) =	ssettm $0x7FFFFFFF  }
0xc3: {  	_ =	shalt  }
tec
execute0_lowered:
.L_overlay_start_1:
0x0: {  	(tag) =	ssettag $0x1  }
0x1: {  	s0 =	rddreg [dreg:$0x0]  }
0x2: {  	s1 =	rddreg [dreg:$0x1];
	s2 =	simm.s32 $0x0  }
0x3: {  	s3 =	srdreg.scid;
	s12 =	stileid.u32;
	s28 =	simm.s32 $0x4800  }
0x4: {  	s29 =	simm.s32 $0x9800;
	s30 =	simm.s32 $0x1;
	s31 =	simm.s32 $0x3  }
0x5: {  	[smem:$0x7FF] =	sst s2;
	s4 =	sadd.s32 $0x2AC00, s0;
	s5 =	sadd.s32 $0x55AE00, s0  }
0x6: {  	s3 =	sand.u32 $0x1, s3;
	s8 =	smul.u32 $0x4E000, s12;
	s6 =	sadd.s32 $0x2C00, s0  }
0x7: {  	s7 =	sadd.s32 $0x16C00, s0;
	s0 =	sadd.s32 $0x51E00, s0;
	s21 =	smul.u32 $0x13800, s12  }
0x8: {  	s16 =	sadd.s32 $0x138000, s1;
	p0 =	sne.s32 s12, $0xF;
	s8 =	sshrl.u32 s8, $0x2  }
0x9: {  	_ =	strace $0x8000004A;
	s9 =	ssub.s32 $0x2, s3;
	s8 =	sadd.s32 s8, s1  }
0xa: {  	s18 =	sshll.u32 s3, $0x4;
	s3 =	smul.u32 $0x138800, s3;
	s11 =	sadd.s32 $0x2800, s8  }
0xb: {  	s10 =	sshrl.u32 s9, $0x1;
	s19 =	sadd.s32 $0x5000, s8;
	[dreg:$0x3] =	wrdreg s11  }
0xc: {  	s9 =	ssub.s32 s9, s10;
	s20 =	sadd.s32 $0x7800, s8;
	[dreg:$0x4] =	wrdreg s19  }
0xd: {  	s10 =	sor.u32 s12, s18;
	s13 =	sadd.s32 $0xA000, s8;
	[dreg:$0x5] =	wrdreg s20  }
0xe: {  	s22 =	sadd.s32 $0xC800, s8;
	s23 =	sadd.s32 $0xF000, s8;
	[dreg:$0x6] =	wrdreg s13  }
0xf: {  	s24 =	sadd.s32 $0x11800, s8;
	s17 =	smul.u32 $0x2710, s10;
	[dreg:$0x7] =	wrdreg s22  }
0x10: {  	s18 =	smul.u32 $0x5000, s10;
	s26 =	smax.u32 s9, $0x1;
	[dreg:$0x8] =	wrdreg s23  }
0x11: {  	s9 =	simm.s32 $0x1C00;
	[dreg:$0x9] =	wrdreg s24;
	s11 =	sadd.s32 s21, s3  }
0x12: {  	s3 =	sshrl.u32 s3, $0x3;
	[dreg:$0xc] =	wrdreg s26;
	s22 =	simm.s32 $0x2000  }
0x13: {  	s23 =	simm.s32 $0x5;
	s24 =	simm.s32 $0x1000;
	s11 =	sshrl.u32 s11, $0x3  }
0x14: {  	s26 =	simm.s32 $0x7000;
	s25 =	sadd.s32 s0, s11;
	s0 =	sadd.s32 s0, s3  }
0x15: {  	s3 =	simm.s32 $0x4;
	[dreg:$0xa] =	wrdreg s25;
	s0 =	sadd.s32 $0x27000, s0  }
0x16: {  	v0 =	vimm.f32 $0.0e+00;
	s25 =	simm.s32 $0x50;
	[dreg:$0xb] =	wrdreg s0;
	s0 =	simm.s32 $0x2  }
.LBB2_1:
0x17: {  	s10 =	simm.s32 $0x0;
	s11 =	simm.s32 $0x200  }
.LBB2_2:
0x18: {  	p1 =	sne.s32 s11, $0x9E00;
	[tilespmem:s10+$0x2070] =	vst v0  }
0x19: {  	[tilespmem:s10+$0x2000] =	vst v0  }
0x1a: {  	[tilespmem:s10+$0x2010] =	vst v0  }
.Ltmp0:
0x1b: {  	[tilespmem:s10+$0x2020] =	vst v0;
	(pc) =	sbr.rel @p1 .LBB2_2-.Ltmp0, $4  }
0x1c: {  	[tilespmem:s10+$0x2030] =	vst v0  }
0x1d: {  	[tilespmem:s10+$0x2040] =	vst v0  }
0x1e: {  	[tilespmem:s10+$0x2050] =	vst v0  }
0x1f: {  	[tilespmem:s10+$0x2060] =	vst v0;
	s10 =	sshra.s32 s11, $0x2;
	s11 =	sadd.s32 $0x200, s11  }
0x20: {  	[tilespmem:s10+$0x2070] =	vst v0  }
0x21: {  	[tilespmem:s10+$0x2000] =	vst v0  }
0x22: {  	[tilespmem:s10+$0x2010] =	vst v0  }
0x23: {  	[tilespmem:s10+$0x2020] =	vst v0  }
0x24: {  	[tilespmem:s10+$0x2030] =	vst v0  }
0x25: {  	[tilespmem:s10+$0x2040] =	vst v0  }
0x26: {  	[tilespmem:s10+$0x2050] =	vst v0  }
0x27: {  	[tilespmem:s10+$0x2060] =	vst v0  }
0x28: {  	[spmem:s8] =	stream.linear.scatter [tilespmem:s22], [sflag:$0x5], $0x2800, $0x38;
	[tilespmem:$0x1F880] =	vst v63  }
0x29: {  	_ =	swait.ge [sflag:s23], $0x2800  }
0x2a: {  	[sflag:s23] =	ssyncset.done $0x0  }
0x2b: {  	s12 =	rddreg [dreg:$0x3];
	[sflag:s23] =	ssyncadd.s32 $0xFFFFD800  }
0x2c: {  	[spmem:s12] =	stream.linear.scatter [tilespmem:s22], [sflag:$0x5], $0x2800, $0x38;
	[tilespmem:$0x1F880] =	vst v63  }
0x2d: {  	_ =	swait.ge [sflag:s23], $0x2800  }
0x2e: {  	[sflag:s23] =	ssyncset.done $0x0  }
0x2f: {  	s13 =	rddreg [dreg:$0x4];
	[sflag:s23] =	ssyncadd.s32 $0xFFFFD800  }
0x30: {  	[spmem:s13] =	stream.linear.scatter [tilespmem:s22], [sflag:$0x5], $0x2800, $0x38;
	[tilespmem:$0x1F880] =	vst v63  }
0x31: {  	_ =	swait.ge [sflag:s23], $0x2800  }
0x32: {  	[sflag:s23] =	ssyncset.done $0x0  }
0x33: {  	s14 =	rddreg [dreg:$0x5];
	[sflag:s23] =	ssyncadd.s32 $0xFFFFD800  }
0x34: {  	[spmem:s14] =	stream.linear.scatter [tilespmem:s22], [sflag:$0x5], $0x2800, $0x38;
	[tilespmem:$0x1F880] =	vst v63  }
0x35: {  	_ =	swait.ge [sflag:s23], $0x2800  }
0x36: {  	[sflag:s23] =	ssyncset.done $0x0  }
0x37: {  	s15 =	rddreg [dreg:$0x6];
	[sflag:s23] =	ssyncadd.s32 $0xFFFFD800  }
0x38: {  	[spmem:s15] =	stream.linear.scatter [tilespmem:s22], [sflag:$0x5], $0x2800, $0x38;
	[tilespmem:$0x1F880] =	vst v63  }
0x39: {  	_ =	swait.ge [sflag:s23], $0x2800  }
0x3a: {  	[sflag:s23] =	ssyncset.done $0x0  }
0x3b: {  	s19 =	rddreg [dreg:$0x7];
	[sflag:s23] =	ssyncadd.s32 $0xFFFFD800  }
0x3c: {  	[spmem:s19] =	stream.linear.scatter [tilespmem:s22], [sflag:$0x5], $0x2800, $0x38;
	[tilespmem:$0x1F880] =	vst v63  }
0x3d: {  	_ =	swait.ge [sflag:s23], $0x2800  }
0x3e: {  	[sflag:s23] =	ssyncset.done $0x0  }
0x3f: {  	s20 =	rddreg [dreg:$0x8];
	[sflag:s23] =	ssyncadd.s32 $0xFFFFD800  }
0x40: {  	[spmem:s20] =	stream.linear.scatter [tilespmem:s22], [sflag:$0x5], $0x2800, $0x38;
	[tilespmem:$0x1F880] =	vst v63  }
0x41: {  	_ =	swait.ge [sflag:s23], $0x2800  }
0x42: {  	[sflag:s23] =	ssyncset.done $0x0  }
0x43: {  	s21 =	rddreg [dreg:$0x9];
	[sflag:s23] =	ssyncadd.s32 $0xFFFFD800  }
0x44: {  	[spmem:s21] =	stream.linear.scatter [tilespmem:s22], [sflag:$0x5], $0x2000, $0x38;
	[tilespmem:$0x1F880] =	vst v63  }
0x45: {  	_ =	swait.ge [sflag:s23], $0x2000  }
0x46: {  	[sflag:s23] =	ssyncset.done $0x0  }
0x47: {  	s10 =	simm.s32 @!p0 $0x2000;
	[sflag:s23] =	ssyncadd.s32 $0xFFFFE000  }
0x48: {  	[spmem:s16] =	stream.linear.scatter @!p0 [tilespmem:s10], [sflag:$0x5], $0x800, $0x38;
	[tilespmem:$0x1F880] =	vst v63  }
0x49: {  	s10 =	simm.s32 @!p0 $0x5  }
0x4a: {  	_ =	swait.ge @!p0 [sflag:s10], $0x800  }
0x4b: {  	[sflag:s10] =	ssyncset.done @!p0 $0x0  }
0x4c: {  	[sflag:s10] =	ssyncadd.s32 @!p0 $0xFFFFF800  }
0x4d: {  	s11 =	simm.s32 $0x0;
	s10 =	simm.s32 $0x0;
	[bflag:$0x0] =	sbarrier.arrive $0xFFFF  }
.LBB2_4:
0x4e: {  	s12 =	sshll.u32 s11, $0xC  }
0x4f: {  	s12 =	sadd.s32 s18, s12  }
0x50: {  	s12 =	sshrl.u32 s12, $0x3  }
0x51: {  	s13 =	sadd.s32 s6, s12  }
0x52: {  	[tilespmem:s10], [sflag:$0x5] =	stream.linear.gather [hbm4b:s13+s10], $0xC80, $0x38;
	[tilespmem:$0x1F880] =	vst v63  }
0x53: {  	_ =	swait.ge [sflag:s23], $0xC80  }
0x54: {  	[sflag:s23] =	ssyncset.done $0x0  }
0x55: {  	s21 =	smul.u32 $0x7D0, s11;
	s12 =	sadd.s32 s7, s12;
	[sflag:s23] =	ssyncadd.s32 $0xFFFFF380  }
0x56: {  	[tilespmem:s24], [sflag:$0x5] =	stream.linear.gather [hbm4b:s12+s10], $0xC80, $0x38;
	[tilespmem:$0x1F880] =	vst v63  }
0x57: {  	_ =	swait.ge [sflag:s23], $0xC80  }
0x58: {  	s12 =	sadd.s32 s17, s21;
	[sflag:s23] =	ssyncset.done $0x0  }
0x59: {  	s12 =	sshll.u32 s12, $0x4;
	[sflag:s23] =	ssyncadd.s32 $0xFFFFF380  }
0x5a: {  	[tilespmem:s22], [sflag:$0x1] =	stream.indirect.gather [hbm4b:s4+s25], $0x80, s10, s25, $0xb8;
	[tilespmem:$0x1F880] =	vst v63  }
0x5b: {  	s12 =	sadd.s32 s5, s12  }
0x5c: {  	[tilespmem:s26], [sflag:$0x3] =	stream.linear.gather [hbm4b:s12+s10], $0x2800, $0x38;
	[tilespmem:$0x1F880] =	vst v63  }
0x5d: {  	s13 =	simm.s32 $0x0;
	s12 =	smul.u32 $0x19, s11  }
.LBB2_5:
0x5e: {  	s14 =	sshllo.u32 s13, $0x1  }
0x5f: {  	s15 =	sadd.s32 s12, s14  }
0x60: {  	s14 =	sshll.u32 s14, $0x7;
	s15 =	smul.u32 $0x50, s15  }
0x61: {  	[tilespmem:s28], [sflag:$0x2] =	stream.indirect.gather [hbm4b:s4+s25], $0x80, s14, s25, $0xb8;
	[tilespmem:$0x1F880] =	vst v63  }
0x62: {  	s15 =	sadd.s32 s17, s15  }
0x63: {  	s15 =	sshll.u32 s15, $0x4  }
0x64: {  	s19 =	simm.s32 $0x0;
	s15 =	sadd.s32 s5, s15  }
0x65: {  	[tilespmem:s29], [sflag:$0x4] =	stream.linear.gather [hbm4b:s15+s19], $0x2800, $0x38;
	[tilespmem:$0x1F880] =	vst v63  }
0x66: {  	_ =	swait.ge [sflag:s30], $0x2800  }
0x67: {  	[sflag:s30] =	ssyncset.done $0x0  }
0x68: {  	[sflag:s30] =	ssyncadd.s32 $0xFFFFD800  }
0x69: {  	_ =	swait.ge [sflag:s31], $0x2800  }
0x6a: {  	[sflag:s31] =	ssyncset.done $0x0  }
0x6b: {  	s15 =	simm.s32 $0x0;
	[sflag:s31] =	ssyncadd.s32 $0xFFFFD800  }
0x6c: {  	v3 =	vld [tilespmem:s15+$0x7000]  }
0x6d: {  	v4 =	vld [tilespmem:s15+$0x7010]  }
0x6e: {  	v2 =	vld [tilespmem:s15+$0x7020]  }
0x6f: {  	v1 =	vld [tilespmem:s15+$0x7030]  }
0x70: {  	v5 =	vld [tilespmem:s15+$0x2000]  }
0x71: {  	v6 =	vld [tilespmem:s15+$0x2010]  }
0x72: {  	s20 =	simm.s32 $0x200;
	s19 =	sshll.u32 s13, $0x1;
	v7 =	vld [tilespmem:s15+$0x2020]  }
.LBB2_6:
0x73: {  	p1 =	sne.s32 s20, $0x9E00;
	v8 =	vld [tilespmem:s15+$0x2030]  }
0x74: {  	s21 =	sshra.s32 s20, $0x2  }
0x75: {  	v5 =	vadd.f32 v3, v5;
	v3 =	vld [tilespmem:s21+$0x7000]  }
0x76: {  	v6 =	vadd.f32 v4, v6;
	v4 =	vld [tilespmem:s21+$0x7010]  }
.Ltmp1:
0x77: {  	v5 =	vmax.f32 v5, $0.0e+00;
	v7 =	vadd.f32 v2, v7;
	v2 =	vld [tilespmem:s21+$0x7020];
	(pc) =	sbr.rel @p1 .LBB2_6-.Ltmp1, $4  }
0x78: {  	[tilespmem:s15+$0x2000] =	vst v5;
	v6 =	vmax.f32 v6, $0.0e+00;
	v8 =	vadd.f32 v1, v8;
	v1 =	vld [tilespmem:s21+$0x7030]  }
0x79: {  	v5 =	vld [tilespmem:s21+$0x2000];
	[tilespmem:s15+$0x2010] =	vst v6;
	v7 =	vmax.f32 v7, $0.0e+00  }
0x7a: {  	v6 =	vld [tilespmem:s21+$0x2010];
	[tilespmem:s15+$0x2020] =	vst v7;
	v8 =	vmax.f32 v8, $0.0e+00  }
0x7b: {  	s20 =	sadd.s32 $0x200, s20;
	v7 =	vld [tilespmem:s21+$0x2020];
	[tilespmem:s15+$0x2030] =	vst v8;
	s15 =	smov.u32 s21  }
0x7c: {  	v8 =	vld [tilespmem:s15+$0x2030];
	_ =	sdelay $0x1  }
0x7d: {  	v3 =	vadd.f32 v3, v5  }
0x7e: {  	v4 =	vadd.f32 v4, v6  }
0x7f: {  	v3 =	vmax.f32 v3, $0.0e+00;
	v2 =	vadd.f32 v2, v7  }
0x80: {  	s20 =	sshll.u32 s13, $0x8;
	[tilespmem:s15+$0x2000] =	vst v3;
	v3 =	vmax.f32 v4, $0.0e+00;
	v1 =	vadd.f32 v1, v8  }
0x81: {  	s20 =	sand.u32 $0x3FFFFF00, s20;
	[tilespmem:s15+$0x2010] =	vst v3;
	v2 =	vmax.f32 v2, $0.0e+00  }
0x82: {  	s21 =	sadd.s32 $0x1000, s20;
	s20 =	sadd.s32 $0x2, s19;
	[tilespmem:s15+$0x2020] =	vst v2;
	v1 =	vmax.f32 v1, $0.0e+00  }
0x83: {  	[tilespmem:s15+$0x2030] =	vst v1;
	s15 =	sadd.s32 s12, s20  }
0x84: {  	[spmem:s1] =	stream.indirect.scatter.add.f32 [tilespmem:s22], [sflag:$0x5], $0x80, s21, s25, $0xb8;
	[tilespmem:$0x1F880] =	vst v63  }
0x85: {  	s15 =	smul.u32 $0x50, s15  }
0x86: {  	_ =	swait.ge [sflag:s23], $0x2800  }
0x87: {  	s19 =	sshll.u32 s20, $0x7;
	[sflag:s23] =	ssyncset.done $0x0;
	s15 =	sadd.s32 s17, s15  }
0x88: {  	s19 =	sand.u32 $0x3FFFFF80, s19;
	[sflag:s23] =	ssyncadd.s32 $0xFFFFD800;
	s15 =	sshll.u32 s15, $0x4  }
0x89: {  	[tilespmem:s22], [sflag:$0x1] =	stream.indirect.gather [hbm4b:s4+s25], $0x80, s19, s25, $0xb8;
	[tilespmem:$0x1F880] =	vst v63  }
0x8a: {  	s21 =	simm.s32 $0x0;
	s15 =	sadd.s32 s5, s15  }
0x8b: {  	[tilespmem:s26], [sflag:$0x3] =	stream.linear.gather [hbm4b:s15+s21], $0x2800, $0x38;
	[tilespmem:$0x1F880] =	vst v63  }
0x8c: {  	_ =	swait.ge [sflag:s0], $0x2800  }
0x8d: {  	[sflag:s0] =	ssyncset.done $0x0  }
0x8e: {  	[sflag:s0] =	ssyncadd.s32 $0xFFFFD800  }
0x8f: {  	_ =	swait.ge [sflag:s3], $0x2800  }
0x90: {  	[sflag:s3] =	ssyncset.done $0x0  }
0x91: {  	s15 =	simm.s32 $0x0;
	[sflag:s3] =	ssyncadd.s32 $0xFFFFD800  }
0x92: {  	v3 =	vld [tilespmem:s15+$0x9800]  }
0x93: {  	v4 =	vld [tilespmem:s15+$0x9810]  }
0x94: {  	v2 =	vld [tilespmem:s15+$0x9820]  }
0x95: {  	v1 =	vld [tilespmem:s15+$0x9830]  }
0x96: {  	v5 =	vld [tilespmem:s15+$0x4800]  }
0x97: {  	v7 =	vld [tilespmem:s15+$0x4810]  }
0x98: {  	s19 =	simm.s32 $0x200;
	v6 =	vld [tilespmem:s15+$0x4820]  }
.LBB2_8:
0x99: {  	p1 =	sne.s32 s19, $0x9E00;
	v8 =	vld [tilespmem:s15+$0x4830]  }
0x9a: {  	s20 =	sshra.s32 s19, $0x2  }
0x9b: {  	v5 =	vadd.f32 v3, v5;
	v3 =	vld [tilespmem:s20+$0x9800]  }
0x9c: {  	v7 =	vadd.f32 v4, v7;
	v4 =	vld [tilespmem:s20+$0x9810]  }
.Ltmp2:
0x9d: {  	v5 =	vmax.f32 v5, $0.0e+00;
	v6 =	vadd.f32 v2, v6;
	v2 =	vld [tilespmem:s20+$0x9820];
	(pc) =	sbr.rel @p1 .LBB2_8-.Ltmp2, $4  }
0x9e: {  	[tilespmem:s15+$0x4800] =	vst v5;
	v7 =	vmax.f32 v7, $0.0e+00;
	v8 =	vadd.f32 v1, v8;
	v1 =	vld [tilespmem:s20+$0x9830]  }
0x9f: {  	v5 =	vld [tilespmem:s20+$0x4800];
	[tilespmem:s15+$0x4810] =	vst v7;
	v6 =	vmax.f32 v6, $0.0e+00  }
0xa0: {  	v7 =	vld [tilespmem:s20+$0x4810];
	[tilespmem:s15+$0x4820] =	vst v6;
	v8 =	vmax.f32 v8, $0.0e+00  }
0xa1: {  	s19 =	sadd.s32 $0x200, s19;
	v6 =	vld [tilespmem:s20+$0x4820];
	[tilespmem:s15+$0x4830] =	vst v8;
	s15 =	smov.u32 s20  }
0xa2: {  	v8 =	vld [tilespmem:s15+$0x4830];
	_ =	sdelay $0x1  }
0xa3: {  	v3 =	vadd.f32 v3, v5  }
0xa4: {  	v4 =	vadd.f32 v4, v7  }
0xa5: {  	v3 =	vmax.f32 v3, $0.0e+00;
	v2 =	vadd.f32 v2, v6  }
0xa6: {  	[tilespmem:s15+$0x4800] =	vst v3;
	v3 =	vmax.f32 v4, $0.0e+00;
	v1 =	vadd.f32 v1, v8  }
0xa7: {  	s13 =	sadd.s32 $0x1, s13;
	[tilespmem:s15+$0x4810] =	vst v3;
	v2 =	vmax.f32 v2, $0.0e+00  }
0xa8: {  	p1 =	sne.s32 s13, $0xC;
	[tilespmem:s15+$0x4820] =	vst v2;
	v1 =	vmax.f32 v1, $0.0e+00  }
.Ltmp3:
0xa9: {  	s14 =	sadd.s32 $0x1000, s14;
	[tilespmem:s15+$0x4830] =	vst v1;
	(pc) =	sbr.rel @p1 .LBB2_5-.Ltmp3, $4  }
0xaa: {  	[spmem:s1] =	stream.indirect.scatter.add.f32 [tilespmem:s28], [sflag:$0x5], $0x80, s14, s25, $0xb8;
	[tilespmem:$0x1F880] =	vst v63  }
0xab: {  	_ =	swait.ge [sflag:s23], $0x2800  }
0xac: {  	[sflag:s23] =	ssyncset.done $0x0  }
0xad: {  	[sflag:s23] =	ssyncadd.s32 $0xFFFFD800  }
0xae: {  	_ =	swait.ge [sflag:s30], $0x2800  }
0xaf: {  	[sflag:s30] =	ssyncset.done $0x0  }
0xb0: {  	[sflag:s30] =	ssyncadd.s32 $0xFFFFD800  }
0xb1: {  	_ =	swait.ge [sflag:s31], $0x2800  }
0xb2: {  	[sflag:s31] =	ssyncset.done $0x0  }
0xb3: {  	s12 =	simm.s32 $0x0;
	[sflag:s31] =	ssyncadd.s32 $0xFFFFD800  }
0xb4: {  	v3 =	vld [tilespmem:s12+$0x7000]  }
0xb5: {  	v4 =	vld [tilespmem:s12+$0x7010]  }
0xb6: {  	v2 =	vld [tilespmem:s12+$0x7020]  }
0xb7: {  	v1 =	vld [tilespmem:s12+$0x7030]  }
0xb8: {  	v5 =	vld [tilespmem:s12+$0x2000]  }
0xb9: {  	v7 =	vld [tilespmem:s12+$0x2010]  }
0xba: {  	s13 =	simm.s32 $0x200;
	v6 =	vld [tilespmem:s12+$0x2020]  }
.LBB2_11:
0xbb: {  	p1 =	sne.s32 s13, $0x9E00;
	v8 =	vld [tilespmem:s12+$0x2030]  }
0xbc: {  	s14 =	sshra.s32 s13, $0x2  }
0xbd: {  	v5 =	vadd.f32 v3, v5;
	v3 =	vld [tilespmem:s14+$0x7000]  }
0xbe: {  	v7 =	vadd.f32 v4, v7;
	v4 =	vld [tilespmem:s14+$0x7010]  }
.Ltmp4:
0xbf: {  	v5 =	vmax.f32 v5, $0.0e+00;
	v6 =	vadd.f32 v2, v6;
	v2 =	vld [tilespmem:s14+$0x7020];
	(pc) =	sbr.rel @p1 .LBB2_11-.Ltmp4, $4  }
0xc0: {  	[tilespmem:s12+$0x2000] =	vst v5;
	v7 =	vmax.f32 v7, $0.0e+00;
	v8 =	vadd.f32 v1, v8;
	v1 =	vld [tilespmem:s14+$0x7030]  }
0xc1: {  	v5 =	vld [tilespmem:s14+$0x2000];
	[tilespmem:s12+$0x2010] =	vst v7;
	v6 =	vmax.f32 v6, $0.0e+00  }
0xc2: {  	v7 =	vld [tilespmem:s14+$0x2010];
	[tilespmem:s12+$0x2020] =	vst v6;
	v8 =	vmax.f32 v8, $0.0e+00  }
0xc3: {  	s13 =	sadd.s32 $0x200, s13;
	v6 =	vld [tilespmem:s14+$0x2020];
	[tilespmem:s12+$0x2030] =	vst v8;
	s12 =	smov.u32 s14  }
0xc4: {  	v8 =	vld [tilespmem:s12+$0x2030];
	_ =	sdelay $0x1  }
0xc5: {  	v3 =	vadd.f32 v3, v5  }
0xc6: {  	v4 =	vadd.f32 v4, v7  }
0xc7: {  	v3 =	vmax.f32 v3, $0.0e+00;
	v2 =	vadd.f32 v2, v6  }
0xc8: {  	[tilespmem:s12+$0x2000] =	vst v3;
	v3 =	vmax.f32 v4, $0.0e+00;
	v1 =	vadd.f32 v1, v8  }
0xc9: {  	s11 =	sadd.s32 $0x1, s11;
	[tilespmem:s12+$0x2010] =	vst v3;
	v2 =	vmax.f32 v2, $0.0e+00  }
0xca: {  	p1 =	sne.s32 s11, $0x5;
	[tilespmem:s12+$0x2020] =	vst v2;
	v1 =	vmax.f32 v1, $0.0e+00  }
.Ltmp5:
0xcb: {  	[tilespmem:s12+$0x2030] =	vst v1;
	(pc) =	sbr.rel @p1 .LBB2_4-.Ltmp5, $4  }
0xcc: {  	[spmem:s1] =	stream.indirect.scatter.add.f32 [tilespmem:s22], [sflag:$0x5], $0x80, s9, s25, $0xb8;
	[tilespmem:$0x1F880] =	vst v63  }
0xcd: {  	_ =	swait.ge [sflag:s23], $0x2800  }
0xce: {  	[sflag:s23] =	ssyncset.done $0x0  }
0xcf: {  	[sflag:s23] =	ssyncadd.s32 $0xFFFFD800  }
0xd0: {  	s10 =	stileid.u32  }
0xd1: {  	[bflag:$0x0] =	sbarrier.arrive $0xFFFF;
	s10 =	sshll.u32 s10, $0x6  }
0xd2: {  	s11 =	sshrl.u32 s8, $0x3;
	s12 =	rddreg [dreg:$0xa];
	s10 =	sor.u32 $0x1C05, s10  }
0xd3: {  	[hbm:s12], [sflag:s10] =	dma.local [spmem:s11], $0x2700  }
0xd4: {  	_ =	swait.ge [sflag:s23], $0x2700  }
0xd5: {  	[sflag:s23] =	ssyncset.done $0x0  }
0xd6: {  	s11 =	sshrl.u32 @!p0 s16, $0x3;
	s12 =	rddreg [dreg:$0xb];
	[sflag:s23] =	ssyncadd.s32 $0xFFFFD900  }
0xd7: {  	[hbm:s12], [sflag:s10] =	dma.local @!p0 [spmem:s11], $0x100  }
0xd8: {  	s10 =	simm.s32 @!p0 $0x5  }
0xd9: {  	_ =	swait.ge @!p0 [sflag:s10], $0x100  }
0xda: {  	s2 =	sadd.s32 $0x1, s2;
	s21 =	rddreg [dreg:$0xc]  }
0xdb: {  	p1 =	sne.s32 s2, s21  }
.Ltmp6:
0xdc: {  	_ = 	snop;
	(pc) =	sbr.rel @p1 .LBB2_1-.Ltmp6, $3  }
0xdd: {  	_ =	sdelay $0x1  }
0xde: {  	[sflag:s10] =	ssyncset.done @!p0 $0x0  }
0xdf: {  	[sflag:s10] =	ssyncadd.s32 @!p0 $0xFFFFFF00  }
0xe0: {  	_ =	sfence.sel $0x180000  }
0xe1: {  	[bflag:$0x0] =	sbarrier.arrive $0xFFFF  }
0xe2: {  	_ =	strace $0x9000004A  }
0xe3: {  	s0 =	stileid.u32;
	[bflag:$0x2] =	sbarrier.arrive $0xFFFF  }
0xe4: {  	p0 =	sne.s32 s0, $0x0;
	s0 =	rddreg [dreg:$0x2]  }
0xe5: {  	s0 =	sadd.s32 @!p0 $0x100000, s0  }
0xe6: {  	[sflag:s0] =	ssyncadd.tile.s32 @!p0 $0x1;
	_ =	shalt  }
.Lfunc_end2:
_tile_overlayer_lowered:
.L_overlay_start_2:
0xe7: {  	(tag) =	ssettag $0x2  }
0xe8: {  	s0 =	rddreg [dreg:$0x0];
	s2 =	stileid.u32  }
0xe9: {  	s1 =	rddreg [dreg:$0x1];
	p0 =	sne.s32 s2, $0x0  }
0xea: {  	s3 =	rddreg [dreg:$0x2];
	[bflag:$0x3] =	sbarrier.arrive $0xFFFF;
	s2 =	simm.s32 @!p0 $0x1C05  }
0xeb: {  	[timem:s3], [sflag:s2] =	dma.local @!p0 [hbm:s0], s1  }
0xec: {  	s0 =	simm.s32 @!p0 $0x5  }
0xed: {  	_ =	swait.ge @!p0 [sflag:s0], s1  }
0xee: {  	s1 =	ssub.s32 @!p0 $0x0, s1;
	[sflag:s0] =	ssyncset.done @!p0 $0x0  }
0xef: {  	[sflag:s0] =	ssyncadd.s32 @!p0 s1  }
0xf0: {  	[bflag:$0x3] =	sbarrier.arrive $0xFFFF  }
0xf1: {  	_ =	shalt  }

// kernel: kernel.9.cloned.1.call-start
scs
__scs_entry_jumppad:
0x0: {  	(pc) =	sbr.rel $0x88, $3  }
0x1: {  	(tag) =	ssettag $0x0;
	lr =	simm.s32 $0x1  }
0x2: {  	[smem:$0x3F8F] =	sst lr;
	_ =	strace $0xD0000000  }
0x3: {  	_ = 	snop  }
0x4: {  	_ = 	snop  }
0x5: {  	_ = 	snop  }
0x6: {  	_ = 	snop  }
0x7: {  	_ = 	snop  }
__scs_overlays_trampoline_lowered:
0x8: {  	[smem:$0x3F9E] =	sst s0  }
0x9: {  	[smem:$0x3F9F] =	sst s1  }
0xa: {  	[smem:$0x3FA0] =	sst s2  }
0xb: {  	[smem:$0x3FA1] =	sst s3  }
0xc: {  	[smem:$0x3FA2] =	sst s4  }
0xd: {  	[smem:$0x3FA3] =	sst s5  }
0xe: {  	[smem:$0x3FA4] =	sst s6  }
0xf: {  	[smem:$0x3FA5] =	sst s7  }
0x10: {  	[smem:$0x3FA6] =	sst s8  }
0x11: {  	[smem:$0x3FA7] =	sst s9;
	s0 =	simm.s32 @!p0 $0x0  }
0x12: {  	s1 =	sld [smem:$0x3F8D];
	s0 =	simm.s32 @p0 $0x1  }
0x13: {  	[smem:$0x3FA8] =	sst s0;
	s0 =	simm.s32 @!p1 $0x0  }
0x14: {  	s2 =	sld [smem:$0x3F8C];
	s0 =	simm.s32 @p1 $0x1  }
0x15: {  	[smem:$0x3FA9] =	sst s0;
	s0 =	simm.s32 @!p2 $0x0  }
0x16: {  	s3 =	sld [smem:$0x3FDB];
	s0 =	simm.s32 @p2 $0x1  }
0x17: {  	s4 =	simm.s32 $0x1BF5;
	[smem:$0x3FAB] =	sst s0  }
0x18: {  	s0 =	sld [smem:$0x3F8E];
	_ =	swait.ge [sflag:s4], $0x0  }
0x19: {  	s7 =	sld [smem:$0x3F8F]  }
0x1a: {  	s8 =	sadd.s32 $0xFFFFE003, lr  }
0x1b: {  	s9 =	sadd.s32 $0xFFFFFEF7, lr;
	s5 =	simm.s32 $0xFFFFFFFF;
	p2 =	slt.u32 s8, $0xFFFFF086  }
0x1c: {  	p1 =	slt.u32 s9, $0xF7A;
	s5 =	simm.s32 @!p2 $0x0  }
0x1d: {  	s5 =	simm.s32 @p1 $0x1;
	p0 =	seq.s32 s7, s2  }
0x1e: {  	s7 =	smul.u32 @!p0 $0xF7A, s2;
	p2 =	seq.s32 @!p0 s5, $0x0  }
0x1f: {  	s9 =	smul.u32 $0xF7A, s1;
	s8 =	simm.s32 @!p0 $0x1BF5;
	p2 =	por !p2, p0  }
0x20: {  	[sflag:s8] =	ssyncset.s32 @!p0 $0xFFFFF086;
	s6 =	sadd.s32 @!p0 s3, s7;
	s7 =	simm.s32 @!p0 $0x108  }
0x21: {  	s3 =	sadd.s32 s3, s9;
	s6 =	sadd.s32 @!p0 $0x88, s6;
	s7 =	simm.s32 @p2 $0x1082  }
0x22: {  	[simem:s7], [sflag:s8] =	dma.local @!p0 [hbm:s6], $0xF7A  }
0x23: {  	s9 =	sor.u32 $0xD0000000, s2;
	s6 =	simm.s32 $0x108;
	_ =	swait.ge @!p0 [sflag:s8], $0x0  }
0x24: {  	s3 =	sadd.s32 $0x88, s3;
	s6 =	simm.s32 @!p1 $0x1082;
	[sflag:s4] =	ssyncset.s32 $0xFFFFF086  }
0x25: {  	[simem:s6], [sflag:s4] =	dma.local [hbm:s3], $0xF7A  }
0x26: {  	[smem:$0x3F8F] =	sst s1;
	(tag) =	ssettag s2;
	_ =	strace s9  }
0x27: {  	s1 =	sld [smem:$0x3F9F]  }
0x28: {  	s2 =	sld [smem:$0x3FA0]  }
0x29: {  	s4 =	sld [smem:$0x3FA2]  }
0x2a: {  	p0 =	seq.s32 s5, $0x0;
	s5 =	sld [smem:$0x3FA3]  }
0x2b: {  	s6 =	sld [smem:$0x3FA4]  }
0x2c: {  	s7 =	sld [smem:$0x3FA5]  }
0x2d: {  	s3 =	simm.s32 $0x108;
	s8 =	sld [smem:$0x3FA6]  }
0x2e: {  	s3 =	simm.s32 @!p0 $0x1082;
	s9 =	sld [smem:$0x3FA7]  }
0x2f: {  	lr =	sadd.s32 s0, s3;
	s0 =	sld [smem:$0x3F9E]  }
0x30: {  	s3 =	sld [smem:$0x3FA1]  }
0x31: {  	[smem:$0x3FAA] =	sst s10  }
0x32: {  	s10 =	sld [smem:$0x3FA8];
	_ =	sdelay $0x3  }
0x33: {  	p0 =	seq.s32 s10, $0x1;
	s10 =	sld [smem:$0x3FAA];
	_ =	sdelay $0x3  }
0x34: {  	[smem:$0x3FAA] =	sst s10  }
0x35: {  	s10 =	sld [smem:$0x3FA9];
	_ =	sdelay $0x3  }
0x36: {  	p1 =	seq.s32 s10, $0x1;
	s10 =	sld [smem:$0x3FAA];
	_ =	sdelay $0x3  }
0x37: {  	[smem:$0x3FAA] =	sst s10  }
0x38: {  	s10 =	sld [smem:$0x3FAB]  }
0x39: {  	_ = 	snop;
	(pc) =	sbr.ind lr, $3  }
0x3a: {  	_ = 	snop  }
0x3b: {  	_ = 	snop  }
0x3c: {  	p2 =	seq.s32 s10, $0x1;
	s10 =	sld [smem:$0x3FAA]  }
0x3d: {  	_ =	shalt  }
0x3e: {  	_ =	shalt  }
0x3f: {  	_ =	shalt  }
0x40: {  	_ =	shalt  }
0x41: {  	_ =	shalt  }
0x42: {  	_ =	shalt  }
0x43: {  	_ =	shalt  }
0x44: {  	_ =	shalt  }
0x45: {  	_ =	shalt  }
0x46: {  	_ =	shalt  }
0x47: {  	_ =	shalt  }
0x48: {  	_ =	shalt  }
0x49: {  	_ =	shalt  }
0x4a: {  	_ =	shalt  }
0x4b: {  	_ =	shalt  }
0x4c: {  	_ =	shalt  }
0x4d: {  	_ =	shalt  }
0x4e: {  	_ =	shalt  }
0x4f: {  	_ =	shalt  }
0x50: {  	_ =	shalt  }
0x51: {  	_ =	shalt  }
0x52: {  	_ =	shalt  }
0x53: {  	_ =	shalt  }
0x54: {  	_ =	shalt  }
0x55: {  	_ =	shalt  }
0x56: {  	_ =	shalt  }
0x57: {  	_ =	shalt  }
0x58: {  	_ =	shalt  }
0x59: {  	_ =	shalt  }
0x5a: {  	_ =	shalt  }
0x5b: {  	_ =	shalt  }
0x5c: {  	_ =	shalt  }
0x5d: {  	_ =	shalt  }
0x5e: {  	_ =	shalt  }
0x5f: {  	_ =	shalt  }
0x60: {  	_ =	shalt  }
0x61: {  	_ =	shalt  }
0x62: {  	_ =	shalt  }
0x63: {  	_ =	shalt  }
0x64: {  	_ =	shalt  }
0x65: {  	_ =	shalt  }
0x66: {  	_ =	shalt  }
0x67: {  	_ =	shalt  }
0x68: {  	_ =	shalt  }
0x69: {  	_ =	shalt  }
0x6a: {  	_ =	shalt  }
0x6b: {  	_ =	shalt  }
0x6c: {  	_ =	shalt  }
0x6d: {  	_ =	shalt  }
0x6e: {  	_ =	shalt  }
0x6f: {  	_ =	shalt  }
0x70: {  	_ =	shalt  }
0x71: {  	_ =	shalt  }
0x72: {  	_ =	shalt  }
0x73: {  	_ =	shalt  }
0x74: {  	_ =	shalt  }
0x75: {  	_ =	shalt  }
0x76: {  	_ =	shalt  }
0x77: {  	_ =	shalt  }
0x78: {  	_ =	shalt  }
0x79: {  	_ =	shalt  }
0x7a: {  	_ =	shalt  }
0x7b: {  	_ =	shalt  }
0x7c: {  	_ =	shalt  }
0x7d: {  	_ =	shalt  }
0x7e: {  	_ =	shalt  }
0x7f: {  	_ =	shalt  }
0x80: {  	_ =	shalt  }
0x81: {  	_ =	shalt  }
0x82: {  	_ =	shalt  }
0x83: {  	_ =	shalt  }
0x84: {  	_ =	shalt  }
0x85: {  	_ =	shalt  }
0x86: {  	_ =	shalt  }
0x87: {  	_ =	shalt  }
.Lfunc_end0:
.L_simem_size_0:
called_computation_lowered:
.L_overlay_start_0:
0x88: {  	s2 =	sld [smem:$0x3FD9]  }
0x89: {  	s3 =	sld [smem:$0x3FFE];
	_ =	sdelay $0x1  }
0x8a: {  	s1 =	srdreg.scid  }
0x8b: {  	s0 =	sand.u32 $0x1, s1  }
0x8c: {  	s17 =	sshll.u32 s0, $0xA;
	s2 =	sadd.s32 s3, s2  }
0x8d: {  	s2 =	sadd.s32 s2, s17  }
0x8e: {  	[smem:$0x3FB6] =	sst s2  }
0x8f: {  	_ = 	snop  }
0x90: {  	s2 =	sld [smem:$0x3FC9];
	(tm) =	ssettm $0x1  }
0x91: {  	s18 =	sld [smem:$0x3FFB];
	_ =	sdelay $0x3  }
0x92: {  	_ =	strace s18  }
0x93: {  	s3 =	sld [smem:$0x3FFC];
	_ =	sdelay $0x3  }
0x94: {  	_ =	strace s3  }
0x95: {  	s3 =	sld [smem:$0x3FFD];
	_ =	sdelay $0x3  }
0x96: {  	_ =	strace s3  }
0x97: {  	_ =	strace $0x8FFFFFFF  }
0x98: {  	s19 =	sld [smem:$0x3FDB];
	_ =	sdelay $0x1  }
0x99: {  	s4 =	simm.s32 $_scs_section_size  }
0x9a: {  	s5 =	simm.s32 $_size__tile_overlayer_lowered;
	s6 =	simm.s32 $_tile_overlayer_lowered  }
0x9b: {  	s22 =	simm.s32 $0x1BFF;
	s21 =	sshll.u32 s6, $0x1;
	s3 =	sadd.s32 s4, s19  }
0x9c: {  	s7 =	simm.s32 $0x0;
	s20 =	sshll.u32 s5, $0x1;
	s5 =	sadd.s32 s21, s3  }
0x9d: {  	[timem:s7], [sflag:s22] =	dma.local [hbm:s5], s20  }
0x9e: {  	_ =	swait.ge [sflag:s22], s20  }
0x9f: {  	s4 =	ssub.s32 $0x0, s20;
	[sflag:s22] =	ssyncset.done $0x0  }
0xa0: {  	[sflag:s22] =	ssyncadd.s32 s4;
	_ =	sdelay $0x1  }
0xa1: {  	s23 =	simm.s32 $0x1B8B  }
0xa2: {  	_ =	swait.ge [sflag:s23], $0x1  }
0xa3: {  	[sflag:s23] =	ssyncset.done $0x0  }
0xa4: {  	s25 =	simm.s32 $0x1B8E;
	s24 =	sld [smem:$0x3FFE];
	[sflag:s23] =	ssyncadd.s32 $0xFFFFFFFF  }
0xa5: {  	s26 =	simm.s32 $execute0_lowered;
	[smem:$0x3FD2] =	sst s25  }
0xa6: {  	s5 =	sshll.u32 s26, $0x1;
	_ =	strace $0x80000046;
	[dreg:$0x1] =	wrdreg $0xFFFFFFFF  }
0xa7: {  	s28 =	simm.s32 $_size_execute0_lowered;
	s3 =	sadd.s32 s3, s5;
	[dreg:$0x0] =	wrdreg $0x0  }
0xa8: {  	s5 =	sshll.u32 s28, $0x1;
	[dreg:$0x2] =	wrdreg s3  }
0xa9: {  	[dreg:$0x3] =	wrdreg s5  }
0xaa: {  	[dreg:$0x4] =	wrdreg $0xC0  }
0xab: {  	_ =	task [dreg:s7], $0x5FFFF  }
0xac: {  	[dreg:$0x1] =	wrdreg $0xFFFFFFFF  }
0xad: {  	[dreg:$0x0] =	wrdreg $0x60  }
0xae: {  	[dreg:$0x2] =	wrdreg s2  }
0xaf: {  	[dreg:$0x3] =	wrdreg s24  }
0xb0: {  	[dreg:$0x4] =	wrdreg $0xC0000  }
0xb1: {  	[dreg:$0x5] =	wrdreg $0x9  }
0xb2: {  	_ =	task.clear_ibuf [dreg:s7], $0x6FFFF;
	_ =	strace $0x90000046  }
0xb3: {  	s29 =	simm.s32 $0x9;
	_ =	strace $0x80000048  }
0xb4: {  	_ =	swait.ge [sflag:s29], $0x1  }
0xb5: {  	[sflag:s29] =	ssyncadd.s32 $0xFFFFFFFF  }
0xb6: {  	_ =	strace $0x90000048  }
0xb7: {  	_ =	sfence  }
0xb8: {  	s30 =	sld [smem:$0x0];
	_ =	sdelay $0x2  }
0xb9: {  	s31 =	sshll.u32 s1, $0xD;
	s1 =	sshrl.u32 s1, $0x2  }
0xba: {  	s3 =	sand.u32 $0x4000, s31;
	s1 =	sadd.s32 s1, s30  }
0xbb: {  	s0 =	sor.u32 s3, s0;
	s1 =	sshll.u32 s1, $0x11  }
0xbc: {  	s0 =	sor.u32 s1, s0  }
0xbd: {  	s0 =	sadd.s32 $0x8F2B, s0  }
0xbe: {  	[sflag:s0] =	ssyncadd.remote.s32 $0x1  }
0xbf: {  	_ =	sfence.sel $0xFFFF  }
0xc0: {  	[dreg:$0x0] =	wrdreg $0xFFFFFFFF;
	(pc) =	sbr.abs _section_cstart, $3  }
0xc1: {  	[dreg:$0x1] =	wrdreg $0xFFFFFFFF  }
0xc2: {  	_ =	task.clear_ibuf [dreg:s7], $0x2FFFF;
	_ =	strace $0x9FFFFFFF  }
0xc3: {  	(tm) =	ssettm $0x7FFFFFFF  }
tec
execute0_lowered:
.L_overlay_start_1:
0x0: {  	(tag) =	ssettag $0x1  }
0x1: {  	s1 =	rddreg [dreg:$0x0]  }
0x2: {  	s0 =	rddreg [dreg:$0x1]  }
0x3: {  	s2 =	rddreg [dreg:$0x2]  }
0x4: {  	s4 =	simm.s32 $0x0;
	s3 =	srdreg.scid;
	s12 =	stileid.u32  }
0x5: {  	s28 =	simm.s32 $0x4800;
	s29 =	simm.s32 $0x9800;
	s30 =	simm.s32 $0x1  }
0x6: {  	s31 =	simm.s32 $0x3;
	[smem:$0x7FF] =	sst s4;
	s5 =	sadd.s32 $0x2AC00, s0  }
0x7: {  	s3 =	sand.u32 $0x1, s3;
	s8 =	smul.u32 $0x4E000, s12;
	s6 =	sadd.s32 $0x2C00, s0  }
0x8: {  	s7 =	sadd.s32 $0x16C00, s0;
	s0 =	sadd.s32 $0x50CC00, s0;
	s21 =	smul.u32 $0x13800, s12  }
0x9: {  	s16 =	sadd.s32 $0x138000, s2;
	p0 =	sne.s32 s12, $0xF;
	s8 =	sshrl.u32 s8, $0x2  }
0xa: {  	_ =	strace $0x80000047;
	s9 =	ssub.s32 $0x2, s3;
	s8 =	sadd.s32 s8, s2  }
0xb: {  	s18 =	sshll.u32 s3, $0x4;
	s3 =	smul.u32 $0x138800, s3;
	s11 =	sadd.s32 $0x2800, s8  }
0xc: {  	s10 =	sshrl.u32 s9, $0x1;
	s19 =	sadd.s32 $0x5000, s8;
	[dreg:$0x4] =	wrdreg s11  }
0xd: {  	s9 =	ssub.s32 s9, s10;
	s20 =	sadd.s32 $0x7800, s8;
	[dreg:$0x5] =	wrdreg s19  }
0xe: {  	s10 =	sor.u32 s12, s18;
	s13 =	sadd.s32 $0xA000, s8;
	[dreg:$0x6] =	wrdreg s20  }
0xf: {  	s22 =	sadd.s32 $0xC800, s8;
	s23 =	sadd.s32 $0xF000, s8;
	[dreg:$0x7] =	wrdreg s13  }
0x10: {  	s24 =	sadd.s32 $0x11800, s8;
	s17 =	smul.u32 $0x2710, s10;
	[dreg:$0x8] =	wrdreg s22  }
0x11: {  	s18 =	smul.u32 $0x5000, s10;
	s26 =	smax.u32 s9, $0x1;
	[dreg:$0x9] =	wrdreg s23  }
0x12: {  	s9 =	simm.s32 $0x1C00;
	[dreg:$0xa] =	wrdreg s24;
	s11 =	sadd.s32 s21, s3  }
0x13: {  	s3 =	sshrl.u32 s3, $0x3;
	[dreg:$0xd] =	wrdreg s26;
	s22 =	simm.s32 $0x2000  }
0x14: {  	s23 =	simm.s32 $0x5;
	s24 =	simm.s32 $0x1000;
	s11 =	sshrl.u32 s11, $0x3  }
0x15: {  	s26 =	simm.s32 $0x7000;
	s25 =	sadd.s32 s0, s11;
	s0 =	sadd.s32 s0, s3  }
0x16: {  	s3 =	simm.s32 $0x4;
	[dreg:$0xb] =	wrdreg s25;
	s0 =	sadd.s32 $0x27000, s0  }
0x17: {  	v0 =	vimm.f32 $0.0e+00;
	s25 =	simm.s32 $0x50;
	[dreg:$0xc] =	wrdreg s0;
	s0 =	simm.s32 $0x2  }
.LBB2_1:
0x18: {  	s10 =	simm.s32 $0x0;
	s11 =	simm.s32 $0x200  }
.LBB2_2:
0x19: {  	p1 =	sne.s32 s11, $0x9E00;
	[tilespmem:s10+$0x2070] =	vst v0  }
0x1a: {  	[tilespmem:s10+$0x2000] =	vst v0  }
0x1b: {  	[tilespmem:s10+$0x2010] =	vst v0  }
.Ltmp0:
0x1c: {  	[tilespmem:s10+$0x2020] =	vst v0;
	(pc) =	sbr.rel @p1 .LBB2_2-.Ltmp0, $4  }
0x1d: {  	[tilespmem:s10+$0x2030] =	vst v0  }
0x1e: {  	[tilespmem:s10+$0x2040] =	vst v0  }
0x1f: {  	[tilespmem:s10+$0x2050] =	vst v0  }
0x20: {  	[tilespmem:s10+$0x2060] =	vst v0;
	s10 =	sshra.s32 s11, $0x2;
	s11 =	sadd.s32 $0x200, s11  }
0x21: {  	[tilespmem:s10+$0x2070] =	vst v0  }
0x22: {  	[tilespmem:s10+$0x2000] =	vst v0  }
0x23: {  	[tilespmem:s10+$0x2010] =	vst v0  }
0x24: {  	[tilespmem:s10+$0x2020] =	vst v0  }
0x25: {  	[tilespmem:s10+$0x2030] =	vst v0  }
0x26: {  	[tilespmem:s10+$0x2040] =	vst v0  }
0x27: {  	[tilespmem:s10+$0x2050] =	vst v0  }
0x28: {  	[tilespmem:s10+$0x2060] =	vst v0  }
0x29: {  	[spmem:s8] =	stream.linear.scatter [tilespmem:s22], [sflag:$0x5], $0x2800, $0x38;
	[tilespmem:$0x1F880] =	vst v63  }
0x2a: {  	_ =	swait.ge [sflag:s23], $0x2800  }
0x2b: {  	[sflag:s23] =	ssyncset.done $0x0  }
0x2c: {  	s12 =	rddreg [dreg:$0x4];
	[sflag:s23] =	ssyncadd.s32 $0xFFFFD800  }
0x2d: {  	[spmem:s12] =	stream.linear.scatter [tilespmem:s22], [sflag:$0x5], $0x2800, $0x38;
	[tilespmem:$0x1F880] =	vst v63  }
0x2e: {  	_ =	swait.ge [sflag:s23], $0x2800  }
0x2f: {  	[sflag:s23] =	ssyncset.done $0x0  }
0x30: {  	s13 =	rddreg [dreg:$0x5];
	[sflag:s23] =	ssyncadd.s32 $0xFFFFD800  }
0x31: {  	[spmem:s13] =	stream.linear.scatter [tilespmem:s22], [sflag:$0x5], $0x2800, $0x38;
	[tilespmem:$0x1F880] =	vst v63  }
0x32: {  	_ =	swait.ge [sflag:s23], $0x2800  }
0x33: {  	[sflag:s23] =	ssyncset.done $0x0  }
0x34: {  	s14 =	rddreg [dreg:$0x6];
	[sflag:s23] =	ssyncadd.s32 $0xFFFFD800  }
0x35: {  	[spmem:s14] =	stream.linear.scatter [tilespmem:s22], [sflag:$0x5], $0x2800, $0x38;
	[tilespmem:$0x1F880] =	vst v63  }
0x36: {  	_ =	swait.ge [sflag:s23], $0x2800  }
0x37: {  	[sflag:s23] =	ssyncset.done $0x0  }
0x38: {  	s15 =	rddreg [dreg:$0x7];
	[sflag:s23] =	ssyncadd.s32 $0xFFFFD800  }
0x39: {  	[spmem:s15] =	stream.linear.scatter [tilespmem:s22], [sflag:$0x5], $0x2800, $0x38;
	[tilespmem:$0x1F880] =	vst v63  }
0x3a: {  	_ =	swait.ge [sflag:s23], $0x2800  }
0x3b: {  	[sflag:s23] =	ssyncset.done $0x0  }
0x3c: {  	s19 =	rddreg [dreg:$0x8];
	[sflag:s23] =	ssyncadd.s32 $0xFFFFD800  }
0x3d: {  	[spmem:s19] =	stream.linear.scatter [tilespmem:s22], [sflag:$0x5], $0x2800, $0x38;
	[tilespmem:$0x1F880] =	vst v63  }
0x3e: {  	_ =	swait.ge [sflag:s23], $0x2800  }
0x3f: {  	[sflag:s23] =	ssyncset.done $0x0  }
0x40: {  	s20 =	rddreg [dreg:$0x9];
	[sflag:s23] =	ssyncadd.s32 $0xFFFFD800  }
0x41: {  	[spmem:s20] =	stream.linear.scatter [tilespmem:s22], [sflag:$0x5], $0x2800, $0x38;
	[tilespmem:$0x1F880] =	vst v63  }
0x42: {  	_ =	swait.ge [sflag:s23], $0x2800  }
0x43: {  	[sflag:s23] =	ssyncset.done $0x0  }
0x44: {  	s21 =	rddreg [dreg:$0xa];
	[sflag:s23] =	ssyncadd.s32 $0xFFFFD800  }
0x45: {  	[spmem:s21] =	stream.linear.scatter [tilespmem:s22], [sflag:$0x5], $0x2000, $0x38;
	[tilespmem:$0x1F880] =	vst v63  }
0x46: {  	_ =	swait.ge [sflag:s23], $0x2000  }
0x47: {  	[sflag:s23] =	ssyncset.done $0x0  }
0x48: {  	s10 =	simm.s32 @!p0 $0x2000;
	[sflag:s23] =	ssyncadd.s32 $0xFFFFE000  }
0x49: {  	[spmem:s16] =	stream.linear.scatter @!p0 [tilespmem:s10], [sflag:$0x5], $0x800, $0x38;
	[tilespmem:$0x1F880] =	vst v63  }
0x4a: {  	s10 =	simm.s32 @!p0 $0x5  }
0x4b: {  	_ =	swait.ge @!p0 [sflag:s10], $0x800  }
0x4c: {  	[sflag:s10] =	ssyncset.done @!p0 $0x0  }
0x4d: {  	[sflag:s10] =	ssyncadd.s32 @!p0 $0xFFFFF800  }
0x4e: {  	s11 =	simm.s32 $0x0;
	s10 =	simm.s32 $0x0;
	[bflag:$0x0] =	sbarrier.arrive $0xFFFF  }
.LBB2_4:
0x4f: {  	s12 =	sshll.u32 s11, $0xC  }
0x50: {  	s12 =	sadd.s32 s18, s12  }
0x51: {  	s12 =	sshrl.u32 s12, $0x3  }
0x52: {  	s13 =	sadd.s32 s6, s12  }
0x53: {  	[tilespmem:s10], [sflag:$0x5] =	stream.linear.gather [hbm4b:s13+s10], $0xC80, $0x38;
	[tilespmem:$0x1F880] =	vst v63  }
0x54: {  	_ =	swait.ge [sflag:s23], $0xC80  }
0x55: {  	[sflag:s23] =	ssyncset.done $0x0  }
0x56: {  	s21 =	smul.u32 $0x7D0, s11;
	s12 =	sadd.s32 s7, s12;
	[sflag:s23] =	ssyncadd.s32 $0xFFFFF380  }
0x57: {  	[tilespmem:s24], [sflag:$0x5] =	stream.linear.gather [hbm4b:s12+s10], $0xC80, $0x38;
	[tilespmem:$0x1F880] =	vst v63  }
0x58: {  	_ =	swait.ge [sflag:s23], $0xC80  }
0x59: {  	s12 =	sadd.s32 s17, s21;
	[sflag:s23] =	ssyncset.done $0x0  }
0x5a: {  	s12 =	sshll.u32 s12, $0x4;
	[sflag:s23] =	ssyncadd.s32 $0xFFFFF380  }
0x5b: {  	[tilespmem:s22], [sflag:$0x1] =	stream.indirect.gather [hbm4b:s1+s25], $0x80, s10, s25, $0xb8;
	[tilespmem:$0x1F880] =	vst v63  }
0x5c: {  	s12 =	sadd.s32 s5, s12  }
0x5d: {  	[tilespmem:s26], [sflag:$0x3] =	stream.linear.gather [hbm4b:s12+s10], $0x2800, $0x38;
	[tilespmem:$0x1F880] =	vst v63  }
0x5e: {  	s13 =	simm.s32 $0x0;
	s12 =	smul.u32 $0x19, s11  }
.LBB2_5:
0x5f: {  	s14 =	sshllo.u32 s13, $0x1  }
0x60: {  	s15 =	sadd.s32 s12, s14  }
0x61: {  	s14 =	sshll.u32 s14, $0x7;
	s15 =	smul.u32 $0x50, s15  }
0x62: {  	[tilespmem:s28], [sflag:$0x2] =	stream.indirect.gather [hbm4b:s1+s25], $0x80, s14, s25, $0xb8;
	[tilespmem:$0x1F880] =	vst v63  }
0x63: {  	s15 =	sadd.s32 s17, s15  }
0x64: {  	s15 =	sshll.u32 s15, $0x4  }
0x65: {  	s19 =	simm.s32 $0x0;
	s15 =	sadd.s32 s5, s15  }
0x66: {  	[tilespmem:s29], [sflag:$0x4] =	stream.linear.gather [hbm4b:s15+s19], $0x2800, $0x38;
	[tilespmem:$0x1F880] =	vst v63  }
0x67: {  	_ =	swait.ge [sflag:s30], $0x2800  }
0x68: {  	[sflag:s30] =	ssyncset.done $0x0  }
0x69: {  	[sflag:s30] =	ssyncadd.s32 $0xFFFFD800  }
0x6a: {  	_ =	swait.ge [sflag:s31], $0x2800  }
0x6b: {  	[sflag:s31] =	ssyncset.done $0x0  }
0x6c: {  	s15 =	simm.s32 $0x0;
	[sflag:s31] =	ssyncadd.s32 $0xFFFFD800  }
0x6d: {  	v7 =	vld [tilespmem:s15+$0x7000]  }
0x6e: {  	v12 =	vld [tilespmem:s15+$0x7010]  }
0x6f: {  	v6 =	vld [tilespmem:s15+$0x7020]  }
0x70: {  	v5 =	vld [tilespmem:s15+$0x7030]  }
0x71: {  	v4 =	vld [tilespmem:s15+$0x7040]  }
0x72: {  	v3 =	vld [tilespmem:s15+$0x7050]  }
0x73: {  	v2 =	vld [tilespmem:s15+$0x7060]  }
0x74: {  	v1 =	vld [tilespmem:s15+$0x7070]  }
0x75: {  	v13 =	vld [tilespmem:s15+$0x2000]  }
0x76: {  	v14 =	vld [tilespmem:s15+$0x2010]  }
0x77: {  	v11 =	vld [tilespmem:s15+$0x2020]  }
0x78: {  	v10 =	vld [tilespmem:s15+$0x2030]  }
0x79: {  	v9 =	vld [tilespmem:s15+$0x2040]  }
0x7a: {  	v8 =	vld [tilespmem:s15+$0x2050];
	v13 =	vadd.f32 v7, v13  }
0x7b: {  	s20 =	simm.s32 $0x200;
	s19 =	sshll.u32 s13, $0x1;
	v12 =	vadd.f32 v12, v14;
	v7 =	vld [tilespmem:s15+$0x2060]  }
.LBB2_6:
0x7c: {  	s21 =	sshra.s32 s20, $0x2;
	p1 =	sne.s32 s20, $0x9E00;
	v13 =	vmax.f32 v13, $0.0e+00;
	v6 =	vadd.f32 v6, v11;
	v11 =	vld [tilespmem:s15+$0x2070]  }
0x7d: {  	v14 =	vld [tilespmem:s21+$0x7000];
	[tilespmem:s15+$0x2000] =	vst v13;
	v12 =	vmax.f32 v12, $0.0e+00;
	v5 =	vadd.f32 v5, v10  }
0x7e: {  	v15 =	vld [tilespmem:s21+$0x7010];
	[tilespmem:s15+$0x2010] =	vst v12;
	v10 =	vmax.f32 v6, $0.0e+00;
	v4 =	vadd.f32 v4, v9  }
0x7f: {  	v6 =	vld [tilespmem:s21+$0x7020];
	[tilespmem:s15+$0x2020] =	vst v10;
	v9 =	vmax.f32 v5, $0.0e+00;
	v3 =	vadd.f32 v3, v8  }
0x80: {  	v5 =	vld [tilespmem:s21+$0x7030];
	[tilespmem:s15+$0x2030] =	vst v9;
	v8 =	vmax.f32 v4, $0.0e+00;
	v2 =	vadd.f32 v2, v7  }
0x81: {  	v4 =	vld [tilespmem:s21+$0x7040];
	[tilespmem:s15+$0x2040] =	vst v8;
	v7 =	vmax.f32 v3, $0.0e+00;
	v1 =	vadd.f32 v1, v11  }
0x82: {  	v3 =	vld [tilespmem:s21+$0x7050];
	[tilespmem:s15+$0x2050] =	vst v7;
	v7 =	vmax.f32 v2, $0.0e+00  }
0x83: {  	v2 =	vld [tilespmem:s21+$0x7060];
	[tilespmem:s15+$0x2060] =	vst v7;
	v7 =	vmax.f32 v1, $0.0e+00  }
0x84: {  	v1 =	vld [tilespmem:s21+$0x7070];
	[tilespmem:s15+$0x2070] =	vst v7;
	s15 =	smov.u32 s21  }
0x85: {  	v7 =	vld [tilespmem:s15+$0x2000]  }
0x86: {  	v12 =	vld [tilespmem:s15+$0x2010]  }
.Ltmp1:
0x87: {  	v11 =	vld [tilespmem:s15+$0x2020];
	(pc) =	sbr.rel @p1 .LBB2_6-.Ltmp1, $4  }
0x88: {  	v10 =	vld [tilespmem:s15+$0x2030]  }
0x89: {  	v9 =	vld [tilespmem:s15+$0x2040]  }
0x8a: {  	v13 =	vadd.f32 v14, v7;
	v8 =	vld [tilespmem:s15+$0x2050]  }
0x8b: {  	s20 =	sadd.s32 $0x200, s20;
	v12 =	vadd.f32 v15, v12;
	v7 =	vld [tilespmem:s15+$0x2060]  }
0x8c: {  	v13 =	vmax.f32 v13, $0.0e+00;
	v6 =	vadd.f32 v6, v11;
	v11 =	vld [tilespmem:s15+$0x2070]  }
0x8d: {  	[tilespmem:s15+$0x2000] =	vst v13;
	v12 =	vmax.f32 v12, $0.0e+00;
	v5 =	vadd.f32 v5, v10  }
0x8e: {  	[tilespmem:s15+$0x2010] =	vst v12;
	v6 =	vmax.f32 v6, $0.0e+00;
	v4 =	vadd.f32 v4, v9  }
0x8f: {  	[tilespmem:s15+$0x2020] =	vst v6;
	v5 =	vmax.f32 v5, $0.0e+00;
	v3 =	vadd.f32 v3, v8  }
0x90: {  	[tilespmem:s15+$0x2030] =	vst v5;
	v4 =	vmax.f32 v4, $0.0e+00;
	v2 =	vadd.f32 v2, v7  }
0x91: {  	s20 =	sshll.u32 s13, $0x8;
	[tilespmem:s15+$0x2040] =	vst v4;
	v3 =	vmax.f32 v3, $0.0e+00;
	v1 =	vadd.f32 v1, v11  }
0x92: {  	s20 =	sand.u32 $0x3FFFFF00, s20;
	[tilespmem:s15+$0x2050] =	vst v3;
	v2 =	vmax.f32 v2, $0.0e+00  }
0x93: {  	s21 =	sadd.s32 $0x1000, s20;
	s20 =	sadd.s32 $0x2, s19;
	[tilespmem:s15+$0x2060] =	vst v2;
	v1 =	vmax.f32 v1, $0.0e+00  }
0x94: {  	[tilespmem:s15+$0x2070] =	vst v1;
	s15 =	sadd.s32 s12, s20  }
0x95: {  	[spmem:s2] =	stream.indirect.scatter.add.f32 [tilespmem:s22], [sflag:$0x5], $0x80, s21, s25, $0xb8;
	[tilespmem:$0x1F880] =	vst v63  }
0x96: {  	s15 =	smul.u32 $0x50, s15  }
0x97: {  	_ =	swait.ge [sflag:s23], $0x2800  }
0x98: {  	s19 =	sshll.u32 s20, $0x7;
	[sflag:s23] =	ssyncset.done $0x0;
	s15 =	sadd.s32 s17, s15  }
0x99: {  	s19 =	sand.u32 $0x3FFFFF80, s19;
	[sflag:s23] =	ssyncadd.s32 $0xFFFFD800;
	s15 =	sshll.u32 s15, $0x4  }
0x9a: {  	[tilespmem:s22], [sflag:$0x1] =	stream.indirect.gather [hbm4b:s1+s25], $0x80, s19, s25, $0xb8;
	[tilespmem:$0x1F880] =	vst v63  }
0x9b: {  	s21 =	simm.s32 $0x0;
	s15 =	sadd.s32 s5, s15  }
0x9c: {  	[tilespmem:s26], [sflag:$0x3] =	stream.linear.gather [hbm4b:s15+s21], $0x2800, $0x38;
	[tilespmem:$0x1F880] =	vst v63  }
0x9d: {  	_ =	swait.ge [sflag:s0], $0x2800  }
0x9e: {  	[sflag:s0] =	ssyncset.done $0x0  }
0x9f: {  	[sflag:s0] =	ssyncadd.s32 $0xFFFFD800  }
0xa0: {  	_ =	swait.ge [sflag:s3], $0x2800  }
0xa1: {  	[sflag:s3] =	ssyncset.done $0x0  }
0xa2: {  	s15 =	simm.s32 $0x0;
	[sflag:s3] =	ssyncadd.s32 $0xFFFFD800  }
0xa3: {  	v7 =	vld [tilespmem:s15+$0x9800]  }
0xa4: {  	v12 =	vld [tilespmem:s15+$0x9810]  }
0xa5: {  	v6 =	vld [tilespmem:s15+$0x9820]  }
0xa6: {  	v5 =	vld [tilespmem:s15+$0x9830]  }
0xa7: {  	v4 =	vld [tilespmem:s15+$0x9840]  }
0xa8: {  	v3 =	vld [tilespmem:s15+$0x9850]  }
0xa9: {  	v2 =	vld [tilespmem:s15+$0x9860]  }
0xaa: {  	v1 =	vld [tilespmem:s15+$0x9870]  }
0xab: {  	v13 =	vld [tilespmem:s15+$0x4800]  }
0xac: {  	v14 =	vld [tilespmem:s15+$0x4810]  }
0xad: {  	v11 =	vld [tilespmem:s15+$0x4820]  }
0xae: {  	v10 =	vld [tilespmem:s15+$0x4830]  }
0xaf: {  	v9 =	vld [tilespmem:s15+$0x4840]  }
0xb0: {  	v8 =	vld [tilespmem:s15+$0x4850];
	v13 =	vadd.f32 v7, v13  }
0xb1: {  	s19 =	simm.s32 $0x200;
	v12 =	vadd.f32 v12, v14;
	v7 =	vld [tilespmem:s15+$0x4860]  }
.LBB2_8:
0xb2: {  	s20 =	sshra.s32 s19, $0x2;
	p1 =	sne.s32 s19, $0x9E00;
	v13 =	vmax.f32 v13, $0.0e+00;
	v6 =	vadd.f32 v6, v11;
	v11 =	vld [tilespmem:s15+$0x4870]  }
0xb3: {  	v14 =	vld [tilespmem:s20+$0x9800];
	[tilespmem:s15+$0x4800] =	vst v13;
	v12 =	vmax.f32 v12, $0.0e+00;
	v5 =	vadd.f32 v5, v10  }
0xb4: {  	v15 =	vld [tilespmem:s20+$0x9810];
	[tilespmem:s15+$0x4810] =	vst v12;
	v10 =	vmax.f32 v6, $0.0e+00;
	v4 =	vadd.f32 v4, v9  }
0xb5: {  	v6 =	vld [tilespmem:s20+$0x9820];
	[tilespmem:s15+$0x4820] =	vst v10;
	v9 =	vmax.f32 v5, $0.0e+00;
	v3 =	vadd.f32 v3, v8  }
0xb6: {  	v5 =	vld [tilespmem:s20+$0x9830];
	[tilespmem:s15+$0x4830] =	vst v9;
	v8 =	vmax.f32 v4, $0.0e+00;
	v2 =	vadd.f32 v2, v7  }
0xb7: {  	v4 =	vld [tilespmem:s20+$0x9840];
	[tilespmem:s15+$0x4840] =	vst v8;
	v7 =	vmax.f32 v3, $0.0e+00;
	v1 =	vadd.f32 v1, v11  }
0xb8: {  	v3 =	vld [tilespmem:s20+$0x9850];
	[tilespmem:s15+$0x4850] =	vst v7;
	v7 =	vmax.f32 v2, $0.0e+00  }
0xb9: {  	v2 =	vld [tilespmem:s20+$0x9860];
	[tilespmem:s15+$0x4860] =	vst v7;
	v7 =	vmax.f32 v1, $0.0e+00  }
0xba: {  	v1 =	vld [tilespmem:s20+$0x9870];
	[tilespmem:s15+$0x4870] =	vst v7;
	s15 =	smov.u32 s20  }
0xbb: {  	v7 =	vld [tilespmem:s15+$0x4800]  }
0xbc: {  	v12 =	vld [tilespmem:s15+$0x4810]  }
.Ltmp2:
0xbd: {  	v11 =	vld [tilespmem:s15+$0x4820];
	(pc) =	sbr.rel @p1 .LBB2_8-.Ltmp2, $4  }
0xbe: {  	v10 =	vld [tilespmem:s15+$0x4830]  }
0xbf: {  	v9 =	vld [tilespmem:s15+$0x4840]  }
0xc0: {  	v13 =	vadd.f32 v14, v7;
	v8 =	vld [tilespmem:s15+$0x4850]  }
0xc1: {  	s19 =	sadd.s32 $0x200, s19;
	v12 =	vadd.f32 v15, v12;
	v7 =	vld [tilespmem:s15+$0x4860]  }
0xc2: {  	v13 =	vmax.f32 v13, $0.0e+00;
	v6 =	vadd.f32 v6, v11;
	v63 =	vld [tilespmem:s15+$0x4870]  }
0xc3: {  	[tilespmem:s15+$0x4800] =	vst v13;
	v12 =	vmax.f32 v12, $0.0e+00;
	v5 =	vadd.f32 v5, v10  }
0xc4: {  	[tilespmem:s15+$0x4810] =	vst v12;
	v6 =	vmax.f32 v6, $0.0e+00;
	v4 =	vadd.f32 v4, v9  }
0xc5: {  	[tilespmem:s15+$0x4820] =	vst v6;
	v5 =	vmax.f32 v5, $0.0e+00;
	v3 =	vadd.f32 v3, v8  }
0xc6: {  	[tilespmem:s15+$0x4830] =	vst v5;
	v4 =	vmax.f32 v4, $0.0e+00;
	v2 =	vadd.f32 v2, v7  }
0xc7: {  	[tilespmem:s15+$0x4840] =	vst v4;
	v3 =	vmax.f32 v3, $0.0e+00;
	v1 =	vadd.f32 v1, v63  }
0xc8: {  	s13 =	sadd.s32 $0x1, s13;
	[tilespmem:s15+$0x4850] =	vst v3;
	v2 =	vmax.f32 v2, $0.0e+00  }
0xc9: {  	p1 =	sne.s32 s13, $0xC;
	[tilespmem:s15+$0x4860] =	vst v2;
	v1 =	vmax.f32 v1, $0.0e+00  }
.Ltmp3:
0xca: {  	s14 =	sadd.s32 $0x1000, s14;
	[tilespmem:s15+$0x4870] =	vst v1;
	(pc) =	sbr.rel @p1 .LBB2_5-.Ltmp3, $4  }
0xcb: {  	[spmem:s2] =	stream.indirect.scatter.add.f32 [tilespmem:s28], [sflag:$0x5], $0x80, s14, s25, $0xb8;
	[tilespmem:$0x1F880] =	vst v63  }
0xcc: {  	_ =	swait.ge [sflag:s23], $0x2800  }
0xcd: {  	[sflag:s23] =	ssyncset.done $0x0  }
0xce: {  	[sflag:s23] =	ssyncadd.s32 $0xFFFFD800  }
0xcf: {  	_ =	swait.ge [sflag:s30], $0x2800  }
0xd0: {  	[sflag:s30] =	ssyncset.done $0x0  }
0xd1: {  	[sflag:s30] =	ssyncadd.s32 $0xFFFFD800  }
0xd2: {  	_ =	swait.ge [sflag:s31], $0x2800  }
0xd3: {  	[sflag:s31] =	ssyncset.done $0x0  }
0xd4: {  	s12 =	simm.s32 $0x0;
	[sflag:s31] =	ssyncadd.s32 $0xFFFFD800  }
0xd5: {  	v7 =	vld [tilespmem:s12+$0x7000]  }
0xd6: {  	v12 =	vld [tilespmem:s12+$0x7010]  }
0xd7: {  	v6 =	vld [tilespmem:s12+$0x7020]  }
0xd8: {  	v5 =	vld [tilespmem:s12+$0x7030]  }
0xd9: {  	v4 =	vld [tilespmem:s12+$0x7040]  }
0xda: {  	v3 =	vld [tilespmem:s12+$0x7050]  }
0xdb: {  	v2 =	vld [tilespmem:s12+$0x7060]  }
0xdc: {  	v1 =	vld [tilespmem:s12+$0x7070]  }
0xdd: {  	v13 =	vld [tilespmem:s12+$0x2000]  }
0xde: {  	v14 =	vld [tilespmem:s12+$0x2010]  }
0xdf: {  	v11 =	vld [tilespmem:s12+$0x2020]  }
0xe0: {  	v10 =	vld [tilespmem:s12+$0x2030]  }
0xe1: {  	v9 =	vld [tilespmem:s12+$0x2040]  }
0xe2: {  	v8 =	vld [tilespmem:s12+$0x2050];
	v13 =	vadd.f32 v7, v13  }
0xe3: {  	s13 =	simm.s32 $0x200;
	v12 =	vadd.f32 v12, v14;
	v7 =	vld [tilespmem:s12+$0x2060]  }
.LBB2_11:
0xe4: {  	s14 =	sshra.s32 s13, $0x2;
	p1 =	sne.s32 s13, $0x9E00;
	v13 =	vmax.f32 v13, $0.0e+00;
	v6 =	vadd.f32 v6, v11;
	v11 =	vld [tilespmem:s12+$0x2070]  }
0xe5: {  	v14 =	vld [tilespmem:s14+$0x7000];
	[tilespmem:s12+$0x2000] =	vst v13;
	v12 =	vmax.f32 v12, $0.0e+00;
	v5 =	vadd.f32 v5, v10  }
0xe6: {  	v15 =	vld [tilespmem:s14+$0x7010];
	[tilespmem:s12+$0x2010] =	vst v12;
	v10 =	vmax.f32 v6, $0.0e+00;
	v4 =	vadd.f32 v4, v9  }
0xe7: {  	v6 =	vld [tilespmem:s14+$0x7020];
	[tilespmem:s12+$0x2020] =	vst v10;
	v9 =	vmax.f32 v5, $0.0e+00;
	v3 =	vadd.f32 v3, v8  }
0xe8: {  	v5 =	vld [tilespmem:s14+$0x7030];
	[tilespmem:s12+$0x2030] =	vst v9;
	v8 =	vmax.f32 v4, $0.0e+00;
	v2 =	vadd.f32 v2, v7  }
0xe9: {  	v4 =	vld [tilespmem:s14+$0x7040];
	[tilespmem:s12+$0x2040] =	vst v8;
	v7 =	vmax.f32 v3, $0.0e+00;
	v1 =	vadd.f32 v1, v11  }
0xea: {  	v3 =	vld [tilespmem:s14+$0x7050];
	[tilespmem:s12+$0x2050] =	vst v7;
	v7 =	vmax.f32 v2, $0.0e+00  }
0xeb: {  	v2 =	vld [tilespmem:s14+$0x7060];
	[tilespmem:s12+$0x2060] =	vst v7;
	v7 =	vmax.f32 v1, $0.0e+00  }
0xec: {  	v1 =	vld [tilespmem:s14+$0x7070];
	[tilespmem:s12+$0x2070] =	vst v7;
	s12 =	smov.u32 s14  }
0xed: {  	v7 =	vld [tilespmem:s12+$0x2000]  }
0xee: {  	v12 =	vld [tilespmem:s12+$0x2010]  }
.Ltmp4:
0xef: {  	v11 =	vld [tilespmem:s12+$0x2020];
	(pc) =	sbr.rel @p1 .LBB2_11-.Ltmp4, $4  }
0xf0: {  	v10 =	vld [tilespmem:s12+$0x2030]  }
0xf1: {  	v9 =	vld [tilespmem:s12+$0x2040]  }
0xf2: {  	v13 =	vadd.f32 v14, v7;
	v8 =	vld [tilespmem:s12+$0x2050]  }
0xf3: {  	s13 =	sadd.s32 $0x200, s13;
	v12 =	vadd.f32 v15, v12;
	v7 =	vld [tilespmem:s12+$0x2060]  }
0xf4: {  	v13 =	vmax.f32 v13, $0.0e+00;
	v6 =	vadd.f32 v6, v11;
	v63 =	vld [tilespmem:s12+$0x2070]  }
0xf5: {  	[tilespmem:s12+$0x2000] =	vst v13;
	v12 =	vmax.f32 v12, $0.0e+00;
	v5 =	vadd.f32 v5, v10  }
0xf6: {  	[tilespmem:s12+$0x2010] =	vst v12;
	v6 =	vmax.f32 v6, $0.0e+00;
	v4 =	vadd.f32 v4, v9  }
0xf7: {  	[tilespmem:s12+$0x2020] =	vst v6;
	v5 =	vmax.f32 v5, $0.0e+00;
	v3 =	vadd.f32 v3, v8  }
0xf8: {  	[tilespmem:s12+$0x2030] =	vst v5;
	v4 =	vmax.f32 v4, $0.0e+00;
	v2 =	vadd.f32 v2, v7  }
0xf9: {  	[tilespmem:s12+$0x2040] =	vst v4;
	v3 =	vmax.f32 v3, $0.0e+00;
	v1 =	vadd.f32 v1, v63  }
0xfa: {  	s11 =	sadd.s32 $0x1, s11;
	[tilespmem:s12+$0x2050] =	vst v3;
	v2 =	vmax.f32 v2, $0.0e+00  }
0xfb: {  	p1 =	sne.s32 s11, $0x5;
	[tilespmem:s12+$0x2060] =	vst v2;
	v1 =	vmax.f32 v1, $0.0e+00  }
.Ltmp5:
0xfc: {  	[tilespmem:s12+$0x2070] =	vst v1;
	(pc) =	sbr.rel @p1 .LBB2_4-.Ltmp5, $4  }
0xfd: {  	[spmem:s2] =	stream.indirect.scatter.add.f32 [tilespmem:s22], [sflag:$0x5], $0x80, s9, s25, $0xb8;
	[tilespmem:$0x1F880] =	vst v63  }
0xfe: {  	_ =	swait.ge [sflag:s23], $0x2800  }
0xff: {  	[sflag:s23] =	ssyncset.done $0x0  }
0x100: {  	[sflag:s23] =	ssyncadd.s32 $0xFFFFD800  }
0x101: {  	s10 =	stileid.u32  }
0x102: {  	[bflag:$0x0] =	sbarrier.arrive $0xFFFF;
	s10 =	sshll.u32 s10, $0x6  }
0x103: {  	s11 =	sshrl.u32 s8, $0x3;
	s12 =	rddreg [dreg:$0xb];
	s10 =	sor.u32 $0x1C05, s10  }
0x104: {  	[hbm:s12], [sflag:s10] =	dma.local [spmem:s11], $0x2700  }
0x105: {  	_ =	swait.ge [sflag:s23], $0x2700  }
0x106: {  	[sflag:s23] =	ssyncset.done $0x0  }
0x107: {  	s11 =	sshrl.u32 @!p0 s16, $0x3;
	s12 =	rddreg [dreg:$0xc];
	[sflag:s23] =	ssyncadd.s32 $0xFFFFD900  }
0x108: {  	[hbm:s12], [sflag:s10] =	dma.local @!p0 [spmem:s11], $0x100  }
0x109: {  	s10 =	simm.s32 @!p0 $0x5  }
0x10a: {  	_ =	swait.ge @!p0 [sflag:s10], $0x100  }
0x10b: {  	s4 =	sadd.s32 $0x1, s4;
	s21 =	rddreg [dreg:$0xd]  }
0x10c: {  	p1 =	sne.s32 s4, s21  }
.Ltmp6:
0x10d: {  	_ = 	snop;
	(pc) =	sbr.rel @p1 .LBB2_1-.Ltmp6, $3  }
0x10e: {  	_ =	sdelay $0x1  }
0x10f: {  	[sflag:s10] =	ssyncset.done @!p0 $0x0  }
0x110: {  	[sflag:s10] =	ssyncadd.s32 @!p0 $0xFFFFFF00  }
0x111: {  	_ =	sfence.sel $0x180000  }
0x112: {  	[bflag:$0x0] =	sbarrier.arrive $0xFFFF  }
0x113: {  	_ =	strace $0x90000047  }
0x114: {  	s0 =	stileid.u32;
	[bflag:$0x2] =	sbarrier.arrive $0xFFFF  }
0x115: {  	p0 =	sne.s32 s0, $0x0;
	s0 =	rddreg [dreg:$0x3]  }
0x116: {  	s0 =	sadd.s32 @!p0 $0x100000, s0  }
0x117: {  	[sflag:s0] =	ssyncadd.tile.s32 @!p0 $0x1;
	_ =	shalt  }
.Lfunc_end2:
_tile_overlayer_lowered:
.L_overlay_start_2:
0x118: {  	(tag) =	ssettag $0x2  }
0x119: {  	s0 =	rddreg [dreg:$0x0];
	s2 =	stileid.u32  }
0x11a: {  	s1 =	rddreg [dreg:$0x1];
	p0 =	sne.s32 s2, $0x0  }
0x11b: {  	s3 =	rddreg [dreg:$0x2];
	[bflag:$0x3] =	sbarrier.arrive $0xFFFF;
	s2 =	simm.s32 @!p0 $0x1C05  }
0x11c: {  	[timem:s3], [sflag:s2] =	dma.local @!p0 [hbm:s0], s1  }
0x11d: {  	s0 =	simm.s32 @!p0 $0x5  }
0x11e: {  	_ =	swait.ge @!p0 [sflag:s0], s1  }
0x11f: {  	s1 =	ssub.s32 @!p0 $0x0, s1;
	[sflag:s0] =	ssyncset.done @!p0 $0x0  }
0x120: {  	[sflag:s0] =	ssyncadd.s32 @!p0 s1  }
0x121: {  	[bflag:$0x3] =	sbarrier.arrive $0xFFFF  }
0x122: {  	_ =	shalt  }

</sc_bundles>
